<compile_context>
chip_gen: v7x
topology: tpu7x:2x2x1
jax: 0.10.2.dev20260603
libtpu: 0.0.44.dev20260713+nightly
codegen_flags: <defaults>
</compile_context>

<pallas_src>
import jax
import jax.numpy as jnp
from jax import lax
from jax.experimental import pallas as pl
from jax.experimental.pallas import tpu as pltpu
from jax.experimental.pallas import tpu_sc as plsc

BATCH = 4096
SEQ = 500
EMB = 64
VOCAB = 1000

SEQ_PAD = 512
EROW = 128
NW = 32
HALF = BATCH // 4
B_PER_W = HALF // NW
GROUP = 32
N_CHUNK = SEQ_PAD // 128


def _sc_body(data_hbm, e_hbm, x_hbm, espm, dbuf, xb0, xb1,
             semE, sg0, sg1, sw0, sw1):
    xbufs = (xb0, xb1)
    gsems = (sg0, sg1)
    wsems = (sw0, sw1)
    wid = lax.axis_index("s") * 2 + lax.axis_index("c")
    base = wid * B_PER_W

    @pl.when(lax.axis_index("s") == 0)
    def _():
        pltpu.async_copy(e_hbm, espm, semE).wait()

    plsc.subcore_barrier()

    def xsrc(c):
        return xbufs[c % 2]

    def xdst(b, c):
        return x_hbm.at[base + b, pl.ds(c * 128, 128)]

    def do_row(b, r, first):
        for c in range(N_CHUNK):
            if not (first and c < 2):
                pltpu.make_async_copy(xsrc(c), xdst(b, c),
                                      wsems[c % 2]).wait()
            pltpu.async_copy(espm.at[dbuf.at[r, c]], xbufs[c % 2],
                             gsems[c % 2]).wait()
            pltpu.async_copy(xsrc(c), xdst(b, c), wsems[c % 2])

    for g in range(B_PER_W // GROUP):
        pltpu.sync_copy(data_hbm.at[pl.ds(base + g * GROUP, GROUP)], dbuf)
        if g == 0:
            do_row(0, 0, first=True)
            lax.fori_loop(
                1, GROUP, lambda r, _: (do_row(r, r, False), 0)[1], 0)
        else:
            lax.fori_loop(
                0, GROUP,
                lambda r, _, gg=g: (do_row(gg * GROUP + r, r, False), 0)[1],
                0)
    pltpu.make_async_copy(xsrc(0), xdst(0, 0), wsems[0]).wait()
    pltpu.make_async_copy(xsrc(1), xdst(0, 1), wsems[1]).wait()


def _sc_gather(data_p, E_pad):
    mesh = plsc.VectorSubcoreMesh(core_axis_name="c", subcore_axis_name="s")
    f = pl.kernel(
        _sc_body,
        mesh=mesh,
        out_type=jax.ShapeDtypeStruct((HALF, SEQ_PAD, EROW), jnp.float32),
        scratch_types=[
            pltpu.VMEM_SHARED((VOCAB, EROW), jnp.float32),
            pltpu.VMEM((GROUP, N_CHUNK, 128), jnp.int32),
            pltpu.VMEM((128, EROW), jnp.float32),
            pltpu.VMEM((128, EROW), jnp.float32),
            pltpu.SemaphoreType.DMA,
            pltpu.SemaphoreType.DMA,
            pltpu.SemaphoreType.DMA,
            pltpu.SemaphoreType.DMA,
            pltpu.SemaphoreType.DMA,
        ],
    )
    return f(data_p, E_pad)


B_TILE = 512
S_CHUNK = 32


def _mlp_body(x_ref, w1_ref, b1_ref, w2_ref, b2_ref, w3_ref, b3_ref,
              mu_ref, sc_ref, acc_ref):
    k = pl.program_id(1)
    nk = pl.num_programs(1)

    @pl.when(k == 0)
    def _():
        acc_ref[...] = jnp.zeros_like(acc_ref)

    xb = x_ref[...].reshape(B_TILE, S_CHUNK * EROW)
    wb = w1_ref[...].reshape(S_CHUNK * EROW, 128)
    acc_ref[...] += jnp.dot(xb, wb, preferred_element_type=jnp.float32)

    @pl.when(k == nk - 1)
    def _():
        h1 = jnp.maximum(acc_ref[...] + b1_ref[...], 0.0)
        h2 = jnp.maximum(
            jnp.dot(h1, w2_ref[...], preferred_element_type=jnp.float32)
            + b2_ref[...], 0.0)
        out = jnp.dot(h2, w3_ref[...],
                      preferred_element_type=jnp.float32) + b3_ref[...]
        mu_ref[...] = out[:, :2]
        sc_ref[...] = jnp.logaddexp(out[:, 2:] - 5.0, 0.0)


def _mlp(x, W1p, b1, W2, b2, W3, b3):
    nb = HALF // B_TILE
    nk = SEQ_PAD // S_CHUNK
    mu, scale = pl.pallas_call(
        _mlp_body,
        grid=(nb, nk),
        in_specs=[
            pl.BlockSpec((B_TILE, S_CHUNK, EROW), lambda b, k: (b, k, 0)),
            pl.BlockSpec((S_CHUNK, EROW, 128), lambda b, k: (k, 0, 0)),
            pl.BlockSpec((128,), lambda b, k: (0,)),
            pl.BlockSpec((128, 64), lambda b, k: (0, 0)),
            pl.BlockSpec((64,), lambda b, k: (0,)),
            pl.BlockSpec((64, 4), lambda b, k: (0, 0)),
            pl.BlockSpec((4,), lambda b, k: (0,)),
        ],
        out_specs=[
            pl.BlockSpec((B_TILE, 2), lambda b, k: (b, 0)),
            pl.BlockSpec((B_TILE, 2), lambda b, k: (b, 0)),
        ],
        out_shape=[
            jax.ShapeDtypeStruct((HALF, 2), jnp.float32),
            jax.ShapeDtypeStruct((HALF, 2), jnp.float32),
        ],
        scratch_shapes=[pltpu.VMEM((B_TILE, 128), jnp.float32)],
    )(x, W1p, b1, W2, b2, W3, b3)
    return mu, scale


def kernel(data, E, W1, b1, W2, b2, W3, b3):
    data_p = jnp.pad(data, ((0, 0), (0, SEQ_PAD - SEQ)))
    data_p = data_p.reshape(BATCH, N_CHUNK, 128)
    E_pad = jnp.pad(E, ((0, 0), (0, EROW - EMB)))
    W1pp = jnp.pad(W1.reshape(SEQ, EMB, 128),
                   ((0, SEQ_PAD - SEQ), (0, EROW - EMB), (0, 0)))
    xs = [_sc_gather(data_p[i * HALF:(i + 1) * HALF], E_pad)
          for i in range(4)]
    outs = [_mlp(x, W1pp, b1, W2, b2, W3, b3) for x in xs]
    return (jnp.concatenate([o[0] for o in outs]),
            jnp.concatenate([o[1] for o in outs]))

# --- scband reference (transcript-rebuilt; emitter-appended) ---
"""Pipeline reference for scband-encoder-12472585027652 (READ-ONLY COPY).

The authoritative reference and input builder live on the scoring server;
editing this copy changes nothing except your own understanding.
"""

import jax, jax.numpy as jnp
import numpy as np

VOCAB = 1000
EMB = 64
SEQ = 500
BATCH = 4096

def setup_inputs(seed: int = 0) -> dict:
    key = jax.random.key(seed)
    ks = jax.random.split(key, 8)
    data = jax.random.randint(ks[0], (BATCH, SEQ), 0, VOCAB, dtype=jnp.int32)
    E = jax.random.normal(ks[1], (VOCAB, EMB), dtype=jnp.float32) * 0.05
    W1 = jax.random.normal(ks[2], (SEQ * EMB, 128), dtype=jnp.float32) * (1.0 / np.sqrt(SEQ * EMB))
    b1 = jnp.zeros((128,), dtype=jnp.float32)
    W2 = jax.random.normal(ks[3], (128, 64), dtype=jnp.float32) * (1.0 / np.sqrt(128.0))
    b2 = jnp.zeros((64,), dtype=jnp.float32)
    W3 = jax.random.normal(ks[4], (64, 4), dtype=jnp.float32) * (1.0 / np.sqrt(64.0))
    b3 = jnp.zeros((4,), dtype=jnp.float32)
    return {"data": data, "E": E, "W1": W1, "b1": b1, "W2": W2, "b2": b2, "W3": W3, "b3": b3}

def reference(data, E, W1, b1, W2, b2, W3, b3):
    # Embedding lookup (gather) + flatten
    x = jnp.take(E, data, axis=0)            # [B, SEQ, EMB]
    x = x.reshape(x.shape[0], -1)            # [B, SEQ*EMB]
    x = jax.nn.relu(x @ W1 + b1)
    x = jax.nn.relu(x @ W2 + b2)
    out = x @ W3 + b3                        # [B, 4]
    mu = out[:, :2]
    rho = out[:, 2:]
    scale = jax.nn.softplus(rho - 5.0)
    # Normal(loc=mu, scale=softplus(rho-5)) parameters
    return mu, scale

if __name__ == "__main__":
    import jax
    _d = setup_inputs()
    print(jax.jit(kernel)(*tuple(_d.values())))

</pallas_src>

<mosaic_0001>
#map = affine_map<(d0, d1) -> (0, 0, 0)>
#map1 = affine_map<(d0, d1) -> (0, 0)>
module attributes {stable_mosaic.version = 14 : i64} {
  func.func @_sc_body(%arg0: i32, %arg1: i32, %arg2: memref<1024x4x128xi32, #tpu.memory_space<hbm>>, %arg3: memref<1000x128xf32, #tpu.memory_space<hbm>>, %arg4: memref<1024x512x128xf32, #tpu.memory_space<hbm>>, %arg5: memref<1000x128xf32, #tpu.memory_space<vmem_shared>>, %arg6: memref<32x4x128xi32, #tpu.memory_space<vmem>>, %arg7: memref<128x128xf32, #tpu.memory_space<vmem>>, %arg8: memref<128x128xf32, #tpu.memory_space<vmem>>, %arg9: memref<!tpu.dma_semaphore, #tpu.memory_space<semaphore_mem>>, %arg10: memref<!tpu.dma_semaphore, #tpu.memory_space<semaphore_mem>>, %arg11: memref<!tpu.dma_semaphore, #tpu.memory_space<semaphore_mem>>, %arg12: memref<!tpu.dma_semaphore, #tpu.memory_space<semaphore_mem>>, %arg13: memref<!tpu.dma_semaphore, #tpu.memory_space<semaphore_mem>>) attributes {dimension_semantics = [#tpu.dimension_semantics<core_parallel>, #tpu.dimension_semantics<subcore_parallel>], iteration_bounds = array<i64: 2, 16>, scalar_prefetch = 0 : i64, scratch_operands = 9 : i64, tpu.core_type = #tpu.core_type<sc_vector_subcore>, window_params = [{transform_indices = #map}, {transform_indices = #map1}, {transform_indices = #map}]} {
    %mul3A = arith.constant 2 : i32
    %mul3A_0 = arith.muli %arg1, %mul3A : i32
    %add3A = arith.addi %mul3A_0, %arg0 : i32
    %mul3A_1 = arith.constant 32 : i32
    %mul3A_2 = arith.muli %add3A, %mul3A_1 : i32
    %eq3A = arith.constant 0 : i32
    %eq3A_3 = arith.cmpi eq, %arg1, %eq3A : i32
    %convert_element_type3A = arith.extui %eq3A_3 : i1 to i32
    %cond3A = arith.constant 0 : i32
    %cond3A_4 = arith.cmpi ne, %convert_element_type3A, %cond3A : i32
    scf.if %cond3A_4 {
      tpu.enqueue_dma source(%arg3 : memref<1000x128xf32, #tpu.memory_space<hbm>>) target(%arg5 : memref<1000x128xf32, #tpu.memory_space<vmem_shared>>) target_semaphore(%arg9 : memref<!tpu.dma_semaphore, #tpu.memory_space<semaphore_mem>>)
      tpu.wait_dma2 semaphore(%arg9 : memref<!tpu.dma_semaphore, #tpu.memory_space<semaphore_mem>>) src(%arg3 : memref<1000x128xf32, #tpu.memory_space<hbm>>) dst(%arg5 : memref<1000x128xf32, #tpu.memory_space<vmem_shared>>)
    } else {
    }
    %barrier3A = arith.constant 0 : index
    tpu.barrier barrier_id(%barrier3A)
    %add3A_5 = arith.constant 0 : i32
    %add3A_6 = arith.addi %mul3A_2, %add3A_5 : i32
    "tpu.region"() ({
      %run_scoped3A = tpu.sem_alloc : memref<!tpu.dma_semaphore, #tpu.memory_space<semaphore_mem>>
      %dma_start3A_155 = arith.constant 0 : i32
      %dma_start3A_156 = arith.constant 0 : i32
      %dma_start3A_157 = tpu.memref_slice %arg2[%add3A_6, %dma_start3A_155, %dma_start3A_156] : memref<1024x4x128xi32, #tpu.memory_space<hbm>> -> memref<32x4x128xi32, #tpu.memory_space<hbm>>
      %dma_start3A_158 = arith.constant 0 : i32
      %dma_start3A_159 = arith.constant 0 : i32
      %dma_start3A_160 = tpu.memref_slice %arg2[%add3A_6, %dma_start3A_158, %dma_start3A_159] : memref<1024x4x128xi32, #tpu.memory_space<hbm>> -> memref<32x4x128xi32, #tpu.memory_space<hbm>>
      tpu.enqueue_dma source(%dma_start3A_160 : memref<32x4x128xi32, #tpu.memory_space<hbm>>) target(%arg6 : memref<32x4x128xi32, #tpu.memory_space<vmem>>) target_semaphore(%run_scoped3A : memref<!tpu.dma_semaphore, #tpu.memory_space<semaphore_mem>>)
      %dma_wait3A_161 = arith.constant 0 : i32
      %dma_wait3A_162 = arith.constant 0 : i32
      %dma_wait3A_163 = tpu.memref_slice %arg2[%add3A_6, %dma_wait3A_161, %dma_wait3A_162] : memref<1024x4x128xi32, #tpu.memory_space<hbm>> -> memref<32x4x128xi32, #tpu.memory_space<hbm>>
      %dma_wait3A_164 = arith.constant 0 : i32
      %dma_wait3A_165 = arith.constant 0 : i32
      %dma_wait3A_166 = tpu.memref_slice %arg2[%add3A_6, %dma_wait3A_164, %dma_wait3A_165] : memref<1024x4x128xi32, #tpu.memory_space<hbm>> -> memref<32x4x128xi32, #tpu.memory_space<hbm>>
      tpu.wait_dma2 semaphore(%run_scoped3A : memref<!tpu.dma_semaphore, #tpu.memory_space<semaphore_mem>>) src(%dma_wait3A_166 : memref<32x4x128xi32, #tpu.memory_space<hbm>>) dst(%arg6 : memref<32x4x128xi32, #tpu.memory_space<vmem>>)
      tpu.yield
    }) : () -> ()
    %dma_start3A = arith.constant 0 : i32
    %dma_start3A_7 = arith.constant 0 : i32
    %dma_start3A_8 = arith.constant 0 : i32
    %dma_start3A_9 = tpu.memref_slice %arg6[%dma_start3A, %dma_start3A_7, %dma_start3A_8] : memref<32x4x128xi32, #tpu.memory_space<vmem>> -> memref<1x1x128xi32, #tpu.memory_space<vmem>>
    %dma_start3A_10 = tpu.memref_squeeze %dma_start3A_9 : memref<1x1x128xi32, #tpu.memory_space<vmem>> -> memref<128xi32, #tpu.memory_space<vmem>>
    %dma_start3A_11 = arith.constant 0 : i32
    %dma_start3A_12 = arith.constant 0 : i32
    %dma_start3A_13 = tpu.memref_slice %arg5[%dma_start3A_11, %dma_start3A_12] : memref<1000x128xf32, #tpu.memory_space<vmem_shared>> -> memref<1000x128xf32, #tpu.memory_space<vmem_shared>>
    tpu.enqueue_indirect_dma source(%dma_start3A_13 : memref<1000x128xf32, #tpu.memory_space<vmem_shared>>) target(%arg7 : memref<128x128xf32, #tpu.memory_space<vmem>>) offsets(%dma_start3A_10 : memref<128xi32, #tpu.memory_space<vmem>>) semaphore(%arg10 : memref<!tpu.dma_semaphore, #tpu.memory_space<semaphore_mem>>)
    %dma_wait3A = arith.constant 0 : i32
    %dma_wait3A_14 = arith.constant 0 : i32
    %dma_wait3A_15 = arith.constant 0 : i32
    %dma_wait3A_16 = tpu.memref_slice %arg6[%dma_wait3A, %dma_wait3A_14, %dma_wait3A_15] : memref<32x4x128xi32, #tpu.memory_space<vmem>> -> memref<1x1x128xi32, #tpu.memory_space<vmem>>
    %dma_wait3A_17 = tpu.memref_squeeze %dma_wait3A_16 : memref<1x1x128xi32, #tpu.memory_space<vmem>> -> memref<128xi32, #tpu.memory_space<vmem>>
    %dma_wait3A_18 = arith.constant 0 : i32
    %dma_wait3A_19 = arith.constant 0 : i32
    %dma_wait3A_20 = tpu.memref_slice %arg5[%dma_wait3A_18, %dma_wait3A_19] : memref<1000x128xf32, #tpu.memory_space<vmem_shared>> -> memref<1000x128xf32, #tpu.memory_space<vmem_shared>>
    tpu.wait_indirect_dma semaphore(%arg10 : memref<!tpu.dma_semaphore, #tpu.memory_space<semaphore_mem>>) src(%dma_wait3A_20 : memref<1000x128xf32, #tpu.memory_space<vmem_shared>>) dst(%arg7 : memref<128x128xf32, #tpu.memory_space<vmem>>)
    %add3A_21 = arith.constant 0 : i32
    %add3A_22 = arith.addi %mul3A_2, %add3A_21 : i32
    %dma_start3A_23 = arith.constant 0 : i32
    %dma_start3A_24 = arith.constant 0 : i32
    %dma_start3A_25 = tpu.memref_slice %arg4[%add3A_22, %dma_start3A_23, %dma_start3A_24] : memref<1024x512x128xf32, #tpu.memory_space<hbm>> -> memref<1x128x128xf32, #tpu.memory_space<hbm>>
    %dma_start3A_26 = tpu.memref_squeeze %dma_start3A_25 : memref<1x128x128xf32, #tpu.memory_space<hbm>> -> memref<128x128xf32, #tpu.memory_space<hbm>>
    %dma_start3A_27 = arith.constant 0 : i32
    %dma_start3A_28 = arith.constant 0 : i32
    %dma_start3A_29 = tpu.memref_slice %arg4[%add3A_22, %dma_start3A_27, %dma_start3A_28] : memref<1024x512x128xf32, #tpu.memory_space<hbm>> -> memref<1x128x128xf32, #tpu.memory_space<hbm>>
    %dma_start3A_30 = tpu.memref_squeeze %dma_start3A_29 : memref<1x128x128xf32, #tpu.memory_space<hbm>> -> memref<128x128xf32, #tpu.memory_space<hbm>>
    tpu.enqueue_dma source(%arg7 : memref<128x128xf32, #tpu.memory_space<vmem>>) target(%dma_start3A_30 : memref<128x128xf32, #tpu.memory_space<hbm>>) target_semaphore(%arg12 : memref<!tpu.dma_semaphore, #tpu.memory_space<semaphore_mem>>)
    %dma_start3A_31 = arith.constant 0 : i32
    %dma_start3A_32 = arith.constant 1 : i32
    %dma_start3A_33 = arith.constant 0 : i32
    %dma_start3A_34 = tpu.memref_slice %arg6[%dma_start3A_31, %dma_start3A_32, %dma_start3A_33] : memref<32x4x128xi32, #tpu.memory_space<vmem>> -> memref<1x1x128xi32, #tpu.memory_space<vmem>>
    %dma_start3A_35 = tpu.memref_squeeze %dma_start3A_34 : memref<1x1x128xi32, #tpu.memory_space<vmem>> -> memref<128xi32, #tpu.memory_space<vmem>>
    %dma_start3A_36 = arith.constant 0 : i32
    %dma_start3A_37 = arith.constant 0 : i32
    %dma_start3A_38 = tpu.memref_slice %arg5[%dma_start3A_36, %dma_start3A_37] : memref<1000x128xf32, #tpu.memory_space<vmem_shared>> -> memref<1000x128xf32, #tpu.memory_space<vmem_shared>>
    tpu.enqueue_indirect_dma source(%dma_start3A_38 : memref<1000x128xf32, #tpu.memory_space<vmem_shared>>) target(%arg8 : memref<128x128xf32, #tpu.memory_space<vmem>>) offsets(%dma_start3A_35 : memref<128xi32, #tpu.memory_space<vmem>>) semaphore(%arg11 : memref<!tpu.dma_semaphore, #tpu.memory_space<semaphore_mem>>)
    %dma_wait3A_39 = arith.constant 0 : i32
    %dma_wait3A_40 = arith.constant 1 : i32
    %dma_wait3A_41 = arith.constant 0 : i32
    %dma_wait3A_42 = tpu.memref_slice %arg6[%dma_wait3A_39, %dma_wait3A_40, %dma_wait3A_41] : memref<32x4x128xi32, #tpu.memory_space<vmem>> -> memref<1x1x128xi32, #tpu.memory_space<vmem>>
    %dma_wait3A_43 = tpu.memref_squeeze %dma_wait3A_42 : memref<1x1x128xi32, #tpu.memory_space<vmem>> -> memref<128xi32, #tpu.memory_space<vmem>>
    %dma_wait3A_44 = arith.constant 0 : i32
    %dma_wait3A_45 = arith.constant 0 : i32
    %dma_wait3A_46 = tpu.memref_slice %arg5[%dma_wait3A_44, %dma_wait3A_45] : memref<1000x128xf32, #tpu.memory_space<vmem_shared>> -> memref<1000x128xf32, #tpu.memory_space<vmem_shared>>
    tpu.wait_indirect_dma semaphore(%arg11 : memref<!tpu.dma_semaphore, #tpu.memory_space<semaphore_mem>>) src(%dma_wait3A_46 : memref<1000x128xf32, #tpu.memory_space<vmem_shared>>) dst(%arg8 : memref<128x128xf32, #tpu.memory_space<vmem>>)
    %add3A_47 = arith.constant 0 : i32
    %add3A_48 = arith.addi %mul3A_2, %add3A_47 : i32
    %dma_start3A_49 = arith.constant 128 : i32
    %dma_start3A_50 = arith.constant 0 : i32
    %dma_start3A_51 = tpu.memref_slice %arg4[%add3A_48, %dma_start3A_49, %dma_start3A_50] : memref<1024x512x128xf32, #tpu.memory_space<hbm>> -> memref<1x128x128xf32, #tpu.memory_space<hbm>>
    %dma_start3A_52 = tpu.memref_squeeze %dma_start3A_51 : memref<1x128x128xf32, #tpu.memory_space<hbm>> -> memref<128x128xf32, #tpu.memory_space<hbm>>
    %dma_start3A_53 = arith.constant 128 : i32
    %dma_start3A_54 = arith.constant 0 : i32
    %dma_start3A_55 = tpu.memref_slice %arg4[%add3A_48, %dma_start3A_53, %dma_start3A_54] : memref<1024x512x128xf32, #tpu.memory_space<hbm>> -> memref<1x128x128xf32, #tpu.memory_space<hbm>>
    %dma_start3A_56 = tpu.memref_squeeze %dma_start3A_55 : memref<1x128x128xf32, #tpu.memory_space<hbm>> -> memref<128x128xf32, #tpu.memory_space<hbm>>
    tpu.enqueue_dma source(%arg8 : memref<128x128xf32, #tpu.memory_space<vmem>>) target(%dma_start3A_56 : memref<128x128xf32, #tpu.memory_space<hbm>>) target_semaphore(%arg13 : memref<!tpu.dma_semaphore, #tpu.memory_space<semaphore_mem>>)
    %add3A_57 = arith.constant 0 : i32
    %add3A_58 = arith.addi %mul3A_2, %add3A_57 : i32
    %dma_wait3A_59 = arith.constant 256 : i32
    %dma_wait3A_60 = arith.constant 0 : i32
    %dma_wait3A_61 = tpu.memref_slice %arg4[%add3A_58, %dma_wait3A_59, %dma_wait3A_60] : memref<1024x512x128xf32, #tpu.memory_space<hbm>> -> memref<1x128x128xf32, #tpu.memory_space<hbm>>
    %dma_wait3A_62 = tpu.memref_squeeze %dma_wait3A_61 : memref<1x128x128xf32, #tpu.memory_space<hbm>> -> memref<128x128xf32, #tpu.memory_space<hbm>>
    %dma_wait3A_63 = arith.constant 256 : i32
    %dma_wait3A_64 = arith.constant 0 : i32
    %dma_wait3A_65 = tpu.memref_slice %arg4[%add3A_58, %dma_wait3A_63, %dma_wait3A_64] : memref<1024x512x128xf32, #tpu.memory_space<hbm>> -> memref<1x128x128xf32, #tpu.memory_space<hbm>>
    %dma_wait3A_66 = tpu.memref_squeeze %dma_wait3A_65 : memref<1x128x128xf32, #tpu.memory_space<hbm>> -> memref<128x128xf32, #tpu.memory_space<hbm>>
    tpu.wait_dma2 semaphore(%arg12 : memref<!tpu.dma_semaphore, #tpu.memory_space<semaphore_mem>>) src(%arg7 : memref<128x128xf32, #tpu.memory_space<vmem>>) dst(%dma_wait3A_66 : memref<128x128xf32, #tpu.memory_space<hbm>>)
    %dma_start3A_67 = arith.constant 0 : i32
    %dma_start3A_68 = arith.constant 2 : i32
    %dma_start3A_69 = arith.constant 0 : i32
    %dma_start3A_70 = tpu.memref_slice %arg6[%dma_start3A_67, %dma_start3A_68, %dma_start3A_69] : memref<32x4x128xi32, #tpu.memory_space<vmem>> -> memref<1x1x128xi32, #tpu.memory_space<vmem>>
    %dma_start3A_71 = tpu.memref_squeeze %dma_start3A_70 : memref<1x1x128xi32, #tpu.memory_space<vmem>> -> memref<128xi32, #tpu.memory_space<vmem>>
    %dma_start3A_72 = arith.constant 0 : i32
    %dma_start3A_73 = arith.constant 0 : i32
    %dma_start3A_74 = tpu.memref_slice %arg5[%dma_start3A_72, %dma_start3A_73] : memref<1000x128xf32, #tpu.memory_space<vmem_shared>> -> memref<1000x128xf32, #tpu.memory_space<vmem_shared>>
    tpu.enqueue_indirect_dma source(%dma_start3A_74 : memref<1000x128xf32, #tpu.memory_space<vmem_shared>>) target(%arg7 : memref<128x128xf32, #tpu.memory_space<vmem>>) offsets(%dma_start3A_71 : memref<128xi32, #tpu.memory_space<vmem>>) semaphore(%arg10 : memref<!tpu.dma_semaphore, #tpu.memory_space<semaphore_mem>>)
    %dma_wait3A_75 = arith.constant 0 : i32
    %dma_wait3A_76 = arith.constant 2 : i32
    %dma_wait3A_77 = arith.constant 0 : i32
    %dma_wait3A_78 = tpu.memref_slice %arg6[%dma_wait3A_75, %dma_wait3A_76, %dma_wait3A_77] : memref<32x4x128xi32, #tpu.memory_space<vmem>> -> memref<1x1x128xi32, #tpu.memory_space<vmem>>
    %dma_wait3A_79 = tpu.memref_squeeze %dma_wait3A_78 : memref<1x1x128xi32, #tpu.memory_space<vmem>> -> memref<128xi32, #tpu.memory_space<vmem>>
    %dma_wait3A_80 = arith.constant 0 : i32
    %dma_wait3A_81 = arith.constant 0 : i32
    %dma_wait3A_82 = tpu.memref_slice %arg5[%dma_wait3A_80, %dma_wait3A_81] : memref<1000x128xf32, #tpu.memory_space<vmem_shared>> -> memref<1000x128xf32, #tpu.memory_space<vmem_shared>>
    tpu.wait_indirect_dma semaphore(%arg10 : memref<!tpu.dma_semaphore, #tpu.memory_space<semaphore_mem>>) src(%dma_wait3A_82 : memref<1000x128xf32, #tpu.memory_space<vmem_shared>>) dst(%arg7 : memref<128x128xf32, #tpu.memory_space<vmem>>)
    %add3A_83 = arith.constant 0 : i32
    %add3A_84 = arith.addi %mul3A_2, %add3A_83 : i32
    %dma_start3A_85 = arith.constant 256 : i32
    %dma_start3A_86 = arith.constant 0 : i32
    %dma_start3A_87 = tpu.memref_slice %arg4[%add3A_84, %dma_start3A_85, %dma_start3A_86] : memref<1024x512x128xf32, #tpu.memory_space<hbm>> -> memref<1x128x128xf32, #tpu.memory_space<hbm>>
    %dma_start3A_88 = tpu.memref_squeeze %dma_start3A_87 : memref<1x128x128xf32, #tpu.memory_space<hbm>> -> memref<128x128xf32, #tpu.memory_space<hbm>>
    %dma_start3A_89 = arith.constant 256 : i32
    %dma_start3A_90 = arith.constant 0 : i32
    %dma_start3A_91 = tpu.memref_slice %arg4[%add3A_84, %dma_start3A_89, %dma_start3A_90] : memref<1024x512x128xf32, #tpu.memory_space<hbm>> -> memref<1x128x128xf32, #tpu.memory_space<hbm>>
    %dma_start3A_92 = tpu.memref_squeeze %dma_start3A_91 : memref<1x128x128xf32, #tpu.memory_space<hbm>> -> memref<128x128xf32, #tpu.memory_space<hbm>>
    tpu.enqueue_dma source(%arg7 : memref<128x128xf32, #tpu.memory_space<vmem>>) target(%dma_start3A_92 : memref<128x128xf32, #tpu.memory_space<hbm>>) target_semaphore(%arg12 : memref<!tpu.dma_semaphore, #tpu.memory_space<semaphore_mem>>)
    %add3A_93 = arith.constant 0 : i32
    %add3A_94 = arith.addi %mul3A_2, %add3A_93 : i32
    %dma_wait3A_95 = arith.constant 384 : i32
    %dma_wait3A_96 = arith.constant 0 : i32
    %dma_wait3A_97 = tpu.memref_slice %arg4[%add3A_94, %dma_wait3A_95, %dma_wait3A_96] : memref<1024x512x128xf32, #tpu.memory_space<hbm>> -> memref<1x128x128xf32, #tpu.memory_space<hbm>>
    %dma_wait3A_98 = tpu.memref_squeeze %dma_wait3A_97 : memref<1x128x128xf32, #tpu.memory_space<hbm>> -> memref<128x128xf32, #tpu.memory_space<hbm>>
    %dma_wait3A_99 = arith.constant 384 : i32
    %dma_wait3A_100 = arith.constant 0 : i32
    %dma_wait3A_101 = tpu.memref_slice %arg4[%add3A_94, %dma_wait3A_99, %dma_wait3A_100] : memref<1024x512x128xf32, #tpu.memory_space<hbm>> -> memref<1x128x128xf32, #tpu.memory_space<hbm>>
    %dma_wait3A_102 = tpu.memref_squeeze %dma_wait3A_101 : memref<1x128x128xf32, #tpu.memory_space<hbm>> -> memref<128x128xf32, #tpu.memory_space<hbm>>
    tpu.wait_dma2 semaphore(%arg13 : memref<!tpu.dma_semaphore, #tpu.memory_space<semaphore_mem>>) src(%arg8 : memref<128x128xf32, #tpu.memory_space<vmem>>) dst(%dma_wait3A_102 : memref<128x128xf32, #tpu.memory_space<hbm>>)
    %dma_start3A_103 = arith.constant 0 : i32
    %dma_start3A_104 = arith.constant 3 : i32
    %dma_start3A_105 = arith.constant 0 : i32
    %dma_start3A_106 = tpu.memref_slice %arg6[%dma_start3A_103, %dma_start3A_104, %dma_start3A_105] : memref<32x4x128xi32, #tpu.memory_space<vmem>> -> memref<1x1x128xi32, #tpu.memory_space<vmem>>
    %dma_start3A_107 = tpu.memref_squeeze %dma_start3A_106 : memref<1x1x128xi32, #tpu.memory_space<vmem>> -> memref<128xi32, #tpu.memory_space<vmem>>
    %dma_start3A_108 = arith.constant 0 : i32
    %dma_start3A_109 = arith.constant 0 : i32
    %dma_start3A_110 = tpu.memref_slice %arg5[%dma_start3A_108, %dma_start3A_109] : memref<1000x128xf32, #tpu.memory_space<vmem_shared>> -> memref<1000x128xf32, #tpu.memory_space<vmem_shared>>
    tpu.enqueue_indirect_dma source(%dma_start3A_110 : memref<1000x128xf32, #tpu.memory_space<vmem_shared>>) target(%arg8 : memref<128x128xf32, #tpu.memory_space<vmem>>) offsets(%dma_start3A_107 : memref<128xi32, #tpu.memory_space<vmem>>) semaphore(%arg11 : memref<!tpu.dma_semaphore, #tpu.memory_space<semaphore_mem>>)
    %dma_wait3A_111 = arith.constant 0 : i32
    %dma_wait3A_112 = arith.constant 3 : i32
    %dma_wait3A_113 = arith.constant 0 : i32
    %dma_wait3A_114 = tpu.memref_slice %arg6[%dma_wait3A_111, %dma_wait3A_112, %dma_wait3A_113] : memref<32x4x128xi32, #tpu.memory_space<vmem>> -> memref<1x1x128xi32, #tpu.memory_space<vmem>>
    %dma_wait3A_115 = tpu.memref_squeeze %dma_wait3A_114 : memref<1x1x128xi32, #tpu.memory_space<vmem>> -> memref<128xi32, #tpu.memory_space<vmem>>
    %dma_wait3A_116 = arith.constant 0 : i32
    %dma_wait3A_117 = arith.constant 0 : i32
    %dma_wait3A_118 = tpu.memref_slice %arg5[%dma_wait3A_116, %dma_wait3A_117] : memref<1000x128xf32, #tpu.memory_space<vmem_shared>> -> memref<1000x128xf32, #tpu.memory_space<vmem_shared>>
    tpu.wait_indirect_dma semaphore(%arg11 : memref<!tpu.dma_semaphore, #tpu.memory_space<semaphore_mem>>) src(%dma_wait3A_118 : memref<1000x128xf32, #tpu.memory_space<vmem_shared>>) dst(%arg8 : memref<128x128xf32, #tpu.memory_space<vmem>>)
    %add3A_119 = arith.constant 0 : i32
    %add3A_120 = arith.addi %mul3A_2, %add3A_119 : i32
    %dma_start3A_121 = arith.constant 384 : i32
    %dma_start3A_122 = arith.constant 0 : i32
    %dma_start3A_123 = tpu.memref_slice %arg4[%add3A_120, %dma_start3A_121, %dma_start3A_122] : memref<1024x512x128xf32, #tpu.memory_space<hbm>> -> memref<1x128x128xf32, #tpu.memory_space<hbm>>
    %dma_start3A_124 = tpu.memref_squeeze %dma_start3A_123 : memref<1x128x128xf32, #tpu.memory_space<hbm>> -> memref<128x128xf32, #tpu.memory_space<hbm>>
    %dma_start3A_125 = arith.constant 384 : i32
    %dma_start3A_126 = arith.constant 0 : i32
    %dma_start3A_127 = tpu.memref_slice %arg4[%add3A_120, %dma_start3A_125, %dma_start3A_126] : memref<1024x512x128xf32, #tpu.memory_space<hbm>> -> memref<1x128x128xf32, #tpu.memory_space<hbm>>
    %dma_start3A_128 = tpu.memref_squeeze %dma_start3A_127 : memref<1x128x128xf32, #tpu.memory_space<hbm>> -> memref<128x128xf32, #tpu.memory_space<hbm>>
    tpu.enqueue_dma source(%arg8 : memref<128x128xf32, #tpu.memory_space<vmem>>) target(%dma_start3A_128 : memref<128x128xf32, #tpu.memory_space<hbm>>) target_semaphore(%arg13 : memref<!tpu.dma_semaphore, #tpu.memory_space<semaphore_mem>>)
    %scan3A = arith.constant 0 : i32
    %scan3A_129 = arith.constant 1 : i32
    %scan3A_130 = arith.constant 31 : i32
    %scan3A_131 = arith.addi %scan3A_129, %scan3A_130 : i32
    %scan3A_132 = arith.constant 1 : i32
    %scan3A_133 = scf.for %scan3A_155 = %scan3A_129 to %scan3A_131 step %scan3A_132 iter_args(%scan3A_156 = %scan3A) -> (i32)  : i32 {
      %add3A_157 = arith.addi %mul3A_2, %scan3A_155 : i32
      %dma_wait3A_158 = arith.constant 0 : i32
      %dma_wait3A_159 = arith.constant 0 : i32
      %dma_wait3A_160 = tpu.memref_slice %arg4[%add3A_157, %dma_wait3A_158, %dma_wait3A_159] : memref<1024x512x128xf32, #tpu.memory_space<hbm>> -> memref<1x128x128xf32, #tpu.memory_space<hbm>>
      %dma_wait3A_161 = tpu.memref_squeeze %dma_wait3A_160 : memref<1x128x128xf32, #tpu.memory_space<hbm>> -> memref<128x128xf32, #tpu.memory_space<hbm>>
      %dma_wait3A_162 = arith.constant 0 : i32
      %dma_wait3A_163 = arith.constant 0 : i32
      %dma_wait3A_164 = tpu.memref_slice %arg4[%add3A_157, %dma_wait3A_162, %dma_wait3A_163] : memref<1024x512x128xf32, #tpu.memory_space<hbm>> -> memref<1x128x128xf32, #tpu.memory_space<hbm>>
      %dma_wait3A_165 = tpu.memref_squeeze %dma_wait3A_164 : memref<1x128x128xf32, #tpu.memory_space<hbm>> -> memref<128x128xf32, #tpu.memory_space<hbm>>
      tpu.wait_dma2 semaphore(%arg12 : memref<!tpu.dma_semaphore, #tpu.memory_space<semaphore_mem>>) src(%arg7 : memref<128x128xf32, #tpu.memory_space<vmem>>) dst(%dma_wait3A_165 : memref<128x128xf32, #tpu.memory_space<hbm>>)
      %dma_start3A_166 = arith.constant 0 : i32
      %dma_start3A_167 = arith.constant 0 : i32
      %dma_start3A_168 = tpu.memref_slice %arg6[%scan3A_155, %dma_start3A_166, %dma_start3A_167] : memref<32x4x128xi32, #tpu.memory_space<vmem>> -> memref<1x1x128xi32, #tpu.memory_space<vmem>>
      %dma_start3A_169 = tpu.memref_squeeze %dma_start3A_168 : memref<1x1x128xi32, #tpu.memory_space<vmem>> -> memref<128xi32, #tpu.memory_space<vmem>>
      %dma_start3A_170 = arith.constant 0 : i32
      %dma_start3A_171 = arith.constant 0 : i32
      %dma_start3A_172 = tpu.memref_slice %arg5[%dma_start3A_170, %dma_start3A_171] : memref<1000x128xf32, #tpu.memory_space<vmem_shared>> -> memref<1000x128xf32, #tpu.memory_space<vmem_shared>>
      tpu.enqueue_indirect_dma source(%dma_start3A_172 : memref<1000x128xf32, #tpu.memory_space<vmem_shared>>) target(%arg7 : memref<128x128xf32, #tpu.memory_space<vmem>>) offsets(%dma_start3A_169 : memref<128xi32, #tpu.memory_space<vmem>>) semaphore(%arg10 : memref<!tpu.dma_semaphore, #tpu.memory_space<semaphore_mem>>)
      %dma_wait3A_173 = arith.constant 0 : i32
      %dma_wait3A_174 = arith.constant 0 : i32
      %dma_wait3A_175 = tpu.memref_slice %arg6[%scan3A_155, %dma_wait3A_173, %dma_wait3A_174] : memref<32x4x128xi32, #tpu.memory_space<vmem>> -> memref<1x1x128xi32, #tpu.memory_space<vmem>>
      %dma_wait3A_176 = tpu.memref_squeeze %dma_wait3A_175 : memref<1x1x128xi32, #tpu.memory_space<vmem>> -> memref<128xi32, #tpu.memory_space<vmem>>
      %dma_wait3A_177 = arith.constant 0 : i32
      %dma_wait3A_178 = arith.constant 0 : i32
      %dma_wait3A_179 = tpu.memref_slice %arg5[%dma_wait3A_177, %dma_wait3A_178] : memref<1000x128xf32, #tpu.memory_space<vmem_shared>> -> memref<1000x128xf32, #tpu.memory_space<vmem_shared>>
      tpu.wait_indirect_dma semaphore(%arg10 : memref<!tpu.dma_semaphore, #tpu.memory_space<semaphore_mem>>) src(%dma_wait3A_179 : memref<1000x128xf32, #tpu.memory_space<vmem_shared>>) dst(%arg7 : memref<128x128xf32, #tpu.memory_space<vmem>>)
      %add3A_180 = arith.addi %mul3A_2, %scan3A_155 : i32
      %dma_start3A_181 = arith.constant 0 : i32
      %dma_start3A_182 = arith.constant 0 : i32
      %dma_start3A_183 = tpu.memref_slice %arg4[%add3A_180, %dma_start3A_181, %dma_start3A_182] : memref<1024x512x128xf32, #tpu.memory_space<hbm>> -> memref<1x128x128xf32, #tpu.memory_space<hbm>>
      %dma_start3A_184 = tpu.memref_squeeze %dma_start3A_183 : memref<1x128x128xf32, #tpu.memory_space<hbm>> -> memref<128x128xf32, #tpu.memory_space<hbm>>
      %dma_start3A_185 = arith.constant 0 : i32
      %dma_start3A_186 = arith.constant 0 : i32
      %dma_start3A_187 = tpu.memref_slice %arg4[%add3A_180, %dma_start3A_185, %dma_start3A_186] : memref<1024x512x128xf32, #tpu.memory_space<hbm>> -> memref<1x128x128xf32, #tpu.memory_space<hbm>>
      %dma_start3A_188 = tpu.memref_squeeze %dma_start3A_187 : memref<1x128x128xf32, #tpu.memory_space<hbm>> -> memref<128x128xf32, #tpu.memory_space<hbm>>
      tpu.enqueue_dma source(%arg7 : memref<128x128xf32, #tpu.memory_space<vmem>>) target(%dma_start3A_188 : memref<128x128xf32, #tpu.memory_space<hbm>>) target_semaphore(%arg12 : memref<!tpu.dma_semaphore, #tpu.memory_space<semaphore_mem>>)
      %add3A_189 = arith.addi %mul3A_2, %scan3A_155 : i32
      %dma_wait3A_190 = arith.constant 128 : i32
      %dma_wait3A_191 = arith.constant 0 : i32
      %dma_wait3A_192 = tpu.memref_slice %arg4[%add3A_189, %dma_wait3A_190, %dma_wait3A_191] : memref<1024x512x128xf32, #tpu.memory_space<hbm>> -> memref<1x128x128xf32, #tpu.memory_space<hbm>>
      %dma_wait3A_193 = tpu.memref_squeeze %dma_wait3A_192 : memref<1x128x128xf32, #tpu.memory_space<hbm>> -> memref<128x128xf32, #tpu.memory_space<hbm>>
      %dma_wait3A_194 = arith.constant 128 : i32
      %dma_wait3A_195 = arith.constant 0 : i32
      %dma_wait3A_196 = tpu.memref_slice %arg4[%add3A_189, %dma_wait3A_194, %dma_wait3A_195] : memref<1024x512x128xf32, #tpu.memory_space<hbm>> -> memref<1x128x128xf32, #tpu.memory_space<hbm>>
      %dma_wait3A_197 = tpu.memref_squeeze %dma_wait3A_196 : memref<1x128x128xf32, #tpu.memory_space<hbm>> -> memref<128x128xf32, #tpu.memory_space<hbm>>
      tpu.wait_dma2 semaphore(%arg13 : memref<!tpu.dma_semaphore, #tpu.memory_space<semaphore_mem>>) src(%arg8 : memref<128x128xf32, #tpu.memory_space<vmem>>) dst(%dma_wait3A_197 : memref<128x128xf32, #tpu.memory_space<hbm>>)
      %dma_start3A_198 = arith.constant 1 : i32
      %dma_start3A_199 = arith.constant 0 : i32
      %dma_start3A_200 = tpu.memref_slice %arg6[%scan3A_155, %dma_start3A_198, %dma_start3A_199] : memref<32x4x128xi32, #tpu.memory_space<vmem>> -> memref<1x1x128xi32, #tpu.memory_space<vmem>>
      %dma_start3A_201 = tpu.memref_squeeze %dma_start3A_200 : memref<1x1x128xi32, #tpu.memory_space<vmem>> -> memref<128xi32, #tpu.memory_space<vmem>>
      %dma_start3A_202 = arith.constant 0 : i32
      %dma_start3A_203 = arith.constant 0 : i32
      %dma_start3A_204 = tpu.memref_slice %arg5[%dma_start3A_202, %dma_start3A_203] : memref<1000x128xf32, #tpu.memory_space<vmem_shared>> -> memref<1000x128xf32, #tpu.memory_space<vmem_shared>>
      tpu.enqueue_indirect_dma source(%dma_start3A_204 : memref<1000x128xf32, #tpu.memory_space<vmem_shared>>) target(%arg8 : memref<128x128xf32, #tpu.memory_space<vmem>>) offsets(%dma_start3A_201 : memref<128xi32, #tpu.memory_space<vmem>>) semaphore(%arg11 : memref<!tpu.dma_semaphore, #tpu.memory_space<semaphore_mem>>)
      %dma_wait3A_205 = arith.constant 1 : i32
      %dma_wait3A_206 = arith.constant 0 : i32
      %dma_wait3A_207 = tpu.memref_slice %arg6[%scan3A_155, %dma_wait3A_205, %dma_wait3A_206] : memref<32x4x128xi32, #tpu.memory_space<vmem>> -> memref<1x1x128xi32, #tpu.memory_space<vmem>>
      %dma_wait3A_208 = tpu.memref_squeeze %dma_wait3A_207 : memref<1x1x128xi32, #tpu.memory_space<vmem>> -> memref<128xi32, #tpu.memory_space<vmem>>
      %dma_wait3A_209 = arith.constant 0 : i32
      %dma_wait3A_210 = arith.constant 0 : i32
      %dma_wait3A_211 = tpu.memref_slice %arg5[%dma_wait3A_209, %dma_wait3A_210] : memref<1000x128xf32, #tpu.memory_space<vmem_shared>> -> memref<1000x128xf32, #tpu.memory_space<vmem_shared>>
      tpu.wait_indirect_dma semaphore(%arg11 : memref<!tpu.dma_semaphore, #tpu.memory_space<semaphore_mem>>) src(%dma_wait3A_211 : memref<1000x128xf32, #tpu.memory_space<vmem_shared>>) dst(%arg8 : memref<128x128xf32, #tpu.memory_space<vmem>>)
      %add3A_212 = arith.addi %mul3A_2, %scan3A_155 : i32
      %dma_start3A_213 = arith.constant 128 : i32
      %dma_start3A_214 = arith.constant 0 : i32
      %dma_start3A_215 = tpu.memref_slice %arg4[%add3A_212, %dma_start3A_213, %dma_start3A_214] : memref<1024x512x128xf32, #tpu.memory_space<hbm>> -> memref<1x128x128xf32, #tpu.memory_space<hbm>>
      %dma_start3A_216 = tpu.memref_squeeze %dma_start3A_215 : memref<1x128x128xf32, #tpu.memory_space<hbm>> -> memref<128x128xf32, #tpu.memory_space<hbm>>
      %dma_start3A_217 = arith.constant 128 : i32
      %dma_start3A_218 = arith.constant 0 : i32
      %dma_start3A_219 = tpu.memref_slice %arg4[%add3A_212, %dma_start3A_217, %dma_start3A_218] : memref<1024x512x128xf32, #tpu.memory_space<hbm>> -> memref<1x128x128xf32, #tpu.memory_space<hbm>>
      %dma_start3A_220 = tpu.memref_squeeze %dma_start3A_219 : memref<1x128x128xf32, #tpu.memory_space<hbm>> -> memref<128x128xf32, #tpu.memory_space<hbm>>
      tpu.enqueue_dma source(%arg8 : memref<128x128xf32, #tpu.memory_space<vmem>>) target(%dma_start3A_220 : memref<128x128xf32, #tpu.memory_space<hbm>>) target_semaphore(%arg13 : memref<!tpu.dma_semaphore, #tpu.memory_space<semaphore_mem>>)
      %add3A_221 = arith.addi %mul3A_2, %scan3A_155 : i32
      %dma_wait3A_222 = arith.constant 256 : i32
      %dma_wait3A_223 = arith.constant 0 : i32
      %dma_wait3A_224 = tpu.memref_slice %arg4[%add3A_221, %dma_wait3A_222, %dma_wait3A_223] : memref<1024x512x128xf32, #tpu.memory_space<hbm>> -> memref<1x128x128xf32, #tpu.memory_space<hbm>>
      %dma_wait3A_225 = tpu.memref_squeeze %dma_wait3A_224 : memref<1x128x128xf32, #tpu.memory_space<hbm>> -> memref<128x128xf32, #tpu.memory_space<hbm>>
      %dma_wait3A_226 = arith.constant 256 : i32
      %dma_wait3A_227 = arith.constant 0 : i32
      %dma_wait3A_228 = tpu.memref_slice %arg4[%add3A_221, %dma_wait3A_226, %dma_wait3A_227] : memref<1024x512x128xf32, #tpu.memory_space<hbm>> -> memref<1x128x128xf32, #tpu.memory_space<hbm>>
      %dma_wait3A_229 = tpu.memref_squeeze %dma_wait3A_228 : memref<1x128x128xf32, #tpu.memory_space<hbm>> -> memref<128x128xf32, #tpu.memory_space<hbm>>
      tpu.wait_dma2 semaphore(%arg12 : memref<!tpu.dma_semaphore, #tpu.memory_space<semaphore_mem>>) src(%arg7 : memref<128x128xf32, #tpu.memory_space<vmem>>) dst(%dma_wait3A_229 : memref<128x128xf32, #tpu.memory_space<hbm>>)
      %dma_start3A_230 = arith.constant 2 : i32
      %dma_start3A_231 = arith.constant 0 : i32
      %dma_start3A_232 = tpu.memref_slice %arg6[%scan3A_155, %dma_start3A_230, %dma_start3A_231] : memref<32x4x128xi32, #tpu.memory_space<vmem>> -> memref<1x1x128xi32, #tpu.memory_space<vmem>>
      %dma_start3A_233 = tpu.memref_squeeze %dma_start3A_232 : memref<1x1x128xi32, #tpu.memory_space<vmem>> -> memref<128xi32, #tpu.memory_space<vmem>>
      %dma_start3A_234 = arith.constant 0 : i32
      %dma_start3A_235 = arith.constant 0 : i32
      %dma_start3A_236 = tpu.memref_slice %arg5[%dma_start3A_234, %dma_start3A_235] : memref<1000x128xf32, #tpu.memory_space<vmem_shared>> -> memref<1000x128xf32, #tpu.memory_space<vmem_shared>>
      tpu.enqueue_indirect_dma source(%dma_start3A_236 : memref<1000x128xf32, #tpu.memory_space<vmem_shared>>) target(%arg7 : memref<128x128xf32, #tpu.memory_space<vmem>>) offsets(%dma_start3A_233 : memref<128xi32, #tpu.memory_space<vmem>>) semaphore(%arg10 : memref<!tpu.dma_semaphore, #tpu.memory_space<semaphore_mem>>)
      %dma_wait3A_237 = arith.constant 2 : i32
      %dma_wait3A_238 = arith.constant 0 : i32
      %dma_wait3A_239 = tpu.memref_slice %arg6[%scan3A_155, %dma_wait3A_237, %dma_wait3A_238] : memref<32x4x128xi32, #tpu.memory_space<vmem>> -> memref<1x1x128xi32, #tpu.memory_space<vmem>>
      %dma_wait3A_240 = tpu.memref_squeeze %dma_wait3A_239 : memref<1x1x128xi32, #tpu.memory_space<vmem>> -> memref<128xi32, #tpu.memory_space<vmem>>
      %dma_wait3A_241 = arith.constant 0 : i32
      %dma_wait3A_242 = arith.constant 0 : i32
      %dma_wait3A_243 = tpu.memref_slice %arg5[%dma_wait3A_241, %dma_wait3A_242] : memref<1000x128xf32, #tpu.memory_space<vmem_shared>> -> memref<1000x128xf32, #tpu.memory_space<vmem_shared>>
      tpu.wait_indirect_dma semaphore(%arg10 : memref<!tpu.dma_semaphore, #tpu.memory_space<semaphore_mem>>) src(%dma_wait3A_243 : memref<1000x128xf32, #tpu.memory_space<vmem_shared>>) dst(%arg7 : memref<128x128xf32, #tpu.memory_space<vmem>>)
      %add3A_244 = arith.addi %mul3A_2, %scan3A_155 : i32
      %dma_start3A_245 = arith.constant 256 : i32
      %dma_start3A_246 = arith.constant 0 : i32
      %dma_start3A_247 = tpu.memref_slice %arg4[%add3A_244, %dma_start3A_245, %dma_start3A_246] : memref<1024x512x128xf32, #tpu.memory_space<hbm>> -> memref<1x128x128xf32, #tpu.memory_space<hbm>>
      %dma_start3A_248 = tpu.memref_squeeze %dma_start3A_247 : memref<1x128x128xf32, #tpu.memory_space<hbm>> -> memref<128x128xf32, #tpu.memory_space<hbm>>
      %dma_start3A_249 = arith.constant 256 : i32
      %dma_start3A_250 = arith.constant 0 : i32
      %dma_start3A_251 = tpu.memref_slice %arg4[%add3A_244, %dma_start3A_249, %dma_start3A_250] : memref<1024x512x128xf32, #tpu.memory_space<hbm>> -> memref<1x128x128xf32, #tpu.memory_space<hbm>>
      %dma_start3A_252 = tpu.memref_squeeze %dma_start3A_251 : memref<1x128x128xf32, #tpu.memory_space<hbm>> -> memref<128x128xf32, #tpu.memory_space<hbm>>
      tpu.enqueue_dma source(%arg7 : memref<128x128xf32, #tpu.memory_space<vmem>>) target(%dma_start3A_252 : memref<128x128xf32, #tpu.memory_space<hbm>>) target_semaphore(%arg12 : memref<!tpu.dma_semaphore, #tpu.memory_space<semaphore_mem>>)
      %add3A_253 = arith.addi %mul3A_2, %scan3A_155 : i32
      %dma_wait3A_254 = arith.constant 384 : i32
      %dma_wait3A_255 = arith.constant 0 : i32
      %dma_wait3A_256 = tpu.memref_slice %arg4[%add3A_253, %dma_wait3A_254, %dma_wait3A_255] : memref<1024x512x128xf32, #tpu.memory_space<hbm>> -> memref<1x128x128xf32, #tpu.memory_space<hbm>>
      %dma_wait3A_257 = tpu.memref_squeeze %dma_wait3A_256 : memref<1x128x128xf32, #tpu.memory_space<hbm>> -> memref<128x128xf32, #tpu.memory_space<hbm>>
      %dma_wait3A_258 = arith.constant 384 : i32
      %dma_wait3A_259 = arith.constant 0 : i32
      %dma_wait3A_260 = tpu.memref_slice %arg4[%add3A_253, %dma_wait3A_258, %dma_wait3A_259] : memref<1024x512x128xf32, #tpu.memory_space<hbm>> -> memref<1x128x128xf32, #tpu.memory_space<hbm>>
      %dma_wait3A_261 = tpu.memref_squeeze %dma_wait3A_260 : memref<1x128x128xf32, #tpu.memory_space<hbm>> -> memref<128x128xf32, #tpu.memory_space<hbm>>
      tpu.wait_dma2 semaphore(%arg13 : memref<!tpu.dma_semaphore, #tpu.memory_space<semaphore_mem>>) src(%arg8 : memref<128x128xf32, #tpu.memory_space<vmem>>) dst(%dma_wait3A_261 : memref<128x128xf32, #tpu.memory_space<hbm>>)
      %dma_start3A_262 = arith.constant 3 : i32
      %dma_start3A_263 = arith.constant 0 : i32
      %dma_start3A_264 = tpu.memref_slice %arg6[%scan3A_155, %dma_start3A_262, %dma_start3A_263] : memref<32x4x128xi32, #tpu.memory_space<vmem>> -> memref<1x1x128xi32, #tpu.memory_space<vmem>>
      %dma_start3A_265 = tpu.memref_squeeze %dma_start3A_264 : memref<1x1x128xi32, #tpu.memory_space<vmem>> -> memref<128xi32, #tpu.memory_space<vmem>>
      %dma_start3A_266 = arith.constant 0 : i32
      %dma_start3A_267 = arith.constant 0 : i32
      %dma_start3A_268 = tpu.memref_slice %arg5[%dma_start3A_266, %dma_start3A_267] : memref<1000x128xf32, #tpu.memory_space<vmem_shared>> -> memref<1000x128xf32, #tpu.memory_space<vmem_shared>>
      tpu.enqueue_indirect_dma source(%dma_start3A_268 : memref<1000x128xf32, #tpu.memory_space<vmem_shared>>) target(%arg8 : memref<128x128xf32, #tpu.memory_space<vmem>>) offsets(%dma_start3A_265 : memref<128xi32, #tpu.memory_space<vmem>>) semaphore(%arg11 : memref<!tpu.dma_semaphore, #tpu.memory_space<semaphore_mem>>)
      %dma_wait3A_269 = arith.constant 3 : i32
      %dma_wait3A_270 = arith.constant 0 : i32
      %dma_wait3A_271 = tpu.memref_slice %arg6[%scan3A_155, %dma_wait3A_269, %dma_wait3A_270] : memref<32x4x128xi32, #tpu.memory_space<vmem>> -> memref<1x1x128xi32, #tpu.memory_space<vmem>>
      %dma_wait3A_272 = tpu.memref_squeeze %dma_wait3A_271 : memref<1x1x128xi32, #tpu.memory_space<vmem>> -> memref<128xi32, #tpu.memory_space<vmem>>
      %dma_wait3A_273 = arith.constant 0 : i32
      %dma_wait3A_274 = arith.constant 0 : i32
      %dma_wait3A_275 = tpu.memref_slice %arg5[%dma_wait3A_273, %dma_wait3A_274] : memref<1000x128xf32, #tpu.memory_space<vmem_shared>> -> memref<1000x128xf32, #tpu.memory_space<vmem_shared>>
      tpu.wait_indirect_dma semaphore(%arg11 : memref<!tpu.dma_semaphore, #tpu.memory_space<semaphore_mem>>) src(%dma_wait3A_275 : memref<1000x128xf32, #tpu.memory_space<vmem_shared>>) dst(%arg8 : memref<128x128xf32, #tpu.memory_space<vmem>>)
      %add3A_276 = arith.addi %mul3A_2, %scan3A_155 : i32
      %dma_start3A_277 = arith.constant 384 : i32
      %dma_start3A_278 = arith.constant 0 : i32
      %dma_start3A_279 = tpu.memref_slice %arg4[%add3A_276, %dma_start3A_277, %dma_start3A_278] : memref<1024x512x128xf32, #tpu.memory_space<hbm>> -> memref<1x128x128xf32, #tpu.memory_space<hbm>>
      %dma_start3A_280 = tpu.memref_squeeze %dma_start3A_279 : memref<1x128x128xf32, #tpu.memory_space<hbm>> -> memref<128x128xf32, #tpu.memory_space<hbm>>
      %dma_start3A_281 = arith.constant 384 : i32
      %dma_start3A_282 = arith.constant 0 : i32
      %dma_start3A_283 = tpu.memref_slice %arg4[%add3A_276, %dma_start3A_281, %dma_start3A_282] : memref<1024x512x128xf32, #tpu.memory_space<hbm>> -> memref<1x128x128xf32, #tpu.memory_space<hbm>>
      %dma_start3A_284 = tpu.memref_squeeze %dma_start3A_283 : memref<1x128x128xf32, #tpu.memory_space<hbm>> -> memref<128x128xf32, #tpu.memory_space<hbm>>
      tpu.enqueue_dma source(%arg8 : memref<128x128xf32, #tpu.memory_space<vmem>>) target(%dma_start3A_284 : memref<128x128xf32, #tpu.memory_space<hbm>>) target_semaphore(%arg13 : memref<!tpu.dma_semaphore, #tpu.memory_space<semaphore_mem>>)
      %scan3A_285 = arith.constant 0 : i32
      scf.yield %scan3A_285 : i32
    }
    %scan3A_134 = arith.constant 31 : i32
    %add3A_135 = arith.constant 0 : i32
    %add3A_136 = arith.addi %mul3A_2, %add3A_135 : i32
    %dma_wait3A_137 = arith.constant 0 : i32
    %dma_wait3A_138 = arith.constant 0 : i32
    %dma_wait3A_139 = tpu.memref_slice %arg4[%add3A_136, %dma_wait3A_137, %dma_wait3A_138] : memref<1024x512x128xf32, #tpu.memory_space<hbm>> -> memref<1x128x128xf32, #tpu.memory_space<hbm>>
    %dma_wait3A_140 = tpu.memref_squeeze %dma_wait3A_139 : memref<1x128x128xf32, #tpu.memory_space<hbm>> -> memref<128x128xf32, #tpu.memory_space<hbm>>
    %dma_wait3A_141 = arith.constant 0 : i32
    %dma_wait3A_142 = arith.constant 0 : i32
    %dma_wait3A_143 = tpu.memref_slice %arg4[%add3A_136, %dma_wait3A_141, %dma_wait3A_142] : memref<1024x512x128xf32, #tpu.memory_space<hbm>> -> memref<1x128x128xf32, #tpu.memory_space<hbm>>
    %dma_wait3A_144 = tpu.memref_squeeze %dma_wait3A_143 : memref<1x128x128xf32, #tpu.memory_space<hbm>> -> memref<128x128xf32, #tpu.memory_space<hbm>>
    tpu.wait_dma2 semaphore(%arg12 : memref<!tpu.dma_semaphore, #tpu.memory_space<semaphore_mem>>) src(%arg7 : memref<128x128xf32, #tpu.memory_space<vmem>>) dst(%dma_wait3A_144 : memref<128x128xf32, #tpu.memory_space<hbm>>)
    %add3A_145 = arith.constant 0 : i32
    %add3A_146 = arith.addi %mul3A_2, %add3A_145 : i32
    %dma_wait3A_147 = arith.constant 128 : i32
    %dma_wait3A_148 = arith.constant 0 : i32
    %dma_wait3A_149 = tpu.memref_slice %arg4[%add3A_146, %dma_wait3A_147, %dma_wait3A_148] : memref<1024x512x128xf32, #tpu.memory_space<hbm>> -> memref<1x128x128xf32, #tpu.memory_space<hbm>>
    %dma_wait3A_150 = tpu.memref_squeeze %dma_wait3A_149 : memref<1x128x128xf32, #tpu.memory_space<hbm>> -> memref<128x128xf32, #tpu.memory_space<hbm>>
    %dma_wait3A_151 = arith.constant 128 : i32
    %dma_wait3A_152 = arith.constant 0 : i32
    %dma_wait3A_153 = tpu.memref_slice %arg4[%add3A_146, %dma_wait3A_151, %dma_wait3A_152] : memref<1024x512x128xf32, #tpu.memory_space<hbm>> -> memref<1x128x128xf32, #tpu.memory_space<hbm>>
    %dma_wait3A_154 = tpu.memref_squeeze %dma_wait3A_153 : memref<1x128x128xf32, #tpu.memory_space<hbm>> -> memref<128x128xf32, #tpu.memory_space<hbm>>
    tpu.wait_dma2 semaphore(%arg13 : memref<!tpu.dma_semaphore, #tpu.memory_space<semaphore_mem>>) src(%arg8 : memref<128x128xf32, #tpu.memory_space<vmem>>) dst(%dma_wait3A_154 : memref<128x128xf32, #tpu.memory_space<hbm>>)
    return
  }
}

#map = affine_map<(d0, d1) -> (0, 0, 0)>
#map1 = affine_map<(d0, d1) -> (0, 0)>
module attributes {stable_mosaic.version = 14 : i64} {
  func.func @_sc_body(%arg0: i32, %arg1: i32, %arg2: memref<1024x4x128xi32, #tpu.memory_space<hbm>>, %arg3: memref<1000x128xf32, #tpu.memory_space<hbm>>, %arg4: memref<1024x512x128xf32, #tpu.memory_space<hbm>>, %arg5: memref<1000x128xf32, #tpu.memory_space<vmem_shared>>, %arg6: memref<32x4x128xi32, #tpu.memory_space<vmem>>, %arg7: memref<128x128xf32, #tpu.memory_space<vmem>>, %arg8: memref<128x128xf32, #tpu.memory_space<vmem>>, %arg9: memref<!tpu.dma_semaphore, #tpu.memory_space<semaphore_mem>>, %arg10: memref<!tpu.dma_semaphore, #tpu.memory_space<semaphore_mem>>, %arg11: memref<!tpu.dma_semaphore, #tpu.memory_space<semaphore_mem>>, %arg12: memref<!tpu.dma_semaphore, #tpu.memory_space<semaphore_mem>>, %arg13: memref<!tpu.dma_semaphore, #tpu.memory_space<semaphore_mem>>) attributes {dimension_semantics = [#tpu.dimension_semantics<core_parallel>, #tpu.dimension_semantics<subcore_parallel>], iteration_bounds = array<i64: 2, 16>, scalar_prefetch = 0 : i64, scratch_operands = 9 : i64, tpu.core_type = #tpu.core_type<sc_vector_subcore>, window_params = [{transform_indices = #map}, {transform_indices = #map1}, {transform_indices = #map}]} {
    %mul3A = arith.constant 2 : i32
    %mul3A_0 = arith.muli %arg1, %mul3A : i32
    %add3A = arith.addi %mul3A_0, %arg0 : i32
    %mul3A_1 = arith.constant 32 : i32
    %mul3A_2 = arith.muli %add3A, %mul3A_1 : i32
    %eq3A = arith.constant 0 : i32
    %eq3A_3 = arith.cmpi eq, %arg1, %eq3A : i32
    %convert_element_type3A = arith.extui %eq3A_3 : i1 to i32
    %cond3A = arith.constant 0 : i32
    %cond3A_4 = arith.cmpi ne, %convert_element_type3A, %cond3A : i32
    scf.if %cond3A_4 {
      tpu.enqueue_dma source(%arg3 : memref<1000x128xf32, #tpu.memory_space<hbm>>) target(%arg5 : memref<1000x128xf32, #tpu.memory_space<vmem_shared>>) target_semaphore(%arg9 : memref<!tpu.dma_semaphore, #tpu.memory_space<semaphore_mem>>)
      tpu.wait_dma2 semaphore(%arg9 : memref<!tpu.dma_semaphore, #tpu.memory_space<semaphore_mem>>) src(%arg3 : memref<1000x128xf32, #tpu.memory_space<hbm>>) dst(%arg5 : memref<1000x128xf32, #tpu.memory_space<vmem_shared>>)
    } else {
    }
    %barrier3A = arith.constant 0 : index
    tpu.barrier barrier_id(%barrier3A)
    %add3A_5 = arith.constant 0 : i32
    %add3A_6 = arith.addi %mul3A_2, %add3A_5 : i32
    "tpu.region"() ({
      %run_scoped3A = tpu.sem_alloc : memref<!tpu.dma_semaphore, #tpu.memory_space<semaphore_mem>>
      %dma_start3A_155 = arith.constant 0 : i32
      %dma_start3A_156 = arith.constant 0 : i32
      %dma_start3A_157 = tpu.memref_slice %arg2[%add3A_6, %dma_start3A_155, %dma_start3A_156] : memref<1024x4x128xi32, #tpu.memory_space<hbm>> -> memref<32x4x128xi32, #tpu.memory_space<hbm>>
      %dma_start3A_158 = arith.constant 0 : i32
      %dma_start3A_159 = arith.constant 0 : i32
      %dma_start3A_160 = tpu.memref_slice %arg2[%add3A_6, %dma_start3A_158, %dma_start3A_159] : memref<1024x4x128xi32, #tpu.memory_space<hbm>> -> memref<32x4x128xi32, #tpu.memory_space<hbm>>
      tpu.enqueue_dma source(%dma_start3A_160 : memref<32x4x128xi32, #tpu.memory_space<hbm>>) target(%arg6 : memref<32x4x128xi32, #tpu.memory_space<vmem>>) target_semaphore(%run_scoped3A : memref<!tpu.dma_semaphore, #tpu.memory_space<semaphore_mem>>)
      %dma_wait3A_161 = arith.constant 0 : i32
      %dma_wait3A_162 = arith.constant 0 : i32
      %dma_wait3A_163 = tpu.memref_slice %arg2[%add3A_6, %dma_wait3A_161, %dma_wait3A_162] : memref<1024x4x128xi32, #tpu.memory_space<hbm>> -> memref<32x4x128xi32, #tpu.memory_space<hbm>>
      %dma_wait3A_164 = arith.constant 0 : i32
      %dma_wait3A_165 = arith.constant 0 : i32
      %dma_wait3A_166 = tpu.memref_slice %arg2[%add3A_6, %dma_wait3A_164, %dma_wait3A_165] : memref<1024x4x128xi32, #tpu.memory_space<hbm>> -> memref<32x4x128xi32, #tpu.memory_space<hbm>>
      tpu.wait_dma2 semaphore(%run_scoped3A : memref<!tpu.dma_semaphore, #tpu.memory_space<semaphore_mem>>) src(%dma_wait3A_166 : memref<32x4x128xi32, #tpu.memory_space<hbm>>) dst(%arg6 : memref<32x4x128xi32, #tpu.memory_space<vmem>>)
      tpu.yield
    }) : () -> ()
    %dma_start3A = arith.constant 0 : i32
    %dma_start3A_7 = arith.constant 0 : i32
    %dma_start3A_8 = arith.constant 0 : i32
    %dma_start3A_9 = tpu.memref_slice %arg6[%dma_start3A, %dma_start3A_7, %dma_start3A_8] : memref<32x4x128xi32, #tpu.memory_space<vmem>> -> memref<1x1x128xi32, #tpu.memory_space<vmem>>
    %dma_start3A_10 = tpu.memref_squeeze %dma_start3A_9 : memref<1x1x128xi32, #tpu.memory_space<vmem>> -> memref<128xi32, #tpu.memory_space<vmem>>
    %dma_start3A_11 = arith.constant 0 : i32
    %dma_start3A_12 = arith.constant 0 : i32
    %dma_start3A_13 = tpu.memref_slice %arg5[%dma_start3A_11, %dma_start3A_12] : memref<1000x128xf32, #tpu.memory_space<vmem_shared>> -> memref<1000x128xf32, #tpu.memory_space<vmem_shared>>
    tpu.enqueue_indirect_dma source(%dma_start3A_13 : memref<1000x128xf32, #tpu.memory_space<vmem_shared>>) target(%arg7 : memref<128x128xf32, #tpu.memory_space<vmem>>) offsets(%dma_start3A_10 : memref<128xi32, #tpu.memory_space<vmem>>) semaphore(%arg10 : memref<!tpu.dma_semaphore, #tpu.memory_space<semaphore_mem>>)
    %dma_wait3A = arith.constant 0 : i32
    %dma_wait3A_14 = arith.constant 0 : i32
    %dma_wait3A_15 = arith.constant 0 : i32
    %dma_wait3A_16 = tpu.memref_slice %arg6[%dma_wait3A, %dma_wait3A_14, %dma_wait3A_15] : memref<32x4x128xi32, #tpu.memory_space<vmem>> -> memref<1x1x128xi32, #tpu.memory_space<vmem>>
    %dma_wait3A_17 = tpu.memref_squeeze %dma_wait3A_16 : memref<1x1x128xi32, #tpu.memory_space<vmem>> -> memref<128xi32, #tpu.memory_space<vmem>>
    %dma_wait3A_18 = arith.constant 0 : i32
    %dma_wait3A_19 = arith.constant 0 : i32
    %dma_wait3A_20 = tpu.memref_slice %arg5[%dma_wait3A_18, %dma_wait3A_19] : memref<1000x128xf32, #tpu.memory_space<vmem_shared>> -> memref<1000x128xf32, #tpu.memory_space<vmem_shared>>
    tpu.wait_indirect_dma semaphore(%arg10 : memref<!tpu.dma_semaphore, #tpu.memory_space<semaphore_mem>>) src(%dma_wait3A_20 : memref<1000x128xf32, #tpu.memory_space<vmem_shared>>) dst(%arg7 : memref<128x128xf32, #tpu.memory_space<vmem>>)
    %add3A_21 = arith.constant 0 : i32
    %add3A_22 = arith.addi %mul3A_2, %add3A_21 : i32
    %dma_start3A_23 = arith.constant 0 : i32
    %dma_start3A_24 = arith.constant 0 : i32
    %dma_start3A_25 = tpu.memref_slice %arg4[%add3A_22, %dma_start3A_23, %dma_start3A_24] : memref<1024x512x128xf32, #tpu.memory_space<hbm>> -> memref<1x128x128xf32, #tpu.memory_space<hbm>>
    %dma_start3A_26 = tpu.memref_squeeze %dma_start3A_25 : memref<1x128x128xf32, #tpu.memory_space<hbm>> -> memref<128x128xf32, #tpu.memory_space<hbm>>
    %dma_start3A_27 = arith.constant 0 : i32
    %dma_start3A_28 = arith.constant 0 : i32
    %dma_start3A_29 = tpu.memref_slice %arg4[%add3A_22, %dma_start3A_27, %dma_start3A_28] : memref<1024x512x128xf32, #tpu.memory_space<hbm>> -> memref<1x128x128xf32, #tpu.memory_space<hbm>>
    %dma_start3A_30 = tpu.memref_squeeze %dma_start3A_29 : memref<1x128x128xf32, #tpu.memory_space<hbm>> -> memref<128x128xf32, #tpu.memory_space<hbm>>
    tpu.enqueue_dma source(%arg7 : memref<128x128xf32, #tpu.memory_space<vmem>>) target(%dma_start3A_30 : memref<128x128xf32, #tpu.memory_space<hbm>>) target_semaphore(%arg12 : memref<!tpu.dma_semaphore, #tpu.memory_space<semaphore_mem>>)
    %dma_start3A_31 = arith.constant 0 : i32
    %dma_start3A_32 = arith.constant 1 : i32
    %dma_start3A_33 = arith.constant 0 : i32
    %dma_start3A_34 = tpu.memref_slice %arg6[%dma_start3A_31, %dma_start3A_32, %dma_start3A_33] : memref<32x4x128xi32, #tpu.memory_space<vmem>> -> memref<1x1x128xi32, #tpu.memory_space<vmem>>
    %dma_start3A_35 = tpu.memref_squeeze %dma_start3A_34 : memref<1x1x128xi32, #tpu.memory_space<vmem>> -> memref<128xi32, #tpu.memory_space<vmem>>
    %dma_start3A_36 = arith.constant 0 : i32
    %dma_start3A_37 = arith.constant 0 : i32
    %dma_start3A_38 = tpu.memref_slice %arg5[%dma_start3A_36, %dma_start3A_37] : memref<1000x128xf32, #tpu.memory_space<vmem_shared>> -> memref<1000x128xf32, #tpu.memory_space<vmem_shared>>
    tpu.enqueue_indirect_dma source(%dma_start3A_38 : memref<1000x128xf32, #tpu.memory_space<vmem_shared>>) target(%arg8 : memref<128x128xf32, #tpu.memory_space<vmem>>) offsets(%dma_start3A_35 : memref<128xi32, #tpu.memory_space<vmem>>) semaphore(%arg11 : memref<!tpu.dma_semaphore, #tpu.memory_space<semaphore_mem>>)
    %dma_wait3A_39 = arith.constant 0 : i32
    %dma_wait3A_40 = arith.constant 1 : i32
    %dma_wait3A_41 = arith.constant 0 : i32
    %dma_wait3A_42 = tpu.memref_slice %arg6[%dma_wait3A_39, %dma_wait3A_40, %dma_wait3A_41] : memref<32x4x128xi32, #tpu.memory_space<vmem>> -> memref<1x1x128xi32, #tpu.memory_space<vmem>>
    %dma_wait3A_43 = tpu.memref_squeeze %dma_wait3A_42 : memref<1x1x128xi32, #tpu.memory_space<vmem>> -> memref<128xi32, #tpu.memory_space<vmem>>
    %dma_wait3A_44 = arith.constant 0 : i32
    %dma_wait3A_45 = arith.constant 0 : i32
    %dma_wait3A_46 = tpu.memref_slice %arg5[%dma_wait3A_44, %dma_wait3A_45] : memref<1000x128xf32, #tpu.memory_space<vmem_shared>> -> memref<1000x128xf32, #tpu.memory_space<vmem_shared>>
    tpu.wait_indirect_dma semaphore(%arg11 : memref<!tpu.dma_semaphore, #tpu.memory_space<semaphore_mem>>) src(%dma_wait3A_46 : memref<1000x128xf32, #tpu.memory_space<vmem_shared>>) dst(%arg8 : memref<128x128xf32, #tpu.memory_space<vmem>>)
    %add3A_47 = arith.constant 0 : i32
    %add3A_48 = arith.addi %mul3A_2, %add3A_47 : i32
    %dma_start3A_49 = arith.constant 128 : i32
    %dma_start3A_50 = arith.constant 0 : i32
    %dma_start3A_51 = tpu.memref_slice %arg4[%add3A_48, %dma_start3A_49, %dma_start3A_50] : memref<1024x512x128xf32, #tpu.memory_space<hbm>> -> memref<1x128x128xf32, #tpu.memory_space<hbm>>
    %dma_start3A_52 = tpu.memref_squeeze %dma_start3A_51 : memref<1x128x128xf32, #tpu.memory_space<hbm>> -> memref<128x128xf32, #tpu.memory_space<hbm>>
    %dma_start3A_53 = arith.constant 128 : i32
    %dma_start3A_54 = arith.constant 0 : i32
    %dma_start3A_55 = tpu.memref_slice %arg4[%add3A_48, %dma_start3A_53, %dma_start3A_54] : memref<1024x512x128xf32, #tpu.memory_space<hbm>> -> memref<1x128x128xf32, #tpu.memory_space<hbm>>
    %dma_start3A_56 = tpu.memref_squeeze %dma_start3A_55 : memref<1x128x128xf32, #tpu.memory_space<hbm>> -> memref<128x128xf32, #tpu.memory_space<hbm>>
    tpu.enqueue_dma source(%arg8 : memref<128x128xf32, #tpu.memory_space<vmem>>) target(%dma_start3A_56 : memref<128x128xf32, #tpu.memory_space<hbm>>) target_semaphore(%arg13 : memref<!tpu.dma_semaphore, #tpu.memory_space<semaphore_mem>>)
    %add3A_57 = arith.constant 0 : i32
    %add3A_58 = arith.addi %mul3A_2, %add3A_57 : i32
    %dma_wait3A_59 = arith.constant 256 : i32
    %dma_wait3A_60 = arith.constant 0 : i32
    %dma_wait3A_61 = tpu.memref_slice %arg4[%add3A_58, %dma_wait3A_59, %dma_wait3A_60] : memref<1024x512x128xf32, #tpu.memory_space<hbm>> -> memref<1x128x128xf32, #tpu.memory_space<hbm>>
    %dma_wait3A_62 = tpu.memref_squeeze %dma_wait3A_61 : memref<1x128x128xf32, #tpu.memory_space<hbm>> -> memref<128x128xf32, #tpu.memory_space<hbm>>
    %dma_wait3A_63 = arith.constant 256 : i32
    %dma_wait3A_64 = arith.constant 0 : i32
    %dma_wait3A_65 = tpu.memref_slice %arg4[%add3A_58, %dma_wait3A_63, %dma_wait3A_64] : memref<1024x512x128xf32, #tpu.memory_space<hbm>> -> memref<1x128x128xf32, #tpu.memory_space<hbm>>
    %dma_wait3A_66 = tpu.memref_squeeze %dma_wait3A_65 : memref<1x128x128xf32, #tpu.memory_space<hbm>> -> memref<128x128xf32, #tpu.memory_space<hbm>>
    tpu.wait_dma2 semaphore(%arg12 : memref<!tpu.dma_semaphore, #tpu.memory_space<semaphore_mem>>) src(%arg7 : memref<128x128xf32, #tpu.memory_space<vmem>>) dst(%dma_wait3A_66 : memref<128x128xf32, #tpu.memory_space<hbm>>)
    %dma_start3A_67 = arith.constant 0 : i32
    %dma_start3A_68 = arith.constant 2 : i32
    %dma_start3A_69 = arith.constant 0 : i32
    %dma_start3A_70 = tpu.memref_slice %arg6[%dma_start3A_67, %dma_start3A_68, %dma_start3A_69] : memref<32x4x128xi32, #tpu.memory_space<vmem>> -> memref<1x1x128xi32, #tpu.memory_space<vmem>>
    %dma_start3A_71 = tpu.memref_squeeze %dma_start3A_70 : memref<1x1x128xi32, #tpu.memory_space<vmem>> -> memref<128xi32, #tpu.memory_space<vmem>>
    %dma_start3A_72 = arith.constant 0 : i32
    %dma_start3A_73 = arith.constant 0 : i32
    %dma_start3A_74 = tpu.memref_slice %arg5[%dma_start3A_72, %dma_start3A_73] : memref<1000x128xf32, #tpu.memory_space<vmem_shared>> -> memref<1000x128xf32, #tpu.memory_space<vmem_shared>>
    tpu.enqueue_indirect_dma source(%dma_start3A_74 : memref<1000x128xf32, #tpu.memory_space<vmem_shared>>) target(%arg7 : memref<128x128xf32, #tpu.memory_space<vmem>>) offsets(%dma_start3A_71 : memref<128xi32, #tpu.memory_space<vmem>>) semaphore(%arg10 : memref<!tpu.dma_semaphore, #tpu.memory_space<semaphore_mem>>)
    %dma_wait3A_75 = arith.constant 0 : i32
    %dma_wait3A_76 = arith.constant 2 : i32
    %dma_wait3A_77 = arith.constant 0 : i32
    %dma_wait3A_78 = tpu.memref_slice %arg6[%dma_wait3A_75, %dma_wait3A_76, %dma_wait3A_77] : memref<32x4x128xi32, #tpu.memory_space<vmem>> -> memref<1x1x128xi32, #tpu.memory_space<vmem>>
    %dma_wait3A_79 = tpu.memref_squeeze %dma_wait3A_78 : memref<1x1x128xi32, #tpu.memory_space<vmem>> -> memref<128xi32, #tpu.memory_space<vmem>>
    %dma_wait3A_80 = arith.constant 0 : i32
    %dma_wait3A_81 = arith.constant 0 : i32
    %dma_wait3A_82 = tpu.memref_slice %arg5[%dma_wait3A_80, %dma_wait3A_81] : memref<1000x128xf32, #tpu.memory_space<vmem_shared>> -> memref<1000x128xf32, #tpu.memory_space<vmem_shared>>
    tpu.wait_indirect_dma semaphore(%arg10 : memref<!tpu.dma_semaphore, #tpu.memory_space<semaphore_mem>>) src(%dma_wait3A_82 : memref<1000x128xf32, #tpu.memory_space<vmem_shared>>) dst(%arg7 : memref<128x128xf32, #tpu.memory_space<vmem>>)
    %add3A_83 = arith.constant 0 : i32
    %add3A_84 = arith.addi %mul3A_2, %add3A_83 : i32
    %dma_start3A_85 = arith.constant 256 : i32
    %dma_start3A_86 = arith.constant 0 : i32
    %dma_start3A_87 = tpu.memref_slice %arg4[%add3A_84, %dma_start3A_85, %dma_start3A_86] : memref<1024x512x128xf32, #tpu.memory_space<hbm>> -> memref<1x128x128xf32, #tpu.memory_space<hbm>>
    %dma_start3A_88 = tpu.memref_squeeze %dma_start3A_87 : memref<1x128x128xf32, #tpu.memory_space<hbm>> -> memref<128x128xf32, #tpu.memory_space<hbm>>
    %dma_start3A_89 = arith.constant 256 : i32
    %dma_start3A_90 = arith.constant 0 : i32
    %dma_start3A_91 = tpu.memref_slice %arg4[%add3A_84, %dma_start3A_89, %dma_start3A_90] : memref<1024x512x128xf32, #tpu.memory_space<hbm>> -> memref<1x128x128xf32, #tpu.memory_space<hbm>>
    %dma_start3A_92 = tpu.memref_squeeze %dma_start3A_91 : memref<1x128x128xf32, #tpu.memory_space<hbm>> -> memref<128x128xf32, #tpu.memory_space<hbm>>
    tpu.enqueue_dma source(%arg7 : memref<128x128xf32, #tpu.memory_space<vmem>>) target(%dma_start3A_92 : memref<128x128xf32, #tpu.memory_space<hbm>>) target_semaphore(%arg12 : memref<!tpu.dma_semaphore, #tpu.memory_space<semaphore_mem>>)
    %add3A_93 = arith.constant 0 : i32
    %add3A_94 = arith.addi %mul3A_2, %add3A_93 : i32
    %dma_wait3A_95 = arith.constant 384 : i32
    %dma_wait3A_96 = arith.constant 0 : i32
    %dma_wait3A_97 = tpu.memref_slice %arg4[%add3A_94, %dma_wait3A_95, %dma_wait3A_96] : memref<1024x512x128xf32, #tpu.memory_space<hbm>> -> memref<1x128x128xf32, #tpu.memory_space<hbm>>
    %dma_wait3A_98 = tpu.memref_squeeze %dma_wait3A_97 : memref<1x128x128xf32, #tpu.memory_space<hbm>> -> memref<128x128xf32, #tpu.memory_space<hbm>>
    %dma_wait3A_99 = arith.constant 384 : i32
    %dma_wait3A_100 = arith.constant 0 : i32
    %dma_wait3A_101 = tpu.memref_slice %arg4[%add3A_94, %dma_wait3A_99, %dma_wait3A_100] : memref<1024x512x128xf32, #tpu.memory_space<hbm>> -> memref<1x128x128xf32, #tpu.memory_space<hbm>>
    %dma_wait3A_102 = tpu.memref_squeeze %dma_wait3A_101 : memref<1x128x128xf32, #tpu.memory_space<hbm>> -> memref<128x128xf32, #tpu.memory_space<hbm>>
    tpu.wait_dma2 semaphore(%arg13 : memref<!tpu.dma_semaphore, #tpu.memory_space<semaphore_mem>>) src(%arg8 : memref<128x128xf32, #tpu.memory_space<vmem>>) dst(%dma_wait3A_102 : memref<128x128xf32, #tpu.memory_space<hbm>>)
    %dma_start3A_103 = arith.constant 0 : i32
    %dma_start3A_104 = arith.constant 3 : i32
    %dma_start3A_105 = arith.constant 0 : i32
    %dma_start3A_106 = tpu.memref_slice %arg6[%dma_start3A_103, %dma_start3A_104, %dma_start3A_105] : memref<32x4x128xi32, #tpu.memory_space<vmem>> -> memref<1x1x128xi32, #tpu.memory_space<vmem>>
    %dma_start3A_107 = tpu.memref_squeeze %dma_start3A_106 : memref<1x1x128xi32, #tpu.memory_space<vmem>> -> memref<128xi32, #tpu.memory_space<vmem>>
    %dma_start3A_108 = arith.constant 0 : i32
    %dma_start3A_109 = arith.constant 0 : i32
    %dma_start3A_110 = tpu.memref_slice %arg5[%dma_start3A_108, %dma_start3A_109] : memref<1000x128xf32, #tpu.memory_space<vmem_shared>> -> memref<1000x128xf32, #tpu.memory_space<vmem_shared>>
    tpu.enqueue_indirect_dma source(%dma_start3A_110 : memref<1000x128xf32, #tpu.memory_space<vmem_shared>>) target(%arg8 : memref<128x128xf32, #tpu.memory_space<vmem>>) offsets(%dma_start3A_107 : memref<128xi32, #tpu.memory_space<vmem>>) semaphore(%arg11 : memref<!tpu.dma_semaphore, #tpu.memory_space<semaphore_mem>>)
    %dma_wait3A_111 = arith.constant 0 : i32
    %dma_wait3A_112 = arith.constant 3 : i32
    %dma_wait3A_113 = arith.constant 0 : i32
    %dma_wait3A_114 = tpu.memref_slice %arg6[%dma_wait3A_111, %dma_wait3A_112, %dma_wait3A_113] : memref<32x4x128xi32, #tpu.memory_space<vmem>> -> memref<1x1x128xi32, #tpu.memory_space<vmem>>
    %dma_wait3A_115 = tpu.memref_squeeze %dma_wait3A_114 : memref<1x1x128xi32, #tpu.memory_space<vmem>> -> memref<128xi32, #tpu.memory_space<vmem>>
    %dma_wait3A_116 = arith.constant 0 : i32
    %dma_wait3A_117 = arith.constant 0 : i32
    %dma_wait3A_118 = tpu.memref_slice %arg5[%dma_wait3A_116, %dma_wait3A_117] : memref<1000x128xf32, #tpu.memory_space<vmem_shared>> -> memref<1000x128xf32, #tpu.memory_space<vmem_shared>>
    tpu.wait_indirect_dma semaphore(%arg11 : memref<!tpu.dma_semaphore, #tpu.memory_space<semaphore_mem>>) src(%dma_wait3A_118 : memref<1000x128xf32, #tpu.memory_space<vmem_shared>>) dst(%arg8 : memref<128x128xf32, #tpu.memory_space<vmem>>)
    %add3A_119 = arith.constant 0 : i32
    %add3A_120 = arith.addi %mul3A_2, %add3A_119 : i32
    %dma_start3A_121 = arith.constant 384 : i32
    %dma_start3A_122 = arith.constant 0 : i32
    %dma_start3A_123 = tpu.memref_slice %arg4[%add3A_120, %dma_start3A_121, %dma_start3A_122] : memref<1024x512x128xf32, #tpu.memory_space<hbm>> -> memref<1x128x128xf32, #tpu.memory_space<hbm>>
    %dma_start3A_124 = tpu.memref_squeeze %dma_start3A_123 : memref<1x128x128xf32, #tpu.memory_space<hbm>> -> memref<128x128xf32, #tpu.memory_space<hbm>>
    %dma_start3A_125 = arith.constant 384 : i32
    %dma_start3A_126 = arith.constant 0 : i32
    %dma_start3A_127 = tpu.memref_slice %arg4[%add3A_120, %dma_start3A_125, %dma_start3A_126] : memref<1024x512x128xf32, #tpu.memory_space<hbm>> -> memref<1x128x128xf32, #tpu.memory_space<hbm>>
    %dma_start3A_128 = tpu.memref_squeeze %dma_start3A_127 : memref<1x128x128xf32, #tpu.memory_space<hbm>> -> memref<128x128xf32, #tpu.memory_space<hbm>>
    tpu.enqueue_dma source(%arg8 : memref<128x128xf32, #tpu.memory_space<vmem>>) target(%dma_start3A_128 : memref<128x128xf32, #tpu.memory_space<hbm>>) target_semaphore(%arg13 : memref<!tpu.dma_semaphore, #tpu.memory_space<semaphore_mem>>)
    %scan3A = arith.constant 0 : i32
    %scan3A_129 = arith.constant 1 : i32
    %scan3A_130 = arith.constant 31 : i32
    %scan3A_131 = arith.addi %scan3A_129, %scan3A_130 : i32
    %scan3A_132 = arith.constant 1 : i32
    %scan3A_133 = scf.for %scan3A_155 = %scan3A_129 to %scan3A_131 step %scan3A_132 iter_args(%scan3A_156 = %scan3A) -> (i32)  : i32 {
      %add3A_157 = arith.addi %mul3A_2, %scan3A_155 : i32
      %dma_wait3A_158 = arith.constant 0 : i32
      %dma_wait3A_159 = arith.constant 0 : i32
      %dma_wait3A_160 = tpu.memref_slice %arg4[%add3A_157, %dma_wait3A_158, %dma_wait3A_159] : memref<1024x512x128xf32, #tpu.memory_space<hbm>> -> memref<1x128x128xf32, #tpu.memory_space<hbm>>
      %dma_wait3A_161 = tpu.memref_squeeze %dma_wait3A_160 : memref<1x128x128xf32, #tpu.memory_space<hbm>> -> memref<128x128xf32, #tpu.memory_space<hbm>>
      %dma_wait3A_162 = arith.constant 0 : i32
      %dma_wait3A_163 = arith.constant 0 : i32
      %dma_wait3A_164 = tpu.memref_slice %arg4[%add3A_157, %dma_wait3A_162, %dma_wait3A_163] : memref<1024x512x128xf32, #tpu.memory_space<hbm>> -> memref<1x128x128xf32, #tpu.memory_space<hbm>>
      %dma_wait3A_165 = tpu.memref_squeeze %dma_wait3A_164 : memref<1x128x128xf32, #tpu.memory_space<hbm>> -> memref<128x128xf32, #tpu.memory_space<hbm>>
      tpu.wait_dma2 semaphore(%arg12 : memref<!tpu.dma_semaphore, #tpu.memory_space<semaphore_mem>>) src(%arg7 : memref<128x128xf32, #tpu.memory_space<vmem>>) dst(%dma_wait3A_165 : memref<128x128xf32, #tpu.memory_space<hbm>>)
      %dma_start3A_166 = arith.constant 0 : i32
      %dma_start3A_167 = arith.constant 0 : i32
      %dma_start3A_168 = tpu.memref_slice %arg6[%scan3A_155, %dma_start3A_166, %dma_start3A_167] : memref<32x4x128xi32, #tpu.memory_space<vmem>> -> memref<1x1x128xi32, #tpu.memory_space<vmem>>
      %dma_start3A_169 = tpu.memref_squeeze %dma_start3A_168 : memref<1x1x128xi32, #tpu.memory_space<vmem>> -> memref<128xi32, #tpu.memory_space<vmem>>
      %dma_start3A_170 = arith.constant 0 : i32
      %dma_start3A_171 = arith.constant 0 : i32
      %dma_start3A_172 = tpu.memref_slice %arg5[%dma_start3A_170, %dma_start3A_171] : memref<1000x128xf32, #tpu.memory_space<vmem_shared>> -> memref<1000x128xf32, #tpu.memory_space<vmem_shared>>
      tpu.enqueue_indirect_dma source(%dma_start3A_172 : memref<1000x128xf32, #tpu.memory_space<vmem_shared>>) target(%arg7 : memref<128x128xf32, #tpu.memory_space<vmem>>) offsets(%dma_start3A_169 : memref<128xi32, #tpu.memory_space<vmem>>) semaphore(%arg10 : memref<!tpu.dma_semaphore, #tpu.memory_space<semaphore_mem>>)
      %dma_wait3A_173 = arith.constant 0 : i32
      %dma_wait3A_174 = arith.constant 0 : i32
      %dma_wait3A_175 = tpu.memref_slice %arg6[%scan3A_155, %dma_wait3A_173, %dma_wait3A_174] : memref<32x4x128xi32, #tpu.memory_space<vmem>> -> memref<1x1x128xi32, #tpu.memory_space<vmem>>
      %dma_wait3A_176 = tpu.memref_squeeze %dma_wait3A_175 : memref<1x1x128xi32, #tpu.memory_space<vmem>> -> memref<128xi32, #tpu.memory_space<vmem>>
      %dma_wait3A_177 = arith.constant 0 : i32
      %dma_wait3A_178 = arith.constant 0 : i32
      %dma_wait3A_179 = tpu.memref_slice %arg5[%dma_wait3A_177, %dma_wait3A_178] : memref<1000x128xf32, #tpu.memory_space<vmem_shared>> -> memref<1000x128xf32, #tpu.memory_space<vmem_shared>>
      tpu.wait_indirect_dma semaphore(%arg10 : memref<!tpu.dma_semaphore, #tpu.memory_space<semaphore_mem>>) src(%dma_wait3A_179 : memref<1000x128xf32, #tpu.memory_space<vmem_shared>>) dst(%arg7 : memref<128x128xf32, #tpu.memory_space<vmem>>)
      %add3A_180 = arith.addi %mul3A_2, %scan3A_155 : i32
      %dma_start3A_181 = arith.constant 0 : i32
      %dma_start3A_182 = arith.constant 0 : i32
      %dma_start3A_183 = tpu.memref_slice %arg4[%add3A_180, %dma_start3A_181, %dma_start3A_182] : memref<1024x512x128xf32, #tpu.memory_space<hbm>> -> memref<1x128x128xf32, #tpu.memory_space<hbm>>
      %dma_start3A_184 = tpu.memref_squeeze %dma_start3A_183 : memref<1x128x128xf32, #tpu.memory_space<hbm>> -> memref<128x128xf32, #tpu.memory_space<hbm>>
      %dma_start3A_185 = arith.constant 0 : i32
      %dma_start3A_186 = arith.constant 0 : i32
      %dma_start3A_187 = tpu.memref_slice %arg4[%add3A_180, %dma_start3A_185, %dma_start3A_186] : memref<1024x512x128xf32, #tpu.memory_space<hbm>> -> memref<1x128x128xf32, #tpu.memory_space<hbm>>
      %dma_start3A_188 = tpu.memref_squeeze %dma_start3A_187 : memref<1x128x128xf32, #tpu.memory_space<hbm>> -> memref<128x128xf32, #tpu.memory_space<hbm>>
      tpu.enqueue_dma source(%arg7 : memref<128x128xf32, #tpu.memory_space<vmem>>) target(%dma_start3A_188 : memref<128x128xf32, #tpu.memory_space<hbm>>) target_semaphore(%arg12 : memref<!tpu.dma_semaphore, #tpu.memory_space<semaphore_mem>>)
      %add3A_189 = arith.addi %mul3A_2, %scan3A_155 : i32
      %dma_wait3A_190 = arith.constant 128 : i32
      %dma_wait3A_191 = arith.constant 0 : i32
      %dma_wait3A_192 = tpu.memref_slice %arg4[%add3A_189, %dma_wait3A_190, %dma_wait3A_191] : memref<1024x512x128xf32, #tpu.memory_space<hbm>> -> memref<1x128x128xf32, #tpu.memory_space<hbm>>
      %dma_wait3A_193 = tpu.memref_squeeze %dma_wait3A_192 : memref<1x128x128xf32, #tpu.memory_space<hbm>> -> memref<128x128xf32, #tpu.memory_space<hbm>>
      %dma_wait3A_194 = arith.constant 128 : i32
      %dma_wait3A_195 = arith.constant 0 : i32
      %dma_wait3A_196 = tpu.memref_slice %arg4[%add3A_189, %dma_wait3A_194, %dma_wait3A_195] : memref<1024x512x128xf32, #tpu.memory_space<hbm>> -> memref<1x128x128xf32, #tpu.memory_space<hbm>>
      %dma_wait3A_197 = tpu.memref_squeeze %dma_wait3A_196 : memref<1x128x128xf32, #tpu.memory_space<hbm>> -> memref<128x128xf32, #tpu.memory_space<hbm>>
      tpu.wait_dma2 semaphore(%arg13 : memref<!tpu.dma_semaphore, #tpu.memory_space<semaphore_mem>>) src(%arg8 : memref<128x128xf32, #tpu.memory_space<vmem>>) dst(%dma_wait3A_197 : memref<128x128xf32, #tpu.memory_space<hbm>>)
      %dma_start3A_198 = arith.constant 1 : i32
      %dma_start3A_199 = arith.constant 0 : i32
      %dma_start3A_200 = tpu.memref_slice %arg6[%scan3A_155, %dma_start3A_198, %dma_start3A_199] : memref<32x4x128xi32, #tpu.memory_space<vmem>> -> memref<1x1x128xi32, #tpu.memory_space<vmem>>
      %dma_start3A_201 = tpu.memref_squeeze %dma_start3A_200 : memref<1x1x128xi32, #tpu.memory_space<vmem>> -> memref<128xi32, #tpu.memory_space<vmem>>
      %dma_start3A_202 = arith.constant 0 : i32
      %dma_start3A_203 = arith.constant 0 : i32
      %dma_start3A_204 = tpu.memref_slice %arg5[%dma_start3A_202, %dma_start3A_203] : memref<1000x128xf32, #tpu.memory_space<vmem_shared>> -> memref<1000x128xf32, #tpu.memory_space<vmem_shared>>
      tpu.enqueue_indirect_dma source(%dma_start3A_204 : memref<1000x128xf32, #tpu.memory_space<vmem_shared>>) target(%arg8 : memref<128x128xf32, #tpu.memory_space<vmem>>) offsets(%dma_start3A_201 : memref<128xi32, #tpu.memory_space<vmem>>) semaphore(%arg11 : memref<!tpu.dma_semaphore, #tpu.memory_space<semaphore_mem>>)
      %dma_wait3A_205 = arith.constant 1 : i32
      %dma_wait3A_206 = arith.constant 0 : i32
      %dma_wait3A_207 = tpu.memref_slice %arg6[%scan3A_155, %dma_wait3A_205, %dma_wait3A_206] : memref<32x4x128xi32, #tpu.memory_space<vmem>> -> memref<1x1x128xi32, #tpu.memory_space<vmem>>
      %dma_wait3A_208 = tpu.memref_squeeze %dma_wait3A_207 : memref<1x1x128xi32, #tpu.memory_space<vmem>> -> memref<128xi32, #tpu.memory_space<vmem>>
      %dma_wait3A_209 = arith.constant 0 : i32
      %dma_wait3A_210 = arith.constant 0 : i32
      %dma_wait3A_211 = tpu.memref_slice %arg5[%dma_wait3A_209, %dma_wait3A_210] : memref<1000x128xf32, #tpu.memory_space<vmem_shared>> -> memref<1000x128xf32, #tpu.memory_space<vmem_shared>>
      tpu.wait_indirect_dma semaphore(%arg11 : memref<!tpu.dma_semaphore, #tpu.memory_space<semaphore_mem>>) src(%dma_wait3A_211 : memref<1000x128xf32, #tpu.memory_space<vmem_shared>>) dst(%arg8 : memref<128x128xf32, #tpu.memory_space<vmem>>)
      %add3A_212 = arith.addi %mul3A_2, %scan3A_155 : i32
      %dma_start3A_213 = arith.constant 128 : i32
      %dma_start3A_214 = arith.constant 0 : i32
      %dma_start3A_215 = tpu.memref_slice %arg4[%add3A_212, %dma_start3A_213, %dma_start3A_214] : memref<1024x512x128xf32, #tpu.memory_space<hbm>> -> memref<1x128x128xf32, #tpu.memory_space<hbm>>
      %dma_start3A_216 = tpu.memref_squeeze %dma_start3A_215 : memref<1x128x128xf32, #tpu.memory_space<hbm>> -> memref<128x128xf32, #tpu.memory_space<hbm>>
      %dma_start3A_217 = arith.constant 128 : i32
      %dma_start3A_218 = arith.constant 0 : i32
      %dma_start3A_219 = tpu.memref_slice %arg4[%add3A_212, %dma_start3A_217, %dma_start3A_218] : memref<1024x512x128xf32, #tpu.memory_space<hbm>> -> memref<1x128x128xf32, #tpu.memory_space<hbm>>
      %dma_start3A_220 = tpu.memref_squeeze %dma_start3A_219 : memref<1x128x128xf32, #tpu.memory_space<hbm>> -> memref<128x128xf32, #tpu.memory_space<hbm>>
      tpu.enqueue_dma source(%arg8 : memref<128x128xf32, #tpu.memory_space<vmem>>) target(%dma_start3A_220 : memref<128x128xf32, #tpu.memory_space<hbm>>) target_semaphore(%arg13 : memref<!tpu.dma_semaphore, #tpu.memory_space<semaphore_mem>>)
      %add3A_221 = arith.addi %mul3A_2, %scan3A_155 : i32
      %dma_wait3A_222 = arith.constant 256 : i32
      %dma_wait3A_223 = arith.constant 0 : i32
      %dma_wait3A_224 = tpu.memref_slice %arg4[%add3A_221, %dma_wait3A_222, %dma_wait3A_223] : memref<1024x512x128xf32, #tpu.memory_space<hbm>> -> memref<1x128x128xf32, #tpu.memory_space<hbm>>
      %dma_wait3A_225 = tpu.memref_squeeze %dma_wait3A_224 : memref<1x128x128xf32, #tpu.memory_space<hbm>> -> memref<128x128xf32, #tpu.memory_space<hbm>>
      %dma_wait3A_226 = arith.constant 256 : i32
      %dma_wait3A_227 = arith.constant 0 : i32
      %dma_wait3A_228 = tpu.memref_slice %arg4[%add3A_221, %dma_wait3A_226, %dma_wait3A_227] : memref<1024x512x128xf32, #tpu.memory_space<hbm>> -> memref<1x128x128xf32, #tpu.memory_space<hbm>>
      %dma_wait3A_229 = tpu.memref_squeeze %dma_wait3A_228 : memref<1x128x128xf32, #tpu.memory_space<hbm>> -> memref<128x128xf32, #tpu.memory_space<hbm>>
      tpu.wait_dma2 semaphore(%arg12 : memref<!tpu.dma_semaphore, #tpu.memory_space<semaphore_mem>>) src(%arg7 : memref<128x128xf32, #tpu.memory_space<vmem>>) dst(%dma_wait3A_229 : memref<128x128xf32, #tpu.memory_space<hbm>>)
      %dma_start3A_230 = arith.constant 2 : i32
      %dma_start3A_231 = arith.constant 0 : i32
      %dma_start3A_232 = tpu.memref_slice %arg6[%scan3A_155, %dma_start3A_230, %dma_start3A_231] : memref<32x4x128xi32, #tpu.memory_space<vmem>> -> memref<1x1x128xi32, #tpu.memory_space<vmem>>
      %dma_start3A_233 = tpu.memref_squeeze %dma_start3A_232 : memref<1x1x128xi32, #tpu.memory_space<vmem>> -> memref<128xi32, #tpu.memory_space<vmem>>
      %dma_start3A_234 = arith.constant 0 : i32
      %dma_start3A_235 = arith.constant 0 : i32
      %dma_start3A_236 = tpu.memref_slice %arg5[%dma_start3A_234, %dma_start3A_235] : memref<1000x128xf32, #tpu.memory_space<vmem_shared>> -> memref<1000x128xf32, #tpu.memory_space<vmem_shared>>
      tpu.enqueue_indirect_dma source(%dma_start3A_236 : memref<1000x128xf32, #tpu.memory_space<vmem_shared>>) target(%arg7 : memref<128x128xf32, #tpu.memory_space<vmem>>) offsets(%dma_start3A_233 : memref<128xi32, #tpu.memory_space<vmem>>) semaphore(%arg10 : memref<!tpu.dma_semaphore, #tpu.memory_space<semaphore_mem>>)
      %dma_wait3A_237 = arith.constant 2 : i32
      %dma_wait3A_238 = arith.constant 0 : i32
      %dma_wait3A_239 = tpu.memref_slice %arg6[%scan3A_155, %dma_wait3A_237, %dma_wait3A_238] : memref<32x4x128xi32, #tpu.memory_space<vmem>> -> memref<1x1x128xi32, #tpu.memory_space<vmem>>
      %dma_wait3A_240 = tpu.memref_squeeze %dma_wait3A_239 : memref<1x1x128xi32, #tpu.memory_space<vmem>> -> memref<128xi32, #tpu.memory_space<vmem>>
      %dma_wait3A_241 = arith.constant 0 : i32
      %dma_wait3A_242 = arith.constant 0 : i32
      %dma_wait3A_243 = tpu.memref_slice %arg5[%dma_wait3A_241, %dma_wait3A_242] : memref<1000x128xf32, #tpu.memory_space<vmem_shared>> -> memref<1000x128xf32, #tpu.memory_space<vmem_shared>>
      tpu.wait_indirect_dma semaphore(%arg10 : memref<!tpu.dma_semaphore, #tpu.memory_space<semaphore_mem>>) src(%dma_wait3A_243 : memref<1000x128xf32, #tpu.memory_space<vmem_shared>>) dst(%arg7 : memref<128x128xf32, #tpu.memory_space<vmem>>)
      %add3A_244 = arith.addi %mul3A_2, %scan3A_155 : i32
      %dma_start3A_245 = arith.constant 256 : i32
      %dma_start3A_246 = arith.constant 0 : i32
      %dma_start3A_247 = tpu.memref_slice %arg4[%add3A_244, %dma_start3A_245, %dma_start3A_246] : memref<1024x512x128xf32, #tpu.memory_space<hbm>> -> memref<1x128x128xf32, #tpu.memory_space<hbm>>
      %dma_start3A_248 = tpu.memref_squeeze %dma_start3A_247 : memref<1x128x128xf32, #tpu.memory_space<hbm>> -> memref<128x128xf32, #tpu.memory_space<hbm>>
      %dma_start3A_249 = arith.constant 256 : i32
      %dma_start3A_250 = arith.constant 0 : i32
      %dma_start3A_251 = tpu.memref_slice %arg4[%add3A_244, %dma_start3A_249, %dma_start3A_250] : memref<1024x512x128xf32, #tpu.memory_space<hbm>> -> memref<1x128x128xf32, #tpu.memory_space<hbm>>
      %dma_start3A_252 = tpu.memref_squeeze %dma_start3A_251 : memref<1x128x128xf32, #tpu.memory_space<hbm>> -> memref<128x128xf32, #tpu.memory_space<hbm>>
      tpu.enqueue_dma source(%arg7 : memref<128x128xf32, #tpu.memory_space<vmem>>) target(%dma_start3A_252 : memref<128x128xf32, #tpu.memory_space<hbm>>) target_semaphore(%arg12 : memref<!tpu.dma_semaphore, #tpu.memory_space<semaphore_mem>>)
      %add3A_253 = arith.addi %mul3A_2, %scan3A_155 : i32
      %dma_wait3A_254 = arith.constant 384 : i32
      %dma_wait3A_255 = arith.constant 0 : i32
      %dma_wait3A_256 = tpu.memref_slice %arg4[%add3A_253, %dma_wait3A_254, %dma_wait3A_255] : memref<1024x512x128xf32, #tpu.memory_space<hbm>> -> memref<1x128x128xf32, #tpu.memory_space<hbm>>
      %dma_wait3A_257 = tpu.memref_squeeze %dma_wait3A_256 : memref<1x128x128xf32, #tpu.memory_space<hbm>> -> memref<128x128xf32, #tpu.memory_space<hbm>>
      %dma_wait3A_258 = arith.constant 384 : i32
      %dma_wait3A_259 = arith.constant 0 : i32
      %dma_wait3A_260 = tpu.memref_slice %arg4[%add3A_253, %dma_wait3A_258, %dma_wait3A_259] : memref<1024x512x128xf32, #tpu.memory_space<hbm>> -> memref<1x128x128xf32, #tpu.memory_space<hbm>>
      %dma_wait3A_261 = tpu.memref_squeeze %dma_wait3A_260 : memref<1x128x128xf32, #tpu.memory_space<hbm>> -> memref<128x128xf32, #tpu.memory_space<hbm>>
      tpu.wait_dma2 semaphore(%arg13 : memref<!tpu.dma_semaphore, #tpu.memory_space<semaphore_mem>>) src(%arg8 : memref<128x128xf32, #tpu.memory_space<vmem>>) dst(%dma_wait3A_261 : memref<128x128xf32, #tpu.memory_space<hbm>>)
      %dma_start3A_262 = arith.constant 3 : i32
      %dma_start3A_263 = arith.constant 0 : i32
      %dma_start3A_264 = tpu.memref_slice %arg6[%scan3A_155, %dma_start3A_262, %dma_start3A_263] : memref<32x4x128xi32, #tpu.memory_space<vmem>> -> memref<1x1x128xi32, #tpu.memory_space<vmem>>
      %dma_start3A_265 = tpu.memref_squeeze %dma_start3A_264 : memref<1x1x128xi32, #tpu.memory_space<vmem>> -> memref<128xi32, #tpu.memory_space<vmem>>
      %dma_start3A_266 = arith.constant 0 : i32
      %dma_start3A_267 = arith.constant 0 : i32
      %dma_start3A_268 = tpu.memref_slice %arg5[%dma_start3A_266, %dma_start3A_267] : memref<1000x128xf32, #tpu.memory_space<vmem_shared>> -> memref<1000x128xf32, #tpu.memory_space<vmem_shared>>
      tpu.enqueue_indirect_dma source(%dma_start3A_268 : memref<1000x128xf32, #tpu.memory_space<vmem_shared>>) target(%arg8 : memref<128x128xf32, #tpu.memory_space<vmem>>) offsets(%dma_start3A_265 : memref<128xi32, #tpu.memory_space<vmem>>) semaphore(%arg11 : memref<!tpu.dma_semaphore, #tpu.memory_space<semaphore_mem>>)
      %dma_wait3A_269 = arith.constant 3 : i32
      %dma_wait3A_270 = arith.constant 0 : i32
      %dma_wait3A_271 = tpu.memref_slice %arg6[%scan3A_155, %dma_wait3A_269, %dma_wait3A_270] : memref<32x4x128xi32, #tpu.memory_space<vmem>> -> memref<1x1x128xi32, #tpu.memory_space<vmem>>
      %dma_wait3A_272 = tpu.memref_squeeze %dma_wait3A_271 : memref<1x1x128xi32, #tpu.memory_space<vmem>> -> memref<128xi32, #tpu.memory_space<vmem>>
      %dma_wait3A_273 = arith.constant 0 : i32
      %dma_wait3A_274 = arith.constant 0 : i32
      %dma_wait3A_275 = tpu.memref_slice %arg5[%dma_wait3A_273, %dma_wait3A_274] : memref<1000x128xf32, #tpu.memory_space<vmem_shared>> -> memref<1000x128xf32, #tpu.memory_space<vmem_shared>>
      tpu.wait_indirect_dma semaphore(%arg11 : memref<!tpu.dma_semaphore, #tpu.memory_space<semaphore_mem>>) src(%dma_wait3A_275 : memref<1000x128xf32, #tpu.memory_space<vmem_shared>>) dst(%arg8 : memref<128x128xf32, #tpu.memory_space<vmem>>)
      %add3A_276 = arith.addi %mul3A_2, %scan3A_155 : i32
      %dma_start3A_277 = arith.constant 384 : i32
      %dma_start3A_278 = arith.constant 0 : i32
      %dma_start3A_279 = tpu.memref_slice %arg4[%add3A_276, %dma_start3A_277, %dma_start3A_278] : memref<1024x512x128xf32, #tpu.memory_space<hbm>> -> memref<1x128x128xf32, #tpu.memory_space<hbm>>
      %dma_start3A_280 = tpu.memref_squeeze %dma_start3A_279 : memref<1x128x128xf32, #tpu.memory_space<hbm>> -> memref<128x128xf32, #tpu.memory_space<hbm>>
      %dma_start3A_281 = arith.constant 384 : i32
      %dma_start3A_282 = arith.constant 0 : i32
      %dma_start3A_283 = tpu.memref_slice %arg4[%add3A_276, %dma_start3A_281, %dma_start3A_282] : memref<1024x512x128xf32, #tpu.memory_space<hbm>> -> memref<1x128x128xf32, #tpu.memory_space<hbm>>
      %dma_start3A_284 = tpu.memref_squeeze %dma_start3A_283 : memref<1x128x128xf32, #tpu.memory_space<hbm>> -> memref<128x128xf32, #tpu.memory_space<hbm>>
      tpu.enqueue_dma source(%arg8 : memref<128x128xf32, #tpu.memory_space<vmem>>) target(%dma_start3A_284 : memref<128x128xf32, #tpu.memory_space<hbm>>) target_semaphore(%arg13 : memref<!tpu.dma_semaphore, #tpu.memory_space<semaphore_mem>>)
      %scan3A_285 = arith.constant 0 : i32
      scf.yield %scan3A_285 : i32
    }
    %scan3A_134 = arith.constant 31 : i32
    %add3A_135 = arith.constant 0 : i32
    %add3A_136 = arith.addi %mul3A_2, %add3A_135 : i32
    %dma_wait3A_137 = arith.constant 0 : i32
    %dma_wait3A_138 = arith.constant 0 : i32
    %dma_wait3A_139 = tpu.memref_slice %arg4[%add3A_136, %dma_wait3A_137, %dma_wait3A_138] : memref<1024x512x128xf32, #tpu.memory_space<hbm>> -> memref<1x128x128xf32, #tpu.memory_space<hbm>>
    %dma_wait3A_140 = tpu.memref_squeeze %dma_wait3A_139 : memref<1x128x128xf32, #tpu.memory_space<hbm>> -> memref<128x128xf32, #tpu.memory_space<hbm>>
    %dma_wait3A_141 = arith.constant 0 : i32
    %dma_wait3A_142 = arith.constant 0 : i32
    %dma_wait3A_143 = tpu.memref_slice %arg4[%add3A_136, %dma_wait3A_141, %dma_wait3A_142] : memref<1024x512x128xf32, #tpu.memory_space<hbm>> -> memref<1x128x128xf32, #tpu.memory_space<hbm>>
    %dma_wait3A_144 = tpu.memref_squeeze %dma_wait3A_143 : memref<1x128x128xf32, #tpu.memory_space<hbm>> -> memref<128x128xf32, #tpu.memory_space<hbm>>
    tpu.wait_dma2 semaphore(%arg12 : memref<!tpu.dma_semaphore, #tpu.memory_space<semaphore_mem>>) src(%arg7 : memref<128x128xf32, #tpu.memory_space<vmem>>) dst(%dma_wait3A_144 : memref<128x128xf32, #tpu.memory_space<hbm>>)
    %add3A_145 = arith.constant 0 : i32
    %add3A_146 = arith.addi %mul3A_2, %add3A_145 : i32
    %dma_wait3A_147 = arith.constant 128 : i32
    %dma_wait3A_148 = arith.constant 0 : i32
    %dma_wait3A_149 = tpu.memref_slice %arg4[%add3A_146, %dma_wait3A_147, %dma_wait3A_148] : memref<1024x512x128xf32, #tpu.memory_space<hbm>> -> memref<1x128x128xf32, #tpu.memory_space<hbm>>
    %dma_wait3A_150 = tpu.memref_squeeze %dma_wait3A_149 : memref<1x128x128xf32, #tpu.memory_space<hbm>> -> memref<128x128xf32, #tpu.memory_space<hbm>>
    %dma_wait3A_151 = arith.constant 128 : i32
    %dma_wait3A_152 = arith.constant 0 : i32
    %dma_wait3A_153 = tpu.memref_slice %arg4[%add3A_146, %dma_wait3A_151, %dma_wait3A_152] : memref<1024x512x128xf32, #tpu.memory_space<hbm>> -> memref<1x128x128xf32, #tpu.memory_space<hbm>>
    %dma_wait3A_154 = tpu.memref_squeeze %dma_wait3A_153 : memref<1x128x128xf32, #tpu.memory_space<hbm>> -> memref<128x128xf32, #tpu.memory_space<hbm>>
    tpu.wait_dma2 semaphore(%arg13 : memref<!tpu.dma_semaphore, #tpu.memory_space<semaphore_mem>>) src(%arg8 : memref<128x128xf32, #tpu.memory_space<vmem>>) dst(%dma_wait3A_154 : memref<128x128xf32, #tpu.memory_space<hbm>>)
    return
  }
}

#map = affine_map<(d0, d1) -> (0, 0, 0)>
#map1 = affine_map<(d0, d1) -> (0, 0)>
module attributes {stable_mosaic.version = 14 : i64} {
  func.func @_sc_body(%arg0: i32, %arg1: i32, %arg2: memref<1024x4x128xi32, #tpu.memory_space<hbm>>, %arg3: memref<1000x128xf32, #tpu.memory_space<hbm>>, %arg4: memref<1024x512x128xf32, #tpu.memory_space<hbm>>, %arg5: memref<1000x128xf32, #tpu.memory_space<vmem_shared>>, %arg6: memref<32x4x128xi32, #tpu.memory_space<vmem>>, %arg7: memref<128x128xf32, #tpu.memory_space<vmem>>, %arg8: memref<128x128xf32, #tpu.memory_space<vmem>>, %arg9: memref<!tpu.dma_semaphore, #tpu.memory_space<semaphore_mem>>, %arg10: memref<!tpu.dma_semaphore, #tpu.memory_space<semaphore_mem>>, %arg11: memref<!tpu.dma_semaphore, #tpu.memory_space<semaphore_mem>>, %arg12: memref<!tpu.dma_semaphore, #tpu.memory_space<semaphore_mem>>, %arg13: memref<!tpu.dma_semaphore, #tpu.memory_space<semaphore_mem>>) attributes {dimension_semantics = [#tpu.dimension_semantics<core_parallel>, #tpu.dimension_semantics<subcore_parallel>], iteration_bounds = array<i64: 2, 16>, scalar_prefetch = 0 : i64, scratch_operands = 9 : i64, tpu.core_type = #tpu.core_type<sc_vector_subcore>, window_params = [{transform_indices = #map}, {transform_indices = #map1}, {transform_indices = #map}]} {
    %mul3A = arith.constant 2 : i32
    %mul3A_0 = arith.muli %arg1, %mul3A : i32
    %add3A = arith.addi %mul3A_0, %arg0 : i32
    %mul3A_1 = arith.constant 32 : i32
    %mul3A_2 = arith.muli %add3A, %mul3A_1 : i32
    %eq3A = arith.constant 0 : i32
    %eq3A_3 = arith.cmpi eq, %arg1, %eq3A : i32
    %convert_element_type3A = arith.extui %eq3A_3 : i1 to i32
    %cond3A = arith.constant 0 : i32
    %cond3A_4 = arith.cmpi ne, %convert_element_type3A, %cond3A : i32
    scf.if %cond3A_4 {
      tpu.enqueue_dma source(%arg3 : memref<1000x128xf32, #tpu.memory_space<hbm>>) target(%arg5 : memref<1000x128xf32, #tpu.memory_space<vmem_shared>>) target_semaphore(%arg9 : memref<!tpu.dma_semaphore, #tpu.memory_space<semaphore_mem>>)
      tpu.wait_dma2 semaphore(%arg9 : memref<!tpu.dma_semaphore, #tpu.memory_space<semaphore_mem>>) src(%arg3 : memref<1000x128xf32, #tpu.memory_space<hbm>>) dst(%arg5 : memref<1000x128xf32, #tpu.memory_space<vmem_shared>>)
    } else {
    }
    %barrier3A = arith.constant 0 : index
    tpu.barrier barrier_id(%barrier3A)
    %add3A_5 = arith.constant 0 : i32
    %add3A_6 = arith.addi %mul3A_2, %add3A_5 : i32
    "tpu.region"() ({
      %run_scoped3A = tpu.sem_alloc : memref<!tpu.dma_semaphore, #tpu.memory_space<semaphore_mem>>
      %dma_start3A_155 = arith.constant 0 : i32
      %dma_start3A_156 = arith.constant 0 : i32
      %dma_start3A_157 = tpu.memref_slice %arg2[%add3A_6, %dma_start3A_155, %dma_start3A_156] : memref<1024x4x128xi32, #tpu.memory_space<hbm>> -> memref<32x4x128xi32, #tpu.memory_space<hbm>>
      %dma_start3A_158 = arith.constant 0 : i32
      %dma_start3A_159 = arith.constant 0 : i32
      %dma_start3A_160 = tpu.memref_slice %arg2[%add3A_6, %dma_start3A_158, %dma_start3A_159] : memref<1024x4x128xi32, #tpu.memory_space<hbm>> -> memref<32x4x128xi32, #tpu.memory_space<hbm>>
      tpu.enqueue_dma source(%dma_start3A_160 : memref<32x4x128xi32, #tpu.memory_space<hbm>>) target(%arg6 : memref<32x4x128xi32, #tpu.memory_space<vmem>>) target_semaphore(%run_scoped3A : memref<!tpu.dma_semaphore, #tpu.memory_space<semaphore_mem>>)
      %dma_wait3A_161 = arith.constant 0 : i32
      %dma_wait3A_162 = arith.constant 0 : i32
      %dma_wait3A_163 = tpu.memref_slice %arg2[%add3A_6, %dma_wait3A_161, %dma_wait3A_162] : memref<1024x4x128xi32, #tpu.memory_space<hbm>> -> memref<32x4x128xi32, #tpu.memory_space<hbm>>
      %dma_wait3A_164 = arith.constant 0 : i32
      %dma_wait3A_165 = arith.constant 0 : i32
      %dma_wait3A_166 = tpu.memref_slice %arg2[%add3A_6, %dma_wait3A_164, %dma_wait3A_165] : memref<1024x4x128xi32, #tpu.memory_space<hbm>> -> memref<32x4x128xi32, #tpu.memory_space<hbm>>
      tpu.wait_dma2 semaphore(%run_scoped3A : memref<!tpu.dma_semaphore, #tpu.memory_space<semaphore_mem>>) src(%dma_wait3A_166 : memref<32x4x128xi32, #tpu.memory_space<hbm>>) dst(%arg6 : memref<32x4x128xi32, #tpu.memory_space<vmem>>)
      tpu.yield
    }) : () -> ()
    %dma_start3A = arith.constant 0 : i32
    %dma_start3A_7 = arith.constant 0 : i32
    %dma_start3A_8 = arith.constant 0 : i32
    %dma_start3A_9 = tpu.memref_slice %arg6[%dma_start3A, %dma_start3A_7, %dma_start3A_8] : memref<32x4x128xi32, #tpu.memory_space<vmem>> -> memref<1x1x128xi32, #tpu.memory_space<vmem>>
    %dma_start3A_10 = tpu.memref_squeeze %dma_start3A_9 : memref<1x1x128xi32, #tpu.memory_space<vmem>> -> memref<128xi32, #tpu.memory_space<vmem>>
    %dma_start3A_11 = arith.constant 0 : i32
    %dma_start3A_12 = arith.constant 0 : i32
    %dma_start3A_13 = tpu.memref_slice %arg5[%dma_start3A_11, %dma_start3A_12] : memref<1000x128xf32, #tpu.memory_space<vmem_shared>> -> memref<1000x128xf32, #tpu.memory_space<vmem_shared>>
    tpu.enqueue_indirect_dma source(%dma_start3A_13 : memref<1000x128xf32, #tpu.memory_space<vmem_shared>>) target(%arg7 : memref<128x128xf32, #tpu.memory_space<vmem>>) offsets(%dma_start3A_10 : memref<128xi32, #tpu.memory_space<vmem>>) semaphore(%arg10 : memref<!tpu.dma_semaphore, #tpu.memory_space<semaphore_mem>>)
    %dma_wait3A = arith.constant 0 : i32
    %dma_wait3A_14 = arith.constant 0 : i32
    %dma_wait3A_15 = arith.constant 0 : i32
    %dma_wait3A_16 = tpu.memref_slice %arg6[%dma_wait3A, %dma_wait3A_14, %dma_wait3A_15] : memref<32x4x128xi32, #tpu.memory_space<vmem>> -> memref<1x1x128xi32, #tpu.memory_space<vmem>>
    %dma_wait3A_17 = tpu.memref_squeeze %dma_wait3A_16 : memref<1x1x128xi32, #tpu.memory_space<vmem>> -> memref<128xi32, #tpu.memory_space<vmem>>
    %dma_wait3A_18 = arith.constant 0 : i32
    %dma_wait3A_19 = arith.constant 0 : i32
    %dma_wait3A_20 = tpu.memref_slice %arg5[%dma_wait3A_18, %dma_wait3A_19] : memref<1000x128xf32, #tpu.memory_space<vmem_shared>> -> memref<1000x128xf32, #tpu.memory_space<vmem_shared>>
    tpu.wait_indirect_dma semaphore(%arg10 : memref<!tpu.dma_semaphore, #tpu.memory_space<semaphore_mem>>) src(%dma_wait3A_20 : memref<1000x128xf32, #tpu.memory_space<vmem_shared>>) dst(%arg7 : memref<128x128xf32, #tpu.memory_space<vmem>>)
    %add3A_21 = arith.constant 0 : i32
    %add3A_22 = arith.addi %mul3A_2, %add3A_21 : i32
    %dma_start3A_23 = arith.constant 0 : i32
    %dma_start3A_24 = arith.constant 0 : i32
    %dma_start3A_25 = tpu.memref_slice %arg4[%add3A_22, %dma_start3A_23, %dma_start3A_24] : memref<1024x512x128xf32, #tpu.memory_space<hbm>> -> memref<1x128x128xf32, #tpu.memory_space<hbm>>
    %dma_start3A_26 = tpu.memref_squeeze %dma_start3A_25 : memref<1x128x128xf32, #tpu.memory_space<hbm>> -> memref<128x128xf32, #tpu.memory_space<hbm>>
    %dma_start3A_27 = arith.constant 0 : i32
    %dma_start3A_28 = arith.constant 0 : i32
    %dma_start3A_29 = tpu.memref_slice %arg4[%add3A_22, %dma_start3A_27, %dma_start3A_28] : memref<1024x512x128xf32, #tpu.memory_space<hbm>> -> memref<1x128x128xf32, #tpu.memory_space<hbm>>
    %dma_start3A_30 = tpu.memref_squeeze %dma_start3A_29 : memref<1x128x128xf32, #tpu.memory_space<hbm>> -> memref<128x128xf32, #tpu.memory_space<hbm>>
    tpu.enqueue_dma source(%arg7 : memref<128x128xf32, #tpu.memory_space<vmem>>) target(%dma_start3A_30 : memref<128x128xf32, #tpu.memory_space<hbm>>) target_semaphore(%arg12 : memref<!tpu.dma_semaphore, #tpu.memory_space<semaphore_mem>>)
    %dma_start3A_31 = arith.constant 0 : i32
    %dma_start3A_32 = arith.constant 1 : i32
    %dma_start3A_33 = arith.constant 0 : i32
    %dma_start3A_34 = tpu.memref_slice %arg6[%dma_start3A_31, %dma_start3A_32, %dma_start3A_33] : memref<32x4x128xi32, #tpu.memory_space<vmem>> -> memref<1x1x128xi32, #tpu.memory_space<vmem>>
    %dma_start3A_35 = tpu.memref_squeeze %dma_start3A_34 : memref<1x1x128xi32, #tpu.memory_space<vmem>> -> memref<128xi32, #tpu.memory_space<vmem>>
    %dma_start3A_36 = arith.constant 0 : i32
    %dma_start3A_37 = arith.constant 0 : i32
    %dma_start3A_38 = tpu.memref_slice %arg5[%dma_start3A_36, %dma_start3A_37] : memref<1000x128xf32, #tpu.memory_space<vmem_shared>> -> memref<1000x128xf32, #tpu.memory_space<vmem_shared>>
    tpu.enqueue_indirect_dma source(%dma_start3A_38 : memref<1000x128xf32, #tpu.memory_space<vmem_shared>>) target(%arg8 : memref<128x128xf32, #tpu.memory_space<vmem>>) offsets(%dma_start3A_35 : memref<128xi32, #tpu.memory_space<vmem>>) semaphore(%arg11 : memref<!tpu.dma_semaphore, #tpu.memory_space<semaphore_mem>>)
    %dma_wait3A_39 = arith.constant 0 : i32
    %dma_wait3A_40 = arith.constant 1 : i32
    %dma_wait3A_41 = arith.constant 0 : i32
    %dma_wait3A_42 = tpu.memref_slice %arg6[%dma_wait3A_39, %dma_wait3A_40, %dma_wait3A_41] : memref<32x4x128xi32, #tpu.memory_space<vmem>> -> memref<1x1x128xi32, #tpu.memory_space<vmem>>
    %dma_wait3A_43 = tpu.memref_squeeze %dma_wait3A_42 : memref<1x1x128xi32, #tpu.memory_space<vmem>> -> memref<128xi32, #tpu.memory_space<vmem>>
    %dma_wait3A_44 = arith.constant 0 : i32
    %dma_wait3A_45 = arith.constant 0 : i32
    %dma_wait3A_46 = tpu.memref_slice %arg5[%dma_wait3A_44, %dma_wait3A_45] : memref<1000x128xf32, #tpu.memory_space<vmem_shared>> -> memref<1000x128xf32, #tpu.memory_space<vmem_shared>>
    tpu.wait_indirect_dma semaphore(%arg11 : memref<!tpu.dma_semaphore, #tpu.memory_space<semaphore_mem>>) src(%dma_wait3A_46 : memref<1000x128xf32, #tpu.memory_space<vmem_shared>>) dst(%arg8 : memref<128x128xf32, #tpu.memory_space<vmem>>)
    %add3A_47 = arith.constant 0 : i32
    %add3A_48 = arith.addi %mul3A_2, %add3A_47 : i32
    %dma_start3A_49 = arith.constant 128 : i32
    %dma_start3A_50 = arith.constant 0 : i32
    %dma_start3A_51 = tpu.memref_slice %arg4[%add3A_48, %dma_start3A_49, %dma_start3A_50] : memref<1024x512x128xf32, #tpu.memory_space<hbm>> -> memref<1x128x128xf32, #tpu.memory_space<hbm>>
    %dma_start3A_52 = tpu.memref_squeeze %dma_start3A_51 : memref<1x128x128xf32, #tpu.memory_space<hbm>> -> memref<128x128xf32, #tpu.memory_space<hbm>>
    %dma_start3A_53 = arith.constant 128 : i32
    %dma_start3A_54 = arith.constant 0 : i32
    %dma_start3A_55 = tpu.memref_slice %arg4[%add3A_48, %dma_start3A_53, %dma_start3A_54] : memref<1024x512x128xf32, #tpu.memory_space<hbm>> -> memref<1x128x128xf32, #tpu.memory_space<hbm>>
    %dma_start3A_56 = tpu.memref_squeeze %dma_start3A_55 : memref<1x128x128xf32, #tpu.memory_space<hbm>> -> memref<128x128xf32, #tpu.memory_space<hbm>>
    tpu.enqueue_dma source(%arg8 : memref<128x128xf32, #tpu.memory_space<vmem>>) target(%dma_start3A_56 : memref<128x128xf32, #tpu.memory_space<hbm>>) target_semaphore(%arg13 : memref<!tpu.dma_semaphore, #tpu.memory_space<semaphore_mem>>)
    %add3A_57 = arith.constant 0 : i32
    %add3A_58 = arith.addi %mul3A_2, %add3A_57 : i32
    %dma_wait3A_59 = arith.constant 256 : i32
    %dma_wait3A_60 = arith.constant 0 : i32
    %dma_wait3A_61 = tpu.memref_slice %arg4[%add3A_58, %dma_wait3A_59, %dma_wait3A_60] : memref<1024x512x128xf32, #tpu.memory_space<hbm>> -> memref<1x128x128xf32, #tpu.memory_space<hbm>>
    %dma_wait3A_62 = tpu.memref_squeeze %dma_wait3A_61 : memref<1x128x128xf32, #tpu.memory_space<hbm>> -> memref<128x128xf32, #tpu.memory_space<hbm>>
    %dma_wait3A_63 = arith.constant 256 : i32
    %dma_wait3A_64 = arith.constant 0 : i32
    %dma_wait3A_65 = tpu.memref_slice %arg4[%add3A_58, %dma_wait3A_63, %dma_wait3A_64] : memref<1024x512x128xf32, #tpu.memory_space<hbm>> -> memref<1x128x128xf32, #tpu.memory_space<hbm>>
    %dma_wait3A_66 = tpu.memref_squeeze %dma_wait3A_65 : memref<1x128x128xf32, #tpu.memory_space<hbm>> -> memref<128x128xf32, #tpu.memory_space<hbm>>
    tpu.wait_dma2 semaphore(%arg12 : memref<!tpu.dma_semaphore, #tpu.memory_space<semaphore_mem>>) src(%arg7 : memref<128x128xf32, #tpu.memory_space<vmem>>) dst(%dma_wait3A_66 : memref<128x128xf32, #tpu.memory_space<hbm>>)
    %dma_start3A_67 = arith.constant 0 : i32
    %dma_start3A_68 = arith.constant 2 : i32
    %dma_start3A_69 = arith.constant 0 : i32
    %dma_start3A_70 = tpu.memref_slice %arg6[%dma_start3A_67, %dma_start3A_68, %dma_start3A_69] : memref<32x4x128xi32, #tpu.memory_space<vmem>> -> memref<1x1x128xi32, #tpu.memory_space<vmem>>
    %dma_start3A_71 = tpu.memref_squeeze %dma_start3A_70 : memref<1x1x128xi32, #tpu.memory_space<vmem>> -> memref<128xi32, #tpu.memory_space<vmem>>
    %dma_start3A_72 = arith.constant 0 : i32
    %dma_start3A_73 = arith.constant 0 : i32
    %dma_start3A_74 = tpu.memref_slice %arg5[%dma_start3A_72, %dma_start3A_73] : memref<1000x128xf32, #tpu.memory_space<vmem_shared>> -> memref<1000x128xf32, #tpu.memory_space<vmem_shared>>
    tpu.enqueue_indirect_dma source(%dma_start3A_74 : memref<1000x128xf32, #tpu.memory_space<vmem_shared>>) target(%arg7 : memref<128x128xf32, #tpu.memory_space<vmem>>) offsets(%dma_start3A_71 : memref<128xi32, #tpu.memory_space<vmem>>) semaphore(%arg10 : memref<!tpu.dma_semaphore, #tpu.memory_space<semaphore_mem>>)
    %dma_wait3A_75 = arith.constant 0 : i32
    %dma_wait3A_76 = arith.constant 2 : i32
    %dma_wait3A_77 = arith.constant 0 : i32
    %dma_wait3A_78 = tpu.memref_slice %arg6[%dma_wait3A_75, %dma_wait3A_76, %dma_wait3A_77] : memref<32x4x128xi32, #tpu.memory_space<vmem>> -> memref<1x1x128xi32, #tpu.memory_space<vmem>>
    %dma_wait3A_79 = tpu.memref_squeeze %dma_wait3A_78 : memref<1x1x128xi32, #tpu.memory_space<vmem>> -> memref<128xi32, #tpu.memory_space<vmem>>
    %dma_wait3A_80 = arith.constant 0 : i32
    %dma_wait3A_81 = arith.constant 0 : i32
    %dma_wait3A_82 = tpu.memref_slice %arg5[%dma_wait3A_80, %dma_wait3A_81] : memref<1000x128xf32, #tpu.memory_space<vmem_shared>> -> memref<1000x128xf32, #tpu.memory_space<vmem_shared>>
    tpu.wait_indirect_dma semaphore(%arg10 : memref<!tpu.dma_semaphore, #tpu.memory_space<semaphore_mem>>) src(%dma_wait3A_82 : memref<1000x128xf32, #tpu.memory_space<vmem_shared>>) dst(%arg7 : memref<128x128xf32, #tpu.memory_space<vmem>>)
    %add3A_83 = arith.constant 0 : i32
    %add3A_84 = arith.addi %mul3A_2, %add3A_83 : i32
    %dma_start3A_85 = arith.constant 256 : i32
    %dma_start3A_86 = arith.constant 0 : i32
    %dma_start3A_87 = tpu.memref_slice %arg4[%add3A_84, %dma_start3A_85, %dma_start3A_86] : memref<1024x512x128xf32, #tpu.memory_space<hbm>> -> memref<1x128x128xf32, #tpu.memory_space<hbm>>
    %dma_start3A_88 = tpu.memref_squeeze %dma_start3A_87 : memref<1x128x128xf32, #tpu.memory_space<hbm>> -> memref<128x128xf32, #tpu.memory_space<hbm>>
    %dma_start3A_89 = arith.constant 256 : i32
    %dma_start3A_90 = arith.constant 0 : i32
    %dma_start3A_91 = tpu.memref_slice %arg4[%add3A_84, %dma_start3A_89, %dma_start3A_90] : memref<1024x512x128xf32, #tpu.memory_space<hbm>> -> memref<1x128x128xf32, #tpu.memory_space<hbm>>
    %dma_start3A_92 = tpu.memref_squeeze %dma_start3A_91 : memref<1x128x128xf32, #tpu.memory_space<hbm>> -> memref<128x128xf32, #tpu.memory_space<hbm>>
    tpu.enqueue_dma source(%arg7 : memref<128x128xf32, #tpu.memory_space<vmem>>) target(%dma_start3A_92 : memref<128x128xf32, #tpu.memory_space<hbm>>) target_semaphore(%arg12 : memref<!tpu.dma_semaphore, #tpu.memory_space<semaphore_mem>>)
    %add3A_93 = arith.constant 0 : i32
    %add3A_94 = arith.addi %mul3A_2, %add3A_93 : i32
    %dma_wait3A_95 = arith.constant 384 : i32
    %dma_wait3A_96 = arith.constant 0 : i32
    %dma_wait3A_97 = tpu.memref_slice %arg4[%add3A_94, %dma_wait3A_95, %dma_wait3A_96] : memref<1024x512x128xf32, #tpu.memory_space<hbm>> -> memref<1x128x128xf32, #tpu.memory_space<hbm>>
    %dma_wait3A_98 = tpu.memref_squeeze %dma_wait3A_97 : memref<1x128x128xf32, #tpu.memory_space<hbm>> -> memref<128x128xf32, #tpu.memory_space<hbm>>
    %dma_wait3A_99 = arith.constant 384 : i32
    %dma_wait3A_100 = arith.constant 0 : i32
    %dma_wait3A_101 = tpu.memref_slice %arg4[%add3A_94, %dma_wait3A_99, %dma_wait3A_100] : memref<1024x512x128xf32, #tpu.memory_space<hbm>> -> memref<1x128x128xf32, #tpu.memory_space<hbm>>
    %dma_wait3A_102 = tpu.memref_squeeze %dma_wait3A_101 : memref<1x128x128xf32, #tpu.memory_space<hbm>> -> memref<128x128xf32, #tpu.memory_space<hbm>>
    tpu.wait_dma2 semaphore(%arg13 : memref<!tpu.dma_semaphore, #tpu.memory_space<semaphore_mem>>) src(%arg8 : memref<128x128xf32, #tpu.memory_space<vmem>>) dst(%dma_wait3A_102 : memref<128x128xf32, #tpu.memory_space<hbm>>)
    %dma_start3A_103 = arith.constant 0 : i32
    %dma_start3A_104 = arith.constant 3 : i32
    %dma_start3A_105 = arith.constant 0 : i32
    %dma_start3A_106 = tpu.memref_slice %arg6[%dma_start3A_103, %dma_start3A_104, %dma_start3A_105] : memref<32x4x128xi32, #tpu.memory_space<vmem>> -> memref<1x1x128xi32, #tpu.memory_space<vmem>>
    %dma_start3A_107 = tpu.memref_squeeze %dma_start3A_106 : memref<1x1x128xi32, #tpu.memory_space<vmem>> -> memref<128xi32, #tpu.memory_space<vmem>>
    %dma_start3A_108 = arith.constant 0 : i32
    %dma_start3A_109 = arith.constant 0 : i32
    %dma_start3A_110 = tpu.memref_slice %arg5[%dma_start3A_108, %dma_start3A_109] : memref<1000x128xf32, #tpu.memory_space<vmem_shared>> -> memref<1000x128xf32, #tpu.memory_space<vmem_shared>>
    tpu.enqueue_indirect_dma source(%dma_start3A_110 : memref<1000x128xf32, #tpu.memory_space<vmem_shared>>) target(%arg8 : memref<128x128xf32, #tpu.memory_space<vmem>>) offsets(%dma_start3A_107 : memref<128xi32, #tpu.memory_space<vmem>>) semaphore(%arg11 : memref<!tpu.dma_semaphore, #tpu.memory_space<semaphore_mem>>)
    %dma_wait3A_111 = arith.constant 0 : i32
    %dma_wait3A_112 = arith.constant 3 : i32
    %dma_wait3A_113 = arith.constant 0 : i32
    %dma_wait3A_114 = tpu.memref_slice %arg6[%dma_wait3A_111, %dma_wait3A_112, %dma_wait3A_113] : memref<32x4x128xi32, #tpu.memory_space<vmem>> -> memref<1x1x128xi32, #tpu.memory_space<vmem>>
    %dma_wait3A_115 = tpu.memref_squeeze %dma_wait3A_114 : memref<1x1x128xi32, #tpu.memory_space<vmem>> -> memref<128xi32, #tpu.memory_space<vmem>>
    %dma_wait3A_116 = arith.constant 0 : i32
    %dma_wait3A_117 = arith.constant 0 : i32
    %dma_wait3A_118 = tpu.memref_slice %arg5[%dma_wait3A_116, %dma_wait3A_117] : memref<1000x128xf32, #tpu.memory_space<vmem_shared>> -> memref<1000x128xf32, #tpu.memory_space<vmem_shared>>
    tpu.wait_indirect_dma semaphore(%arg11 : memref<!tpu.dma_semaphore, #tpu.memory_space<semaphore_mem>>) src(%dma_wait3A_118 : memref<1000x128xf32, #tpu.memory_space<vmem_shared>>) dst(%arg8 : memref<128x128xf32, #tpu.memory_space<vmem>>)
    %add3A_119 = arith.constant 0 : i32
    %add3A_120 = arith.addi %mul3A_2, %add3A_119 : i32
    %dma_start3A_121 = arith.constant 384 : i32
    %dma_start3A_122 = arith.constant 0 : i32
    %dma_start3A_123 = tpu.memref_slice %arg4[%add3A_120, %dma_start3A_121, %dma_start3A_122] : memref<1024x512x128xf32, #tpu.memory_space<hbm>> -> memref<1x128x128xf32, #tpu.memory_space<hbm>>
    %dma_start3A_124 = tpu.memref_squeeze %dma_start3A_123 : memref<1x128x128xf32, #tpu.memory_space<hbm>> -> memref<128x128xf32, #tpu.memory_space<hbm>>
    %dma_start3A_125 = arith.constant 384 : i32
    %dma_start3A_126 = arith.constant 0 : i32
    %dma_start3A_127 = tpu.memref_slice %arg4[%add3A_120, %dma_start3A_125, %dma_start3A_126] : memref<1024x512x128xf32, #tpu.memory_space<hbm>> -> memref<1x128x128xf32, #tpu.memory_space<hbm>>
    %dma_start3A_128 = tpu.memref_squeeze %dma_start3A_127 : memref<1x128x128xf32, #tpu.memory_space<hbm>> -> memref<128x128xf32, #tpu.memory_space<hbm>>
    tpu.enqueue_dma source(%arg8 : memref<128x128xf32, #tpu.memory_space<vmem>>) target(%dma_start3A_128 : memref<128x128xf32, #tpu.memory_space<hbm>>) target_semaphore(%arg13 : memref<!tpu.dma_semaphore, #tpu.memory_space<semaphore_mem>>)
    %scan3A = arith.constant 0 : i32
    %scan3A_129 = arith.constant 1 : i32
    %scan3A_130 = arith.constant 31 : i32
    %scan3A_131 = arith.addi %scan3A_129, %scan3A_130 : i32
    %scan3A_132 = arith.constant 1 : i32
    %scan3A_133 = scf.for %scan3A_155 = %scan3A_129 to %scan3A_131 step %scan3A_132 iter_args(%scan3A_156 = %scan3A) -> (i32)  : i32 {
      %add3A_157 = arith.addi %mul3A_2, %scan3A_155 : i32
      %dma_wait3A_158 = arith.constant 0 : i32
      %dma_wait3A_159 = arith.constant 0 : i32
      %dma_wait3A_160 = tpu.memref_slice %arg4[%add3A_157, %dma_wait3A_158, %dma_wait3A_159] : memref<1024x512x128xf32, #tpu.memory_space<hbm>> -> memref<1x128x128xf32, #tpu.memory_space<hbm>>
      %dma_wait3A_161 = tpu.memref_squeeze %dma_wait3A_160 : memref<1x128x128xf32, #tpu.memory_space<hbm>> -> memref<128x128xf32, #tpu.memory_space<hbm>>
      %dma_wait3A_162 = arith.constant 0 : i32
      %dma_wait3A_163 = arith.constant 0 : i32
      %dma_wait3A_164 = tpu.memref_slice %arg4[%add3A_157, %dma_wait3A_162, %dma_wait3A_163] : memref<1024x512x128xf32, #tpu.memory_space<hbm>> -> memref<1x128x128xf32, #tpu.memory_space<hbm>>
      %dma_wait3A_165 = tpu.memref_squeeze %dma_wait3A_164 : memref<1x128x128xf32, #tpu.memory_space<hbm>> -> memref<128x128xf32, #tpu.memory_space<hbm>>
      tpu.wait_dma2 semaphore(%arg12 : memref<!tpu.dma_semaphore, #tpu.memory_space<semaphore_mem>>) src(%arg7 : memref<128x128xf32, #tpu.memory_space<vmem>>) dst(%dma_wait3A_165 : memref<128x128xf32, #tpu.memory_space<hbm>>)
      %dma_start3A_166 = arith.constant 0 : i32
      %dma_start3A_167 = arith.constant 0 : i32
      %dma_start3A_168 = tpu.memref_slice %arg6[%scan3A_155, %dma_start3A_166, %dma_start3A_167] : memref<32x4x128xi32, #tpu.memory_space<vmem>> -> memref<1x1x128xi32, #tpu.memory_space<vmem>>
      %dma_start3A_169 = tpu.memref_squeeze %dma_start3A_168 : memref<1x1x128xi32, #tpu.memory_space<vmem>> -> memref<128xi32, #tpu.memory_space<vmem>>
      %dma_start3A_170 = arith.constant 0 : i32
      %dma_start3A_171 = arith.constant 0 : i32
      %dma_start3A_172 = tpu.memref_slice %arg5[%dma_start3A_170, %dma_start3A_171] : memref<1000x128xf32, #tpu.memory_space<vmem_shared>> -> memref<1000x128xf32, #tpu.memory_space<vmem_shared>>
      tpu.enqueue_indirect_dma source(%dma_start3A_172 : memref<1000x128xf32, #tpu.memory_space<vmem_shared>>) target(%arg7 : memref<128x128xf32, #tpu.memory_space<vmem>>) offsets(%dma_start3A_169 : memref<128xi32, #tpu.memory_space<vmem>>) semaphore(%arg10 : memref<!tpu.dma_semaphore, #tpu.memory_space<semaphore_mem>>)
      %dma_wait3A_173 = arith.constant 0 : i32
      %dma_wait3A_174 = arith.constant 0 : i32
      %dma_wait3A_175 = tpu.memref_slice %arg6[%scan3A_155, %dma_wait3A_173, %dma_wait3A_174] : memref<32x4x128xi32, #tpu.memory_space<vmem>> -> memref<1x1x128xi32, #tpu.memory_space<vmem>>
      %dma_wait3A_176 = tpu.memref_squeeze %dma_wait3A_175 : memref<1x1x128xi32, #tpu.memory_space<vmem>> -> memref<128xi32, #tpu.memory_space<vmem>>
      %dma_wait3A_177 = arith.constant 0 : i32
      %dma_wait3A_178 = arith.constant 0 : i32
      %dma_wait3A_179 = tpu.memref_slice %arg5[%dma_wait3A_177, %dma_wait3A_178] : memref<1000x128xf32, #tpu.memory_space<vmem_shared>> -> memref<1000x128xf32, #tpu.memory_space<vmem_shared>>
      tpu.wait_indirect_dma semaphore(%arg10 : memref<!tpu.dma_semaphore, #tpu.memory_space<semaphore_mem>>) src(%dma_wait3A_179 : memref<1000x128xf32, #tpu.memory_space<vmem_shared>>) dst(%arg7 : memref<128x128xf32, #tpu.memory_space<vmem>>)
      %add3A_180 = arith.addi %mul3A_2, %scan3A_155 : i32
      %dma_start3A_181 = arith.constant 0 : i32
      %dma_start3A_182 = arith.constant 0 : i32
      %dma_start3A_183 = tpu.memref_slice %arg4[%add3A_180, %dma_start3A_181, %dma_start3A_182] : memref<1024x512x128xf32, #tpu.memory_space<hbm>> -> memref<1x128x128xf32, #tpu.memory_space<hbm>>
      %dma_start3A_184 = tpu.memref_squeeze %dma_start3A_183 : memref<1x128x128xf32, #tpu.memory_space<hbm>> -> memref<128x128xf32, #tpu.memory_space<hbm>>
      %dma_start3A_185 = arith.constant 0 : i32
      %dma_start3A_186 = arith.constant 0 : i32
      %dma_start3A_187 = tpu.memref_slice %arg4[%add3A_180, %dma_start3A_185, %dma_start3A_186] : memref<1024x512x128xf32, #tpu.memory_space<hbm>> -> memref<1x128x128xf32, #tpu.memory_space<hbm>>
      %dma_start3A_188 = tpu.memref_squeeze %dma_start3A_187 : memref<1x128x128xf32, #tpu.memory_space<hbm>> -> memref<128x128xf32, #tpu.memory_space<hbm>>
      tpu.enqueue_dma source(%arg7 : memref<128x128xf32, #tpu.memory_space<vmem>>) target(%dma_start3A_188 : memref<128x128xf32, #tpu.memory_space<hbm>>) target_semaphore(%arg12 : memref<!tpu.dma_semaphore, #tpu.memory_space<semaphore_mem>>)
      %add3A_189 = arith.addi %mul3A_2, %scan3A_155 : i32
      %dma_wait3A_190 = arith.constant 128 : i32
      %dma_wait3A_191 = arith.constant 0 : i32
      %dma_wait3A_192 = tpu.memref_slice %arg4[%add3A_189, %dma_wait3A_190, %dma_wait3A_191] : memref<1024x512x128xf32, #tpu.memory_space<hbm>> -> memref<1x128x128xf32, #tpu.memory_space<hbm>>
      %dma_wait3A_193 = tpu.memref_squeeze %dma_wait3A_192 : memref<1x128x128xf32, #tpu.memory_space<hbm>> -> memref<128x128xf32, #tpu.memory_space<hbm>>
      %dma_wait3A_194 = arith.constant 128 : i32
      %dma_wait3A_195 = arith.constant 0 : i32
      %dma_wait3A_196 = tpu.memref_slice %arg4[%add3A_189, %dma_wait3A_194, %dma_wait3A_195] : memref<1024x512x128xf32, #tpu.memory_space<hbm>> -> memref<1x128x128xf32, #tpu.memory_space<hbm>>
      %dma_wait3A_197 = tpu.memref_squeeze %dma_wait3A_196 : memref<1x128x128xf32, #tpu.memory_space<hbm>> -> memref<128x128xf32, #tpu.memory_space<hbm>>
      tpu.wait_dma2 semaphore(%arg13 : memref<!tpu.dma_semaphore, #tpu.memory_space<semaphore_mem>>) src(%arg8 : memref<128x128xf32, #tpu.memory_space<vmem>>) dst(%dma_wait3A_197 : memref<128x128xf32, #tpu.memory_space<hbm>>)
      %dma_start3A_198 = arith.constant 1 : i32
      %dma_start3A_199 = arith.constant 0 : i32
      %dma_start3A_200 = tpu.memref_slice %arg6[%scan3A_155, %dma_start3A_198, %dma_start3A_199] : memref<32x4x128xi32, #tpu.memory_space<vmem>> -> memref<1x1x128xi32, #tpu.memory_space<vmem>>
      %dma_start3A_201 = tpu.memref_squeeze %dma_start3A_200 : memref<1x1x128xi32, #tpu.memory_space<vmem>> -> memref<128xi32, #tpu.memory_space<vmem>>
      %dma_start3A_202 = arith.constant 0 : i32
      %dma_start3A_203 = arith.constant 0 : i32
      %dma_start3A_204 = tpu.memref_slice %arg5[%dma_start3A_202, %dma_start3A_203] : memref<1000x128xf32, #tpu.memory_space<vmem_shared>> -> memref<1000x128xf32, #tpu.memory_space<vmem_shared>>
      tpu.enqueue_indirect_dma source(%dma_start3A_204 : memref<1000x128xf32, #tpu.memory_space<vmem_shared>>) target(%arg8 : memref<128x128xf32, #tpu.memory_space<vmem>>) offsets(%dma_start3A_201 : memref<128xi32, #tpu.memory_space<vmem>>) semaphore(%arg11 : memref<!tpu.dma_semaphore, #tpu.memory_space<semaphore_mem>>)
      %dma_wait3A_205 = arith.constant 1 : i32
      %dma_wait3A_206 = arith.constant 0 : i32
      %dma_wait3A_207 = tpu.memref_slice %arg6[%scan3A_155, %dma_wait3A_205, %dma_wait3A_206] : memref<32x4x128xi32, #tpu.memory_space<vmem>> -> memref<1x1x128xi32, #tpu.memory_space<vmem>>
      %dma_wait3A_208 = tpu.memref_squeeze %dma_wait3A_207 : memref<1x1x128xi32, #tpu.memory_space<vmem>> -> memref<128xi32, #tpu.memory_space<vmem>>
      %dma_wait3A_209 = arith.constant 0 : i32
      %dma_wait3A_210 = arith.constant 0 : i32
      %dma_wait3A_211 = tpu.memref_slice %arg5[%dma_wait3A_209, %dma_wait3A_210] : memref<1000x128xf32, #tpu.memory_space<vmem_shared>> -> memref<1000x128xf32, #tpu.memory_space<vmem_shared>>
      tpu.wait_indirect_dma semaphore(%arg11 : memref<!tpu.dma_semaphore, #tpu.memory_space<semaphore_mem>>) src(%dma_wait3A_211 : memref<1000x128xf32, #tpu.memory_space<vmem_shared>>) dst(%arg8 : memref<128x128xf32, #tpu.memory_space<vmem>>)
      %add3A_212 = arith.addi %mul3A_2, %scan3A_155 : i32
      %dma_start3A_213 = arith.constant 128 : i32
      %dma_start3A_214 = arith.constant 0 : i32
      %dma_start3A_215 = tpu.memref_slice %arg4[%add3A_212, %dma_start3A_213, %dma_start3A_214] : memref<1024x512x128xf32, #tpu.memory_space<hbm>> -> memref<1x128x128xf32, #tpu.memory_space<hbm>>
      %dma_start3A_216 = tpu.memref_squeeze %dma_start3A_215 : memref<1x128x128xf32, #tpu.memory_space<hbm>> -> memref<128x128xf32, #tpu.memory_space<hbm>>
      %dma_start3A_217 = arith.constant 128 : i32
      %dma_start3A_218 = arith.constant 0 : i32
      %dma_start3A_219 = tpu.memref_slice %arg4[%add3A_212, %dma_start3A_217, %dma_start3A_218] : memref<1024x512x128xf32, #tpu.memory_space<hbm>> -> memref<1x128x128xf32, #tpu.memory_space<hbm>>
      %dma_start3A_220 = tpu.memref_squeeze %dma_start3A_219 : memref<1x128x128xf32, #tpu.memory_space<hbm>> -> memref<128x128xf32, #tpu.memory_space<hbm>>
      tpu.enqueue_dma source(%arg8 : memref<128x128xf32, #tpu.memory_space<vmem>>) target(%dma_start3A_220 : memref<128x128xf32, #tpu.memory_space<hbm>>) target_semaphore(%arg13 : memref<!tpu.dma_semaphore, #tpu.memory_space<semaphore_mem>>)
      %add3A_221 = arith.addi %mul3A_2, %scan3A_155 : i32
      %dma_wait3A_222 = arith.constant 256 : i32
      %dma_wait3A_223 = arith.constant 0 : i32
      %dma_wait3A_224 = tpu.memref_slice %arg4[%add3A_221, %dma_wait3A_222, %dma_wait3A_223] : memref<1024x512x128xf32, #tpu.memory_space<hbm>> -> memref<1x128x128xf32, #tpu.memory_space<hbm>>
      %dma_wait3A_225 = tpu.memref_squeeze %dma_wait3A_224 : memref<1x128x128xf32, #tpu.memory_space<hbm>> -> memref<128x128xf32, #tpu.memory_space<hbm>>
      %dma_wait3A_226 = arith.constant 256 : i32
      %dma_wait3A_227 = arith.constant 0 : i32
      %dma_wait3A_228 = tpu.memref_slice %arg4[%add3A_221, %dma_wait3A_226, %dma_wait3A_227] : memref<1024x512x128xf32, #tpu.memory_space<hbm>> -> memref<1x128x128xf32, #tpu.memory_space<hbm>>
      %dma_wait3A_229 = tpu.memref_squeeze %dma_wait3A_228 : memref<1x128x128xf32, #tpu.memory_space<hbm>> -> memref<128x128xf32, #tpu.memory_space<hbm>>
      tpu.wait_dma2 semaphore(%arg12 : memref<!tpu.dma_semaphore, #tpu.memory_space<semaphore_mem>>) src(%arg7 : memref<128x128xf32, #tpu.memory_space<vmem>>) dst(%dma_wait3A_229 : memref<128x128xf32, #tpu.memory_space<hbm>>)
      %dma_start3A_230 = arith.constant 2 : i32
      %dma_start3A_231 = arith.constant 0 : i32
      %dma_start3A_232 = tpu.memref_slice %arg6[%scan3A_155, %dma_start3A_230, %dma_start3A_231] : memref<32x4x128xi32, #tpu.memory_space<vmem>> -> memref<1x1x128xi32, #tpu.memory_space<vmem>>
      %dma_start3A_233 = tpu.memref_squeeze %dma_start3A_232 : memref<1x1x128xi32, #tpu.memory_space<vmem>> -> memref<128xi32, #tpu.memory_space<vmem>>
      %dma_start3A_234 = arith.constant 0 : i32
      %dma_start3A_235 = arith.constant 0 : i32
      %dma_start3A_236 = tpu.memref_slice %arg5[%dma_start3A_234, %dma_start3A_235] : memref<1000x128xf32, #tpu.memory_space<vmem_shared>> -> memref<1000x128xf32, #tpu.memory_space<vmem_shared>>
      tpu.enqueue_indirect_dma source(%dma_start3A_236 : memref<1000x128xf32, #tpu.memory_space<vmem_shared>>) target(%arg7 : memref<128x128xf32, #tpu.memory_space<vmem>>) offsets(%dma_start3A_233 : memref<128xi32, #tpu.memory_space<vmem>>) semaphore(%arg10 : memref<!tpu.dma_semaphore, #tpu.memory_space<semaphore_mem>>)
      %dma_wait3A_237 = arith.constant 2 : i32
      %dma_wait3A_238 = arith.constant 0 : i32
      %dma_wait3A_239 = tpu.memref_slice %arg6[%scan3A_155, %dma_wait3A_237, %dma_wait3A_238] : memref<32x4x128xi32, #tpu.memory_space<vmem>> -> memref<1x1x128xi32, #tpu.memory_space<vmem>>
      %dma_wait3A_240 = tpu.memref_squeeze %dma_wait3A_239 : memref<1x1x128xi32, #tpu.memory_space<vmem>> -> memref<128xi32, #tpu.memory_space<vmem>>
      %dma_wait3A_241 = arith.constant 0 : i32
      %dma_wait3A_242 = arith.constant 0 : i32
      %dma_wait3A_243 = tpu.memref_slice %arg5[%dma_wait3A_241, %dma_wait3A_242] : memref<1000x128xf32, #tpu.memory_space<vmem_shared>> -> memref<1000x128xf32, #tpu.memory_space<vmem_shared>>
      tpu.wait_indirect_dma semaphore(%arg10 : memref<!tpu.dma_semaphore, #tpu.memory_space<semaphore_mem>>) src(%dma_wait3A_243 : memref<1000x128xf32, #tpu.memory_space<vmem_shared>>) dst(%arg7 : memref<128x128xf32, #tpu.memory_space<vmem>>)
      %add3A_244 = arith.addi %mul3A_2, %scan3A_155 : i32
      %dma_start3A_245 = arith.constant 256 : i32
      %dma_start3A_246 = arith.constant 0 : i32
      %dma_start3A_247 = tpu.memref_slice %arg4[%add3A_244, %dma_start3A_245, %dma_start3A_246] : memref<1024x512x128xf32, #tpu.memory_space<hbm>> -> memref<1x128x128xf32, #tpu.memory_space<hbm>>
      %dma_start3A_248 = tpu.memref_squeeze %dma_start3A_247 : memref<1x128x128xf32, #tpu.memory_space<hbm>> -> memref<128x128xf32, #tpu.memory_space<hbm>>
      %dma_start3A_249 = arith.constant 256 : i32
      %dma_start3A_250 = arith.constant 0 : i32
      %dma_start3A_251 = tpu.memref_slice %arg4[%add3A_244, %dma_start3A_249, %dma_start3A_250] : memref<1024x512x128xf32, #tpu.memory_space<hbm>> -> memref<1x128x128xf32, #tpu.memory_space<hbm>>
      %dma_start3A_252 = tpu.memref_squeeze %dma_start3A_251 : memref<1x128x128xf32, #tpu.memory_space<hbm>> -> memref<128x128xf32, #tpu.memory_space<hbm>>
      tpu.enqueue_dma source(%arg7 : memref<128x128xf32, #tpu.memory_space<vmem>>) target(%dma_start3A_252 : memref<128x128xf32, #tpu.memory_space<hbm>>) target_semaphore(%arg12 : memref<!tpu.dma_semaphore, #tpu.memory_space<semaphore_mem>>)
      %add3A_253 = arith.addi %mul3A_2, %scan3A_155 : i32
      %dma_wait3A_254 = arith.constant 384 : i32
      %dma_wait3A_255 = arith.constant 0 : i32
      %dma_wait3A_256 = tpu.memref_slice %arg4[%add3A_253, %dma_wait3A_254, %dma_wait3A_255] : memref<1024x512x128xf32, #tpu.memory_space<hbm>> -> memref<1x128x128xf32, #tpu.memory_space<hbm>>
      %dma_wait3A_257 = tpu.memref_squeeze %dma_wait3A_256 : memref<1x128x128xf32, #tpu.memory_space<hbm>> -> memref<128x128xf32, #tpu.memory_space<hbm>>
      %dma_wait3A_258 = arith.constant 384 : i32
      %dma_wait3A_259 = arith.constant 0 : i32
      %dma_wait3A_260 = tpu.memref_slice %arg4[%add3A_253, %dma_wait3A_258, %dma_wait3A_259] : memref<1024x512x128xf32, #tpu.memory_space<hbm>> -> memref<1x128x128xf32, #tpu.memory_space<hbm>>
      %dma_wait3A_261 = tpu.memref_squeeze %dma_wait3A_260 : memref<1x128x128xf32, #tpu.memory_space<hbm>> -> memref<128x128xf32, #tpu.memory_space<hbm>>
      tpu.wait_dma2 semaphore(%arg13 : memref<!tpu.dma_semaphore, #tpu.memory_space<semaphore_mem>>) src(%arg8 : memref<128x128xf32, #tpu.memory_space<vmem>>) dst(%dma_wait3A_261 : memref<128x128xf32, #tpu.memory_space<hbm>>)
      %dma_start3A_262 = arith.constant 3 : i32
      %dma_start3A_263 = arith.constant 0 : i32
      %dma_start3A_264 = tpu.memref_slice %arg6[%scan3A_155, %dma_start3A_262, %dma_start3A_263] : memref<32x4x128xi32, #tpu.memory_space<vmem>> -> memref<1x1x128xi32, #tpu.memory_space<vmem>>
      %dma_start3A_265 = tpu.memref_squeeze %dma_start3A_264 : memref<1x1x128xi32, #tpu.memory_space<vmem>> -> memref<128xi32, #tpu.memory_space<vmem>>
      %dma_start3A_266 = arith.constant 0 : i32
      %dma_start3A_267 = arith.constant 0 : i32
      %dma_start3A_268 = tpu.memref_slice %arg5[%dma_start3A_266, %dma_start3A_267] : memref<1000x128xf32, #tpu.memory_space<vmem_shared>> -> memref<1000x128xf32, #tpu.memory_space<vmem_shared>>
      tpu.enqueue_indirect_dma source(%dma_start3A_268 : memref<1000x128xf32, #tpu.memory_space<vmem_shared>>) target(%arg8 : memref<128x128xf32, #tpu.memory_space<vmem>>) offsets(%dma_start3A_265 : memref<128xi32, #tpu.memory_space<vmem>>) semaphore(%arg11 : memref<!tpu.dma_semaphore, #tpu.memory_space<semaphore_mem>>)
      %dma_wait3A_269 = arith.constant 3 : i32
      %dma_wait3A_270 = arith.constant 0 : i32
      %dma_wait3A_271 = tpu.memref_slice %arg6[%scan3A_155, %dma_wait3A_269, %dma_wait3A_270] : memref<32x4x128xi32, #tpu.memory_space<vmem>> -> memref<1x1x128xi32, #tpu.memory_space<vmem>>
      %dma_wait3A_272 = tpu.memref_squeeze %dma_wait3A_271 : memref<1x1x128xi32, #tpu.memory_space<vmem>> -> memref<128xi32, #tpu.memory_space<vmem>>
      %dma_wait3A_273 = arith.constant 0 : i32
      %dma_wait3A_274 = arith.constant 0 : i32
      %dma_wait3A_275 = tpu.memref_slice %arg5[%dma_wait3A_273, %dma_wait3A_274] : memref<1000x128xf32, #tpu.memory_space<vmem_shared>> -> memref<1000x128xf32, #tpu.memory_space<vmem_shared>>
      tpu.wait_indirect_dma semaphore(%arg11 : memref<!tpu.dma_semaphore, #tpu.memory_space<semaphore_mem>>) src(%dma_wait3A_275 : memref<1000x128xf32, #tpu.memory_space<vmem_shared>>) dst(%arg8 : memref<128x128xf32, #tpu.memory_space<vmem>>)
      %add3A_276 = arith.addi %mul3A_2, %scan3A_155 : i32
      %dma_start3A_277 = arith.constant 384 : i32
      %dma_start3A_278 = arith.constant 0 : i32
      %dma_start3A_279 = tpu.memref_slice %arg4[%add3A_276, %dma_start3A_277, %dma_start3A_278] : memref<1024x512x128xf32, #tpu.memory_space<hbm>> -> memref<1x128x128xf32, #tpu.memory_space<hbm>>
      %dma_start3A_280 = tpu.memref_squeeze %dma_start3A_279 : memref<1x128x128xf32, #tpu.memory_space<hbm>> -> memref<128x128xf32, #tpu.memory_space<hbm>>
      %dma_start3A_281 = arith.constant 384 : i32
      %dma_start3A_282 = arith.constant 0 : i32
      %dma_start3A_283 = tpu.memref_slice %arg4[%add3A_276, %dma_start3A_281, %dma_start3A_282] : memref<1024x512x128xf32, #tpu.memory_space<hbm>> -> memref<1x128x128xf32, #tpu.memory_space<hbm>>
      %dma_start3A_284 = tpu.memref_squeeze %dma_start3A_283 : memref<1x128x128xf32, #tpu.memory_space<hbm>> -> memref<128x128xf32, #tpu.memory_space<hbm>>
      tpu.enqueue_dma source(%arg8 : memref<128x128xf32, #tpu.memory_space<vmem>>) target(%dma_start3A_284 : memref<128x128xf32, #tpu.memory_space<hbm>>) target_semaphore(%arg13 : memref<!tpu.dma_semaphore, #tpu.memory_space<semaphore_mem>>)
      %scan3A_285 = arith.constant 0 : i32
      scf.yield %scan3A_285 : i32
    }
    %scan3A_134 = arith.constant 31 : i32
    %add3A_135 = arith.constant 0 : i32
    %add3A_136 = arith.addi %mul3A_2, %add3A_135 : i32
    %dma_wait3A_137 = arith.constant 0 : i32
    %dma_wait3A_138 = arith.constant 0 : i32
    %dma_wait3A_139 = tpu.memref_slice %arg4[%add3A_136, %dma_wait3A_137, %dma_wait3A_138] : memref<1024x512x128xf32, #tpu.memory_space<hbm>> -> memref<1x128x128xf32, #tpu.memory_space<hbm>>
    %dma_wait3A_140 = tpu.memref_squeeze %dma_wait3A_139 : memref<1x128x128xf32, #tpu.memory_space<hbm>> -> memref<128x128xf32, #tpu.memory_space<hbm>>
    %dma_wait3A_141 = arith.constant 0 : i32
    %dma_wait3A_142 = arith.constant 0 : i32
    %dma_wait3A_143 = tpu.memref_slice %arg4[%add3A_136, %dma_wait3A_141, %dma_wait3A_142] : memref<1024x512x128xf32, #tpu.memory_space<hbm>> -> memref<1x128x128xf32, #tpu.memory_space<hbm>>
    %dma_wait3A_144 = tpu.memref_squeeze %dma_wait3A_143 : memref<1x128x128xf32, #tpu.memory_space<hbm>> -> memref<128x128xf32, #tpu.memory_space<hbm>>
    tpu.wait_dma2 semaphore(%arg12 : memref<!tpu.dma_semaphore, #tpu.memory_space<semaphore_mem>>) src(%arg7 : memref<128x128xf32, #tpu.memory_space<vmem>>) dst(%dma_wait3A_144 : memref<128x128xf32, #tpu.memory_space<hbm>>)
    %add3A_145 = arith.constant 0 : i32
    %add3A_146 = arith.addi %mul3A_2, %add3A_145 : i32
    %dma_wait3A_147 = arith.constant 128 : i32
    %dma_wait3A_148 = arith.constant 0 : i32
    %dma_wait3A_149 = tpu.memref_slice %arg4[%add3A_146, %dma_wait3A_147, %dma_wait3A_148] : memref<1024x512x128xf32, #tpu.memory_space<hbm>> -> memref<1x128x128xf32, #tpu.memory_space<hbm>>
    %dma_wait3A_150 = tpu.memref_squeeze %dma_wait3A_149 : memref<1x128x128xf32, #tpu.memory_space<hbm>> -> memref<128x128xf32, #tpu.memory_space<hbm>>
    %dma_wait3A_151 = arith.constant 128 : i32
    %dma_wait3A_152 = arith.constant 0 : i32
    %dma_wait3A_153 = tpu.memref_slice %arg4[%add3A_146, %dma_wait3A_151, %dma_wait3A_152] : memref<1024x512x128xf32, #tpu.memory_space<hbm>> -> memref<1x128x128xf32, #tpu.memory_space<hbm>>
    %dma_wait3A_154 = tpu.memref_squeeze %dma_wait3A_153 : memref<1x128x128xf32, #tpu.memory_space<hbm>> -> memref<128x128xf32, #tpu.memory_space<hbm>>
    tpu.wait_dma2 semaphore(%arg13 : memref<!tpu.dma_semaphore, #tpu.memory_space<semaphore_mem>>) src(%arg8 : memref<128x128xf32, #tpu.memory_space<vmem>>) dst(%dma_wait3A_154 : memref<128x128xf32, #tpu.memory_space<hbm>>)
    return
  }
}

#map = affine_map<(d0, d1) -> (0, 0, 0)>
#map1 = affine_map<(d0, d1) -> (0, 0)>
module attributes {stable_mosaic.version = 14 : i64} {
  func.func @_sc_body(%arg0: i32, %arg1: i32, %arg2: memref<1024x4x128xi32, #tpu.memory_space<hbm>>, %arg3: memref<1000x128xf32, #tpu.memory_space<hbm>>, %arg4: memref<1024x512x128xf32, #tpu.memory_space<hbm>>, %arg5: memref<1000x128xf32, #tpu.memory_space<vmem_shared>>, %arg6: memref<32x4x128xi32, #tpu.memory_space<vmem>>, %arg7: memref<128x128xf32, #tpu.memory_space<vmem>>, %arg8: memref<128x128xf32, #tpu.memory_space<vmem>>, %arg9: memref<!tpu.dma_semaphore, #tpu.memory_space<semaphore_mem>>, %arg10: memref<!tpu.dma_semaphore, #tpu.memory_space<semaphore_mem>>, %arg11: memref<!tpu.dma_semaphore, #tpu.memory_space<semaphore_mem>>, %arg12: memref<!tpu.dma_semaphore, #tpu.memory_space<semaphore_mem>>, %arg13: memref<!tpu.dma_semaphore, #tpu.memory_space<semaphore_mem>>) attributes {dimension_semantics = [#tpu.dimension_semantics<core_parallel>, #tpu.dimension_semantics<subcore_parallel>], iteration_bounds = array<i64: 2, 16>, scalar_prefetch = 0 : i64, scratch_operands = 9 : i64, tpu.core_type = #tpu.core_type<sc_vector_subcore>, window_params = [{transform_indices = #map}, {transform_indices = #map1}, {transform_indices = #map}]} {
    %mul3A = arith.constant 2 : i32
    %mul3A_0 = arith.muli %arg1, %mul3A : i32
    %add3A = arith.addi %mul3A_0, %arg0 : i32
    %mul3A_1 = arith.constant 32 : i32
    %mul3A_2 = arith.muli %add3A, %mul3A_1 : i32
    %eq3A = arith.constant 0 : i32
    %eq3A_3 = arith.cmpi eq, %arg1, %eq3A : i32
    %convert_element_type3A = arith.extui %eq3A_3 : i1 to i32
    %cond3A = arith.constant 0 : i32
    %cond3A_4 = arith.cmpi ne, %convert_element_type3A, %cond3A : i32
    scf.if %cond3A_4 {
      tpu.enqueue_dma source(%arg3 : memref<1000x128xf32, #tpu.memory_space<hbm>>) target(%arg5 : memref<1000x128xf32, #tpu.memory_space<vmem_shared>>) target_semaphore(%arg9 : memref<!tpu.dma_semaphore, #tpu.memory_space<semaphore_mem>>)
      tpu.wait_dma2 semaphore(%arg9 : memref<!tpu.dma_semaphore, #tpu.memory_space<semaphore_mem>>) src(%arg3 : memref<1000x128xf32, #tpu.memory_space<hbm>>) dst(%arg5 : memref<1000x128xf32, #tpu.memory_space<vmem_shared>>)
    } else {
    }
    %barrier3A = arith.constant 0 : index
    tpu.barrier barrier_id(%barrier3A)
    %add3A_5 = arith.constant 0 : i32
    %add3A_6 = arith.addi %mul3A_2, %add3A_5 : i32
    "tpu.region"() ({
      %run_scoped3A = tpu.sem_alloc : memref<!tpu.dma_semaphore, #tpu.memory_space<semaphore_mem>>
      %dma_start3A_155 = arith.constant 0 : i32
      %dma_start3A_156 = arith.constant 0 : i32
      %dma_start3A_157 = tpu.memref_slice %arg2[%add3A_6, %dma_start3A_155, %dma_start3A_156] : memref<1024x4x128xi32, #tpu.memory_space<hbm>> -> memref<32x4x128xi32, #tpu.memory_space<hbm>>
      %dma_start3A_158 = arith.constant 0 : i32
      %dma_start3A_159 = arith.constant 0 : i32
      %dma_start3A_160 = tpu.memref_slice %arg2[%add3A_6, %dma_start3A_158, %dma_start3A_159] : memref<1024x4x128xi32, #tpu.memory_space<hbm>> -> memref<32x4x128xi32, #tpu.memory_space<hbm>>
      tpu.enqueue_dma source(%dma_start3A_160 : memref<32x4x128xi32, #tpu.memory_space<hbm>>) target(%arg6 : memref<32x4x128xi32, #tpu.memory_space<vmem>>) target_semaphore(%run_scoped3A : memref<!tpu.dma_semaphore, #tpu.memory_space<semaphore_mem>>)
      %dma_wait3A_161 = arith.constant 0 : i32
      %dma_wait3A_162 = arith.constant 0 : i32
      %dma_wait3A_163 = tpu.memref_slice %arg2[%add3A_6, %dma_wait3A_161, %dma_wait3A_162] : memref<1024x4x128xi32, #tpu.memory_space<hbm>> -> memref<32x4x128xi32, #tpu.memory_space<hbm>>
      %dma_wait3A_164 = arith.constant 0 : i32
      %dma_wait3A_165 = arith.constant 0 : i32
      %dma_wait3A_166 = tpu.memref_slice %arg2[%add3A_6, %dma_wait3A_164, %dma_wait3A_165] : memref<1024x4x128xi32, #tpu.memory_space<hbm>> -> memref<32x4x128xi32, #tpu.memory_space<hbm>>
      tpu.wait_dma2 semaphore(%run_scoped3A : memref<!tpu.dma_semaphore, #tpu.memory_space<semaphore_mem>>) src(%dma_wait3A_166 : memref<32x4x128xi32, #tpu.memory_space<hbm>>) dst(%arg6 : memref<32x4x128xi32, #tpu.memory_space<vmem>>)
      tpu.yield
    }) : () -> ()
    %dma_start3A = arith.constant 0 : i32
    %dma_start3A_7 = arith.constant 0 : i32
    %dma_start3A_8 = arith.constant 0 : i32
    %dma_start3A_9 = tpu.memref_slice %arg6[%dma_start3A, %dma_start3A_7, %dma_start3A_8] : memref<32x4x128xi32, #tpu.memory_space<vmem>> -> memref<1x1x128xi32, #tpu.memory_space<vmem>>
    %dma_start3A_10 = tpu.memref_squeeze %dma_start3A_9 : memref<1x1x128xi32, #tpu.memory_space<vmem>> -> memref<128xi32, #tpu.memory_space<vmem>>
    %dma_start3A_11 = arith.constant 0 : i32
    %dma_start3A_12 = arith.constant 0 : i32
    %dma_start3A_13 = tpu.memref_slice %arg5[%dma_start3A_11, %dma_start3A_12] : memref<1000x128xf32, #tpu.memory_space<vmem_shared>> -> memref<1000x128xf32, #tpu.memory_space<vmem_shared>>
    tpu.enqueue_indirect_dma source(%dma_start3A_13 : memref<1000x128xf32, #tpu.memory_space<vmem_shared>>) target(%arg7 : memref<128x128xf32, #tpu.memory_space<vmem>>) offsets(%dma_start3A_10 : memref<128xi32, #tpu.memory_space<vmem>>) semaphore(%arg10 : memref<!tpu.dma_semaphore, #tpu.memory_space<semaphore_mem>>)
    %dma_wait3A = arith.constant 0 : i32
    %dma_wait3A_14 = arith.constant 0 : i32
    %dma_wait3A_15 = arith.constant 0 : i32
    %dma_wait3A_16 = tpu.memref_slice %arg6[%dma_wait3A, %dma_wait3A_14, %dma_wait3A_15] : memref<32x4x128xi32, #tpu.memory_space<vmem>> -> memref<1x1x128xi32, #tpu.memory_space<vmem>>
    %dma_wait3A_17 = tpu.memref_squeeze %dma_wait3A_16 : memref<1x1x128xi32, #tpu.memory_space<vmem>> -> memref<128xi32, #tpu.memory_space<vmem>>
    %dma_wait3A_18 = arith.constant 0 : i32
    %dma_wait3A_19 = arith.constant 0 : i32
    %dma_wait3A_20 = tpu.memref_slice %arg5[%dma_wait3A_18, %dma_wait3A_19] : memref<1000x128xf32, #tpu.memory_space<vmem_shared>> -> memref<1000x128xf32, #tpu.memory_space<vmem_shared>>
    tpu.wait_indirect_dma semaphore(%arg10 : memref<!tpu.dma_semaphore, #tpu.memory_space<semaphore_mem>>) src(%dma_wait3A_20 : memref<1000x128xf32, #tpu.memory_space<vmem_shared>>) dst(%arg7 : memref<128x128xf32, #tpu.memory_space<vmem>>)
    %add3A_21 = arith.constant 0 : i32
    %add3A_22 = arith.addi %mul3A_2, %add3A_21 : i32
    %dma_start3A_23 = arith.constant 0 : i32
    %dma_start3A_24 = arith.constant 0 : i32
    %dma_start3A_25 = tpu.memref_slice %arg4[%add3A_22, %dma_start3A_23, %dma_start3A_24] : memref<1024x512x128xf32, #tpu.memory_space<hbm>> -> memref<1x128x128xf32, #tpu.memory_space<hbm>>
    %dma_start3A_26 = tpu.memref_squeeze %dma_start3A_25 : memref<1x128x128xf32, #tpu.memory_space<hbm>> -> memref<128x128xf32, #tpu.memory_space<hbm>>
    %dma_start3A_27 = arith.constant 0 : i32
    %dma_start3A_28 = arith.constant 0 : i32
    %dma_start3A_29 = tpu.memref_slice %arg4[%add3A_22, %dma_start3A_27, %dma_start3A_28] : memref<1024x512x128xf32, #tpu.memory_space<hbm>> -> memref<1x128x128xf32, #tpu.memory_space<hbm>>
    %dma_start3A_30 = tpu.memref_squeeze %dma_start3A_29 : memref<1x128x128xf32, #tpu.memory_space<hbm>> -> memref<128x128xf32, #tpu.memory_space<hbm>>
    tpu.enqueue_dma source(%arg7 : memref<128x128xf32, #tpu.memory_space<vmem>>) target(%dma_start3A_30 : memref<128x128xf32, #tpu.memory_space<hbm>>) target_semaphore(%arg12 : memref<!tpu.dma_semaphore, #tpu.memory_space<semaphore_mem>>)
    %dma_start3A_31 = arith.constant 0 : i32
    %dma_start3A_32 = arith.constant 1 : i32
    %dma_start3A_33 = arith.constant 0 : i32
    %dma_start3A_34 = tpu.memref_slice %arg6[%dma_start3A_31, %dma_start3A_32, %dma_start3A_33] : memref<32x4x128xi32, #tpu.memory_space<vmem>> -> memref<1x1x128xi32, #tpu.memory_space<vmem>>
    %dma_start3A_35 = tpu.memref_squeeze %dma_start3A_34 : memref<1x1x128xi32, #tpu.memory_space<vmem>> -> memref<128xi32, #tpu.memory_space<vmem>>
    %dma_start3A_36 = arith.constant 0 : i32
    %dma_start3A_37 = arith.constant 0 : i32
    %dma_start3A_38 = tpu.memref_slice %arg5[%dma_start3A_36, %dma_start3A_37] : memref<1000x128xf32, #tpu.memory_space<vmem_shared>> -> memref<1000x128xf32, #tpu.memory_space<vmem_shared>>
    tpu.enqueue_indirect_dma source(%dma_start3A_38 : memref<1000x128xf32, #tpu.memory_space<vmem_shared>>) target(%arg8 : memref<128x128xf32, #tpu.memory_space<vmem>>) offsets(%dma_start3A_35 : memref<128xi32, #tpu.memory_space<vmem>>) semaphore(%arg11 : memref<!tpu.dma_semaphore, #tpu.memory_space<semaphore_mem>>)
    %dma_wait3A_39 = arith.constant 0 : i32
    %dma_wait3A_40 = arith.constant 1 : i32
    %dma_wait3A_41 = arith.constant 0 : i32
    %dma_wait3A_42 = tpu.memref_slice %arg6[%dma_wait3A_39, %dma_wait3A_40, %dma_wait3A_41] : memref<32x4x128xi32, #tpu.memory_space<vmem>> -> memref<1x1x128xi32, #tpu.memory_space<vmem>>
    %dma_wait3A_43 = tpu.memref_squeeze %dma_wait3A_42 : memref<1x1x128xi32, #tpu.memory_space<vmem>> -> memref<128xi32, #tpu.memory_space<vmem>>
    %dma_wait3A_44 = arith.constant 0 : i32
    %dma_wait3A_45 = arith.constant 0 : i32
    %dma_wait3A_46 = tpu.memref_slice %arg5[%dma_wait3A_44, %dma_wait3A_45] : memref<1000x128xf32, #tpu.memory_space<vmem_shared>> -> memref<1000x128xf32, #tpu.memory_space<vmem_shared>>
    tpu.wait_indirect_dma semaphore(%arg11 : memref<!tpu.dma_semaphore, #tpu.memory_space<semaphore_mem>>) src(%dma_wait3A_46 : memref<1000x128xf32, #tpu.memory_space<vmem_shared>>) dst(%arg8 : memref<128x128xf32, #tpu.memory_space<vmem>>)
    %add3A_47 = arith.constant 0 : i32
    %add3A_48 = arith.addi %mul3A_2, %add3A_47 : i32
    %dma_start3A_49 = arith.constant 128 : i32
    %dma_start3A_50 = arith.constant 0 : i32
    %dma_start3A_51 = tpu.memref_slice %arg4[%add3A_48, %dma_start3A_49, %dma_start3A_50] : memref<1024x512x128xf32, #tpu.memory_space<hbm>> -> memref<1x128x128xf32, #tpu.memory_space<hbm>>
    %dma_start3A_52 = tpu.memref_squeeze %dma_start3A_51 : memref<1x128x128xf32, #tpu.memory_space<hbm>> -> memref<128x128xf32, #tpu.memory_space<hbm>>
    %dma_start3A_53 = arith.constant 128 : i32
    %dma_start3A_54 = arith.constant 0 : i32
    %dma_start3A_55 = tpu.memref_slice %arg4[%add3A_48, %dma_start3A_53, %dma_start3A_54] : memref<1024x512x128xf32, #tpu.memory_space<hbm>> -> memref<1x128x128xf32, #tpu.memory_space<hbm>>
    %dma_start3A_56 = tpu.memref_squeeze %dma_start3A_55 : memref<1x128x128xf32, #tpu.memory_space<hbm>> -> memref<128x128xf32, #tpu.memory_space<hbm>>
    tpu.enqueue_dma source(%arg8 : memref<128x128xf32, #tpu.memory_space<vmem>>) target(%dma_start3A_56 : memref<128x128xf32, #tpu.memory_space<hbm>>) target_semaphore(%arg13 : memref<!tpu.dma_semaphore, #tpu.memory_space<semaphore_mem>>)
    %add3A_57 = arith.constant 0 : i32
    %add3A_58 = arith.addi %mul3A_2, %add3A_57 : i32
    %dma_wait3A_59 = arith.constant 256 : i32
    %dma_wait3A_60 = arith.constant 0 : i32
    %dma_wait3A_61 = tpu.memref_slice %arg4[%add3A_58, %dma_wait3A_59, %dma_wait3A_60] : memref<1024x512x128xf32, #tpu.memory_space<hbm>> -> memref<1x128x128xf32, #tpu.memory_space<hbm>>
    %dma_wait3A_62 = tpu.memref_squeeze %dma_wait3A_61 : memref<1x128x128xf32, #tpu.memory_space<hbm>> -> memref<128x128xf32, #tpu.memory_space<hbm>>
    %dma_wait3A_63 = arith.constant 256 : i32
    %dma_wait3A_64 = arith.constant 0 : i32
    %dma_wait3A_65 = tpu.memref_slice %arg4[%add3A_58, %dma_wait3A_63, %dma_wait3A_64] : memref<1024x512x128xf32, #tpu.memory_space<hbm>> -> memref<1x128x128xf32, #tpu.memory_space<hbm>>
    %dma_wait3A_66 = tpu.memref_squeeze %dma_wait3A_65 : memref<1x128x128xf32, #tpu.memory_space<hbm>> -> memref<128x128xf32, #tpu.memory_space<hbm>>
    tpu.wait_dma2 semaphore(%arg12 : memref<!tpu.dma_semaphore, #tpu.memory_space<semaphore_mem>>) src(%arg7 : memref<128x128xf32, #tpu.memory_space<vmem>>) dst(%dma_wait3A_66 : memref<128x128xf32, #tpu.memory_space<hbm>>)
    %dma_start3A_67 = arith.constant 0 : i32
    %dma_start3A_68 = arith.constant 2 : i32
    %dma_start3A_69 = arith.constant 0 : i32
    %dma_start3A_70 = tpu.memref_slice %arg6[%dma_start3A_67, %dma_start3A_68, %dma_start3A_69] : memref<32x4x128xi32, #tpu.memory_space<vmem>> -> memref<1x1x128xi32, #tpu.memory_space<vmem>>
    %dma_start3A_71 = tpu.memref_squeeze %dma_start3A_70 : memref<1x1x128xi32, #tpu.memory_space<vmem>> -> memref<128xi32, #tpu.memory_space<vmem>>
    %dma_start3A_72 = arith.constant 0 : i32
    %dma_start3A_73 = arith.constant 0 : i32
    %dma_start3A_74 = tpu.memref_slice %arg5[%dma_start3A_72, %dma_start3A_73] : memref<1000x128xf32, #tpu.memory_space<vmem_shared>> -> memref<1000x128xf32, #tpu.memory_space<vmem_shared>>
    tpu.enqueue_indirect_dma source(%dma_start3A_74 : memref<1000x128xf32, #tpu.memory_space<vmem_shared>>) target(%arg7 : memref<128x128xf32, #tpu.memory_space<vmem>>) offsets(%dma_start3A_71 : memref<128xi32, #tpu.memory_space<vmem>>) semaphore(%arg10 : memref<!tpu.dma_semaphore, #tpu.memory_space<semaphore_mem>>)
    %dma_wait3A_75 = arith.constant 0 : i32
    %dma_wait3A_76 = arith.constant 2 : i32
    %dma_wait3A_77 = arith.constant 0 : i32
    %dma_wait3A_78 = tpu.memref_slice %arg6[%dma_wait3A_75, %dma_wait3A_76, %dma_wait3A_77] : memref<32x4x128xi32, #tpu.memory_space<vmem>> -> memref<1x1x128xi32, #tpu.memory_space<vmem>>
    %dma_wait3A_79 = tpu.memref_squeeze %dma_wait3A_78 : memref<1x1x128xi32, #tpu.memory_space<vmem>> -> memref<128xi32, #tpu.memory_space<vmem>>
    %dma_wait3A_80 = arith.constant 0 : i32
    %dma_wait3A_81 = arith.constant 0 : i32
    %dma_wait3A_82 = tpu.memref_slice %arg5[%dma_wait3A_80, %dma_wait3A_81] : memref<1000x128xf32, #tpu.memory_space<vmem_shared>> -> memref<1000x128xf32, #tpu.memory_space<vmem_shared>>
    tpu.wait_indirect_dma semaphore(%arg10 : memref<!tpu.dma_semaphore, #tpu.memory_space<semaphore_mem>>) src(%dma_wait3A_82 : memref<1000x128xf32, #tpu.memory_space<vmem_shared>>) dst(%arg7 : memref<128x128xf32, #tpu.memory_space<vmem>>)
    %add3A_83 = arith.constant 0 : i32
    %add3A_84 = arith.addi %mul3A_2, %add3A_83 : i32
    %dma_start3A_85 = arith.constant 256 : i32
    %dma_start3A_86 = arith.constant 0 : i32
    %dma_start3A_87 = tpu.memref_slice %arg4[%add3A_84, %dma_start3A_85, %dma_start3A_86] : memref<1024x512x128xf32, #tpu.memory_space<hbm>> -> memref<1x128x128xf32, #tpu.memory_space<hbm>>
    %dma_start3A_88 = tpu.memref_squeeze %dma_start3A_87 : memref<1x128x128xf32, #tpu.memory_space<hbm>> -> memref<128x128xf32, #tpu.memory_space<hbm>>
    %dma_start3A_89 = arith.constant 256 : i32
    %dma_start3A_90 = arith.constant 0 : i32
    %dma_start3A_91 = tpu.memref_slice %arg4[%add3A_84, %dma_start3A_89, %dma_start3A_90] : memref<1024x512x128xf32, #tpu.memory_space<hbm>> -> memref<1x128x128xf32, #tpu.memory_space<hbm>>
    %dma_start3A_92 = tpu.memref_squeeze %dma_start3A_91 : memref<1x128x128xf32, #tpu.memory_space<hbm>> -> memref<128x128xf32, #tpu.memory_space<hbm>>
    tpu.enqueue_dma source(%arg7 : memref<128x128xf32, #tpu.memory_space<vmem>>) target(%dma_start3A_92 : memref<128x128xf32, #tpu.memory_space<hbm>>) target_semaphore(%arg12 : memref<!tpu.dma_semaphore, #tpu.memory_space<semaphore_mem>>)
    %add3A_93 = arith.constant 0 : i32
    %add3A_94 = arith.addi %mul3A_2, %add3A_93 : i32
    %dma_wait3A_95 = arith.constant 384 : i32
    %dma_wait3A_96 = arith.constant 0 : i32
    %dma_wait3A_97 = tpu.memref_slice %arg4[%add3A_94, %dma_wait3A_95, %dma_wait3A_96] : memref<1024x512x128xf32, #tpu.memory_space<hbm>> -> memref<1x128x128xf32, #tpu.memory_space<hbm>>
    %dma_wait3A_98 = tpu.memref_squeeze %dma_wait3A_97 : memref<1x128x128xf32, #tpu.memory_space<hbm>> -> memref<128x128xf32, #tpu.memory_space<hbm>>
    %dma_wait3A_99 = arith.constant 384 : i32
    %dma_wait3A_100 = arith.constant 0 : i32
    %dma_wait3A_101 = tpu.memref_slice %arg4[%add3A_94, %dma_wait3A_99, %dma_wait3A_100] : memref<1024x512x128xf32, #tpu.memory_space<hbm>> -> memref<1x128x128xf32, #tpu.memory_space<hbm>>
    %dma_wait3A_102 = tpu.memref_squeeze %dma_wait3A_101 : memref<1x128x128xf32, #tpu.memory_space<hbm>> -> memref<128x128xf32, #tpu.memory_space<hbm>>
    tpu.wait_dma2 semaphore(%arg13 : memref<!tpu.dma_semaphore, #tpu.memory_space<semaphore_mem>>) src(%arg8 : memref<128x128xf32, #tpu.memory_space<vmem>>) dst(%dma_wait3A_102 : memref<128x128xf32, #tpu.memory_space<hbm>>)
    %dma_start3A_103 = arith.constant 0 : i32
    %dma_start3A_104 = arith.constant 3 : i32
    %dma_start3A_105 = arith.constant 0 : i32
    %dma_start3A_106 = tpu.memref_slice %arg6[%dma_start3A_103, %dma_start3A_104, %dma_start3A_105] : memref<32x4x128xi32, #tpu.memory_space<vmem>> -> memref<1x1x128xi32, #tpu.memory_space<vmem>>
    %dma_start3A_107 = tpu.memref_squeeze %dma_start3A_106 : memref<1x1x128xi32, #tpu.memory_space<vmem>> -> memref<128xi32, #tpu.memory_space<vmem>>
    %dma_start3A_108 = arith.constant 0 : i32
    %dma_start3A_109 = arith.constant 0 : i32
    %dma_start3A_110 = tpu.memref_slice %arg5[%dma_start3A_108, %dma_start3A_109] : memref<1000x128xf32, #tpu.memory_space<vmem_shared>> -> memref<1000x128xf32, #tpu.memory_space<vmem_shared>>
    tpu.enqueue_indirect_dma source(%dma_start3A_110 : memref<1000x128xf32, #tpu.memory_space<vmem_shared>>) target(%arg8 : memref<128x128xf32, #tpu.memory_space<vmem>>) offsets(%dma_start3A_107 : memref<128xi32, #tpu.memory_space<vmem>>) semaphore(%arg11 : memref<!tpu.dma_semaphore, #tpu.memory_space<semaphore_mem>>)
    %dma_wait3A_111 = arith.constant 0 : i32
    %dma_wait3A_112 = arith.constant 3 : i32
    %dma_wait3A_113 = arith.constant 0 : i32
    %dma_wait3A_114 = tpu.memref_slice %arg6[%dma_wait3A_111, %dma_wait3A_112, %dma_wait3A_113] : memref<32x4x128xi32, #tpu.memory_space<vmem>> -> memref<1x1x128xi32, #tpu.memory_space<vmem>>
    %dma_wait3A_115 = tpu.memref_squeeze %dma_wait3A_114 : memref<1x1x128xi32, #tpu.memory_space<vmem>> -> memref<128xi32, #tpu.memory_space<vmem>>
    %dma_wait3A_116 = arith.constant 0 : i32
    %dma_wait3A_117 = arith.constant 0 : i32
    %dma_wait3A_118 = tpu.memref_slice %arg5[%dma_wait3A_116, %dma_wait3A_117] : memref<1000x128xf32, #tpu.memory_space<vmem_shared>> -> memref<1000x128xf32, #tpu.memory_space<vmem_shared>>
    tpu.wait_indirect_dma semaphore(%arg11 : memref<!tpu.dma_semaphore, #tpu.memory_space<semaphore_mem>>) src(%dma_wait3A_118 : memref<1000x128xf32, #tpu.memory_space<vmem_shared>>) dst(%arg8 : memref<128x128xf32, #tpu.memory_space<vmem>>)
    %add3A_119 = arith.constant 0 : i32
    %add3A_120 = arith.addi %mul3A_2, %add3A_119 : i32
    %dma_start3A_121 = arith.constant 384 : i32
    %dma_start3A_122 = arith.constant 0 : i32
    %dma_start3A_123 = tpu.memref_slice %arg4[%add3A_120, %dma_start3A_121, %dma_start3A_122] : memref<1024x512x128xf32, #tpu.memory_space<hbm>> -> memref<1x128x128xf32, #tpu.memory_space<hbm>>
    %dma_start3A_124 = tpu.memref_squeeze %dma_start3A_123 : memref<1x128x128xf32, #tpu.memory_space<hbm>> -> memref<128x128xf32, #tpu.memory_space<hbm>>
    %dma_start3A_125 = arith.constant 384 : i32
    %dma_start3A_126 = arith.constant 0 : i32
    %dma_start3A_127 = tpu.memref_slice %arg4[%add3A_120, %dma_start3A_125, %dma_start3A_126] : memref<1024x512x128xf32, #tpu.memory_space<hbm>> -> memref<1x128x128xf32, #tpu.memory_space<hbm>>
    %dma_start3A_128 = tpu.memref_squeeze %dma_start3A_127 : memref<1x128x128xf32, #tpu.memory_space<hbm>> -> memref<128x128xf32, #tpu.memory_space<hbm>>
    tpu.enqueue_dma source(%arg8 : memref<128x128xf32, #tpu.memory_space<vmem>>) target(%dma_start3A_128 : memref<128x128xf32, #tpu.memory_space<hbm>>) target_semaphore(%arg13 : memref<!tpu.dma_semaphore, #tpu.memory_space<semaphore_mem>>)
    %scan3A = arith.constant 0 : i32
    %scan3A_129 = arith.constant 1 : i32
    %scan3A_130 = arith.constant 31 : i32
    %scan3A_131 = arith.addi %scan3A_129, %scan3A_130 : i32
    %scan3A_132 = arith.constant 1 : i32
    %scan3A_133 = scf.for %scan3A_155 = %scan3A_129 to %scan3A_131 step %scan3A_132 iter_args(%scan3A_156 = %scan3A) -> (i32)  : i32 {
      %add3A_157 = arith.addi %mul3A_2, %scan3A_155 : i32
      %dma_wait3A_158 = arith.constant 0 : i32
      %dma_wait3A_159 = arith.constant 0 : i32
      %dma_wait3A_160 = tpu.memref_slice %arg4[%add3A_157, %dma_wait3A_158, %dma_wait3A_159] : memref<1024x512x128xf32, #tpu.memory_space<hbm>> -> memref<1x128x128xf32, #tpu.memory_space<hbm>>
      %dma_wait3A_161 = tpu.memref_squeeze %dma_wait3A_160 : memref<1x128x128xf32, #tpu.memory_space<hbm>> -> memref<128x128xf32, #tpu.memory_space<hbm>>
      %dma_wait3A_162 = arith.constant 0 : i32
      %dma_wait3A_163 = arith.constant 0 : i32
      %dma_wait3A_164 = tpu.memref_slice %arg4[%add3A_157, %dma_wait3A_162, %dma_wait3A_163] : memref<1024x512x128xf32, #tpu.memory_space<hbm>> -> memref<1x128x128xf32, #tpu.memory_space<hbm>>
      %dma_wait3A_165 = tpu.memref_squeeze %dma_wait3A_164 : memref<1x128x128xf32, #tpu.memory_space<hbm>> -> memref<128x128xf32, #tpu.memory_space<hbm>>
      tpu.wait_dma2 semaphore(%arg12 : memref<!tpu.dma_semaphore, #tpu.memory_space<semaphore_mem>>) src(%arg7 : memref<128x128xf32, #tpu.memory_space<vmem>>) dst(%dma_wait3A_165 : memref<128x128xf32, #tpu.memory_space<hbm>>)
      %dma_start3A_166 = arith.constant 0 : i32
      %dma_start3A_167 = arith.constant 0 : i32
      %dma_start3A_168 = tpu.memref_slice %arg6[%scan3A_155, %dma_start3A_166, %dma_start3A_167] : memref<32x4x128xi32, #tpu.memory_space<vmem>> -> memref<1x1x128xi32, #tpu.memory_space<vmem>>
      %dma_start3A_169 = tpu.memref_squeeze %dma_start3A_168 : memref<1x1x128xi32, #tpu.memory_space<vmem>> -> memref<128xi32, #tpu.memory_space<vmem>>
      %dma_start3A_170 = arith.constant 0 : i32
      %dma_start3A_171 = arith.constant 0 : i32
      %dma_start3A_172 = tpu.memref_slice %arg5[%dma_start3A_170, %dma_start3A_171] : memref<1000x128xf32, #tpu.memory_space<vmem_shared>> -> memref<1000x128xf32, #tpu.memory_space<vmem_shared>>
      tpu.enqueue_indirect_dma source(%dma_start3A_172 : memref<1000x128xf32, #tpu.memory_space<vmem_shared>>) target(%arg7 : memref<128x128xf32, #tpu.memory_space<vmem>>) offsets(%dma_start3A_169 : memref<128xi32, #tpu.memory_space<vmem>>) semaphore(%arg10 : memref<!tpu.dma_semaphore, #tpu.memory_space<semaphore_mem>>)
      %dma_wait3A_173 = arith.constant 0 : i32
      %dma_wait3A_174 = arith.constant 0 : i32
      %dma_wait3A_175 = tpu.memref_slice %arg6[%scan3A_155, %dma_wait3A_173, %dma_wait3A_174] : memref<32x4x128xi32, #tpu.memory_space<vmem>> -> memref<1x1x128xi32, #tpu.memory_space<vmem>>
      %dma_wait3A_176 = tpu.memref_squeeze %dma_wait3A_175 : memref<1x1x128xi32, #tpu.memory_space<vmem>> -> memref<128xi32, #tpu.memory_space<vmem>>
      %dma_wait3A_177 = arith.constant 0 : i32
      %dma_wait3A_178 = arith.constant 0 : i32
      %dma_wait3A_179 = tpu.memref_slice %arg5[%dma_wait3A_177, %dma_wait3A_178] : memref<1000x128xf32, #tpu.memory_space<vmem_shared>> -> memref<1000x128xf32, #tpu.memory_space<vmem_shared>>
      tpu.wait_indirect_dma semaphore(%arg10 : memref<!tpu.dma_semaphore, #tpu.memory_space<semaphore_mem>>) src(%dma_wait3A_179 : memref<1000x128xf32, #tpu.memory_space<vmem_shared>>) dst(%arg7 : memref<128x128xf32, #tpu.memory_space<vmem>>)
      %add3A_180 = arith.addi %mul3A_2, %scan3A_155 : i32
      %dma_start3A_181 = arith.constant 0 : i32
      %dma_start3A_182 = arith.constant 0 : i32
      %dma_start3A_183 = tpu.memref_slice %arg4[%add3A_180, %dma_start3A_181, %dma_start3A_182] : memref<1024x512x128xf32, #tpu.memory_space<hbm>> -> memref<1x128x128xf32, #tpu.memory_space<hbm>>
      %dma_start3A_184 = tpu.memref_squeeze %dma_start3A_183 : memref<1x128x128xf32, #tpu.memory_space<hbm>> -> memref<128x128xf32, #tpu.memory_space<hbm>>
      %dma_start3A_185 = arith.constant 0 : i32
      %dma_start3A_186 = arith.constant 0 : i32
      %dma_start3A_187 = tpu.memref_slice %arg4[%add3A_180, %dma_start3A_185, %dma_start3A_186] : memref<1024x512x128xf32, #tpu.memory_space<hbm>> -> memref<1x128x128xf32, #tpu.memory_space<hbm>>
      %dma_start3A_188 = tpu.memref_squeeze %dma_start3A_187 : memref<1x128x128xf32, #tpu.memory_space<hbm>> -> memref<128x128xf32, #tpu.memory_space<hbm>>
      tpu.enqueue_dma source(%arg7 : memref<128x128xf32, #tpu.memory_space<vmem>>) target(%dma_start3A_188 : memref<128x128xf32, #tpu.memory_space<hbm>>) target_semaphore(%arg12 : memref<!tpu.dma_semaphore, #tpu.memory_space<semaphore_mem>>)
      %add3A_189 = arith.addi %mul3A_2, %scan3A_155 : i32
      %dma_wait3A_190 = arith.constant 128 : i32
      %dma_wait3A_191 = arith.constant 0 : i32
      %dma_wait3A_192 = tpu.memref_slice %arg4[%add3A_189, %dma_wait3A_190, %dma_wait3A_191] : memref<1024x512x128xf32, #tpu.memory_space<hbm>> -> memref<1x128x128xf32, #tpu.memory_space<hbm>>
      %dma_wait3A_193 = tpu.memref_squeeze %dma_wait3A_192 : memref<1x128x128xf32, #tpu.memory_space<hbm>> -> memref<128x128xf32, #tpu.memory_space<hbm>>
      %dma_wait3A_194 = arith.constant 128 : i32
      %dma_wait3A_195 = arith.constant 0 : i32
      %dma_wait3A_196 = tpu.memref_slice %arg4[%add3A_189, %dma_wait3A_194, %dma_wait3A_195] : memref<1024x512x128xf32, #tpu.memory_space<hbm>> -> memref<1x128x128xf32, #tpu.memory_space<hbm>>
      %dma_wait3A_197 = tpu.memref_squeeze %dma_wait3A_196 : memref<1x128x128xf32, #tpu.memory_space<hbm>> -> memref<128x128xf32, #tpu.memory_space<hbm>>
      tpu.wait_dma2 semaphore(%arg13 : memref<!tpu.dma_semaphore, #tpu.memory_space<semaphore_mem>>) src(%arg8 : memref<128x128xf32, #tpu.memory_space<vmem>>) dst(%dma_wait3A_197 : memref<128x128xf32, #tpu.memory_space<hbm>>)
      %dma_start3A_198 = arith.constant 1 : i32
      %dma_start3A_199 = arith.constant 0 : i32
      %dma_start3A_200 = tpu.memref_slice %arg6[%scan3A_155, %dma_start3A_198, %dma_start3A_199] : memref<32x4x128xi32, #tpu.memory_space<vmem>> -> memref<1x1x128xi32, #tpu.memory_space<vmem>>
      %dma_start3A_201 = tpu.memref_squeeze %dma_start3A_200 : memref<1x1x128xi32, #tpu.memory_space<vmem>> -> memref<128xi32, #tpu.memory_space<vmem>>
      %dma_start3A_202 = arith.constant 0 : i32
      %dma_start3A_203 = arith.constant 0 : i32
      %dma_start3A_204 = tpu.memref_slice %arg5[%dma_start3A_202, %dma_start3A_203] : memref<1000x128xf32, #tpu.memory_space<vmem_shared>> -> memref<1000x128xf32, #tpu.memory_space<vmem_shared>>
      tpu.enqueue_indirect_dma source(%dma_start3A_204 : memref<1000x128xf32, #tpu.memory_space<vmem_shared>>) target(%arg8 : memref<128x128xf32, #tpu.memory_space<vmem>>) offsets(%dma_start3A_201 : memref<128xi32, #tpu.memory_space<vmem>>) semaphore(%arg11 : memref<!tpu.dma_semaphore, #tpu.memory_space<semaphore_mem>>)
      %dma_wait3A_205 = arith.constant 1 : i32
      %dma_wait3A_206 = arith.constant 0 : i32
      %dma_wait3A_207 = tpu.memref_slice %arg6[%scan3A_155, %dma_wait3A_205, %dma_wait3A_206] : memref<32x4x128xi32, #tpu.memory_space<vmem>> -> memref<1x1x128xi32, #tpu.memory_space<vmem>>
      %dma_wait3A_208 = tpu.memref_squeeze %dma_wait3A_207 : memref<1x1x128xi32, #tpu.memory_space<vmem>> -> memref<128xi32, #tpu.memory_space<vmem>>
      %dma_wait3A_209 = arith.constant 0 : i32
      %dma_wait3A_210 = arith.constant 0 : i32
      %dma_wait3A_211 = tpu.memref_slice %arg5[%dma_wait3A_209, %dma_wait3A_210] : memref<1000x128xf32, #tpu.memory_space<vmem_shared>> -> memref<1000x128xf32, #tpu.memory_space<vmem_shared>>
      tpu.wait_indirect_dma semaphore(%arg11 : memref<!tpu.dma_semaphore, #tpu.memory_space<semaphore_mem>>) src(%dma_wait3A_211 : memref<1000x128xf32, #tpu.memory_space<vmem_shared>>) dst(%arg8 : memref<128x128xf32, #tpu.memory_space<vmem>>)
      %add3A_212 = arith.addi %mul3A_2, %scan3A_155 : i32
      %dma_start3A_213 = arith.constant 128 : i32
      %dma_start3A_214 = arith.constant 0 : i32
      %dma_start3A_215 = tpu.memref_slice %arg4[%add3A_212, %dma_start3A_213, %dma_start3A_214] : memref<1024x512x128xf32, #tpu.memory_space<hbm>> -> memref<1x128x128xf32, #tpu.memory_space<hbm>>
      %dma_start3A_216 = tpu.memref_squeeze %dma_start3A_215 : memref<1x128x128xf32, #tpu.memory_space<hbm>> -> memref<128x128xf32, #tpu.memory_space<hbm>>
      %dma_start3A_217 = arith.constant 128 : i32
      %dma_start3A_218 = arith.constant 0 : i32
      %dma_start3A_219 = tpu.memref_slice %arg4[%add3A_212, %dma_start3A_217, %dma_start3A_218] : memref<1024x512x128xf32, #tpu.memory_space<hbm>> -> memref<1x128x128xf32, #tpu.memory_space<hbm>>
      %dma_start3A_220 = tpu.memref_squeeze %dma_start3A_219 : memref<1x128x128xf32, #tpu.memory_space<hbm>> -> memref<128x128xf32, #tpu.memory_space<hbm>>
      tpu.enqueue_dma source(%arg8 : memref<128x128xf32, #tpu.memory_space<vmem>>) target(%dma_start3A_220 : memref<128x128xf32, #tpu.memory_space<hbm>>) target_semaphore(%arg13 : memref<!tpu.dma_semaphore, #tpu.memory_space<semaphore_mem>>)
      %add3A_221 = arith.addi %mul3A_2, %scan3A_155 : i32
      %dma_wait3A_222 = arith.constant 256 : i32
      %dma_wait3A_223 = arith.constant 0 : i32
      %dma_wait3A_224 = tpu.memref_slice %arg4[%add3A_221, %dma_wait3A_222, %dma_wait3A_223] : memref<1024x512x128xf32, #tpu.memory_space<hbm>> -> memref<1x128x128xf32, #tpu.memory_space<hbm>>
      %dma_wait3A_225 = tpu.memref_squeeze %dma_wait3A_224 : memref<1x128x128xf32, #tpu.memory_space<hbm>> -> memref<128x128xf32, #tpu.memory_space<hbm>>
      %dma_wait3A_226 = arith.constant 256 : i32
      %dma_wait3A_227 = arith.constant 0 : i32
      %dma_wait3A_228 = tpu.memref_slice %arg4[%add3A_221, %dma_wait3A_226, %dma_wait3A_227] : memref<1024x512x128xf32, #tpu.memory_space<hbm>> -> memref<1x128x128xf32, #tpu.memory_space<hbm>>
      %dma_wait3A_229 = tpu.memref_squeeze %dma_wait3A_228 : memref<1x128x128xf32, #tpu.memory_space<hbm>> -> memref<128x128xf32, #tpu.memory_space<hbm>>
      tpu.wait_dma2 semaphore(%arg12 : memref<!tpu.dma_semaphore, #tpu.memory_space<semaphore_mem>>) src(%arg7 : memref<128x128xf32, #tpu.memory_space<vmem>>) dst(%dma_wait3A_229 : memref<128x128xf32, #tpu.memory_space<hbm>>)
      %dma_start3A_230 = arith.constant 2 : i32
      %dma_start3A_231 = arith.constant 0 : i32
      %dma_start3A_232 = tpu.memref_slice %arg6[%scan3A_155, %dma_start3A_230, %dma_start3A_231] : memref<32x4x128xi32, #tpu.memory_space<vmem>> -> memref<1x1x128xi32, #tpu.memory_space<vmem>>
      %dma_start3A_233 = tpu.memref_squeeze %dma_start3A_232 : memref<1x1x128xi32, #tpu.memory_space<vmem>> -> memref<128xi32, #tpu.memory_space<vmem>>
      %dma_start3A_234 = arith.constant 0 : i32
      %dma_start3A_235 = arith.constant 0 : i32
      %dma_start3A_236 = tpu.memref_slice %arg5[%dma_start3A_234, %dma_start3A_235] : memref<1000x128xf32, #tpu.memory_space<vmem_shared>> -> memref<1000x128xf32, #tpu.memory_space<vmem_shared>>
      tpu.enqueue_indirect_dma source(%dma_start3A_236 : memref<1000x128xf32, #tpu.memory_space<vmem_shared>>) target(%arg7 : memref<128x128xf32, #tpu.memory_space<vmem>>) offsets(%dma_start3A_233 : memref<128xi32, #tpu.memory_space<vmem>>) semaphore(%arg10 : memref<!tpu.dma_semaphore, #tpu.memory_space<semaphore_mem>>)
      %dma_wait3A_237 = arith.constant 2 : i32
      %dma_wait3A_238 = arith.constant 0 : i32
      %dma_wait3A_239 = tpu.memref_slice %arg6[%scan3A_155, %dma_wait3A_237, %dma_wait3A_238] : memref<32x4x128xi32, #tpu.memory_space<vmem>> -> memref<1x1x128xi32, #tpu.memory_space<vmem>>
      %dma_wait3A_240 = tpu.memref_squeeze %dma_wait3A_239 : memref<1x1x128xi32, #tpu.memory_space<vmem>> -> memref<128xi32, #tpu.memory_space<vmem>>
      %dma_wait3A_241 = arith.constant 0 : i32
      %dma_wait3A_242 = arith.constant 0 : i32
      %dma_wait3A_243 = tpu.memref_slice %arg5[%dma_wait3A_241, %dma_wait3A_242] : memref<1000x128xf32, #tpu.memory_space<vmem_shared>> -> memref<1000x128xf32, #tpu.memory_space<vmem_shared>>
      tpu.wait_indirect_dma semaphore(%arg10 : memref<!tpu.dma_semaphore, #tpu.memory_space<semaphore_mem>>) src(%dma_wait3A_243 : memref<1000x128xf32, #tpu.memory_space<vmem_shared>>) dst(%arg7 : memref<128x128xf32, #tpu.memory_space<vmem>>)
      %add3A_244 = arith.addi %mul3A_2, %scan3A_155 : i32
      %dma_start3A_245 = arith.constant 256 : i32
      %dma_start3A_246 = arith.constant 0 : i32
      %dma_start3A_247 = tpu.memref_slice %arg4[%add3A_244, %dma_start3A_245, %dma_start3A_246] : memref<1024x512x128xf32, #tpu.memory_space<hbm>> -> memref<1x128x128xf32, #tpu.memory_space<hbm>>
      %dma_start3A_248 = tpu.memref_squeeze %dma_start3A_247 : memref<1x128x128xf32, #tpu.memory_space<hbm>> -> memref<128x128xf32, #tpu.memory_space<hbm>>
      %dma_start3A_249 = arith.constant 256 : i32
      %dma_start3A_250 = arith.constant 0 : i32
      %dma_start3A_251 = tpu.memref_slice %arg4[%add3A_244, %dma_start3A_249, %dma_start3A_250] : memref<1024x512x128xf32, #tpu.memory_space<hbm>> -> memref<1x128x128xf32, #tpu.memory_space<hbm>>
      %dma_start3A_252 = tpu.memref_squeeze %dma_start3A_251 : memref<1x128x128xf32, #tpu.memory_space<hbm>> -> memref<128x128xf32, #tpu.memory_space<hbm>>
      tpu.enqueue_dma source(%arg7 : memref<128x128xf32, #tpu.memory_space<vmem>>) target(%dma_start3A_252 : memref<128x128xf32, #tpu.memory_space<hbm>>) target_semaphore(%arg12 : memref<!tpu.dma_semaphore, #tpu.memory_space<semaphore_mem>>)
      %add3A_253 = arith.addi %mul3A_2, %scan3A_155 : i32
      %dma_wait3A_254 = arith.constant 384 : i32
      %dma_wait3A_255 = arith.constant 0 : i32
      %dma_wait3A_256 = tpu.memref_slice %arg4[%add3A_253, %dma_wait3A_254, %dma_wait3A_255] : memref<1024x512x128xf32, #tpu.memory_space<hbm>> -> memref<1x128x128xf32, #tpu.memory_space<hbm>>
      %dma_wait3A_257 = tpu.memref_squeeze %dma_wait3A_256 : memref<1x128x128xf32, #tpu.memory_space<hbm>> -> memref<128x128xf32, #tpu.memory_space<hbm>>
      %dma_wait3A_258 = arith.constant 384 : i32
      %dma_wait3A_259 = arith.constant 0 : i32
      %dma_wait3A_260 = tpu.memref_slice %arg4[%add3A_253, %dma_wait3A_258, %dma_wait3A_259] : memref<1024x512x128xf32, #tpu.memory_space<hbm>> -> memref<1x128x128xf32, #tpu.memory_space<hbm>>
      %dma_wait3A_261 = tpu.memref_squeeze %dma_wait3A_260 : memref<1x128x128xf32, #tpu.memory_space<hbm>> -> memref<128x128xf32, #tpu.memory_space<hbm>>
      tpu.wait_dma2 semaphore(%arg13 : memref<!tpu.dma_semaphore, #tpu.memory_space<semaphore_mem>>) src(%arg8 : memref<128x128xf32, #tpu.memory_space<vmem>>) dst(%dma_wait3A_261 : memref<128x128xf32, #tpu.memory_space<hbm>>)
      %dma_start3A_262 = arith.constant 3 : i32
      %dma_start3A_263 = arith.constant 0 : i32
      %dma_start3A_264 = tpu.memref_slice %arg6[%scan3A_155, %dma_start3A_262, %dma_start3A_263] : memref<32x4x128xi32, #tpu.memory_space<vmem>> -> memref<1x1x128xi32, #tpu.memory_space<vmem>>
      %dma_start3A_265 = tpu.memref_squeeze %dma_start3A_264 : memref<1x1x128xi32, #tpu.memory_space<vmem>> -> memref<128xi32, #tpu.memory_space<vmem>>
      %dma_start3A_266 = arith.constant 0 : i32
      %dma_start3A_267 = arith.constant 0 : i32
      %dma_start3A_268 = tpu.memref_slice %arg5[%dma_start3A_266, %dma_start3A_267] : memref<1000x128xf32, #tpu.memory_space<vmem_shared>> -> memref<1000x128xf32, #tpu.memory_space<vmem_shared>>
      tpu.enqueue_indirect_dma source(%dma_start3A_268 : memref<1000x128xf32, #tpu.memory_space<vmem_shared>>) target(%arg8 : memref<128x128xf32, #tpu.memory_space<vmem>>) offsets(%dma_start3A_265 : memref<128xi32, #tpu.memory_space<vmem>>) semaphore(%arg11 : memref<!tpu.dma_semaphore, #tpu.memory_space<semaphore_mem>>)
      %dma_wait3A_269 = arith.constant 3 : i32
      %dma_wait3A_270 = arith.constant 0 : i32
      %dma_wait3A_271 = tpu.memref_slice %arg6[%scan3A_155, %dma_wait3A_269, %dma_wait3A_270] : memref<32x4x128xi32, #tpu.memory_space<vmem>> -> memref<1x1x128xi32, #tpu.memory_space<vmem>>
      %dma_wait3A_272 = tpu.memref_squeeze %dma_wait3A_271 : memref<1x1x128xi32, #tpu.memory_space<vmem>> -> memref<128xi32, #tpu.memory_space<vmem>>
      %dma_wait3A_273 = arith.constant 0 : i32
      %dma_wait3A_274 = arith.constant 0 : i32
      %dma_wait3A_275 = tpu.memref_slice %arg5[%dma_wait3A_273, %dma_wait3A_274] : memref<1000x128xf32, #tpu.memory_space<vmem_shared>> -> memref<1000x128xf32, #tpu.memory_space<vmem_shared>>
      tpu.wait_indirect_dma semaphore(%arg11 : memref<!tpu.dma_semaphore, #tpu.memory_space<semaphore_mem>>) src(%dma_wait3A_275 : memref<1000x128xf32, #tpu.memory_space<vmem_shared>>) dst(%arg8 : memref<128x128xf32, #tpu.memory_space<vmem>>)
      %add3A_276 = arith.addi %mul3A_2, %scan3A_155 : i32
      %dma_start3A_277 = arith.constant 384 : i32
      %dma_start3A_278 = arith.constant 0 : i32
      %dma_start3A_279 = tpu.memref_slice %arg4[%add3A_276, %dma_start3A_277, %dma_start3A_278] : memref<1024x512x128xf32, #tpu.memory_space<hbm>> -> memref<1x128x128xf32, #tpu.memory_space<hbm>>
      %dma_start3A_280 = tpu.memref_squeeze %dma_start3A_279 : memref<1x128x128xf32, #tpu.memory_space<hbm>> -> memref<128x128xf32, #tpu.memory_space<hbm>>
      %dma_start3A_281 = arith.constant 384 : i32
      %dma_start3A_282 = arith.constant 0 : i32
      %dma_start3A_283 = tpu.memref_slice %arg4[%add3A_276, %dma_start3A_281, %dma_start3A_282] : memref<1024x512x128xf32, #tpu.memory_space<hbm>> -> memref<1x128x128xf32, #tpu.memory_space<hbm>>
      %dma_start3A_284 = tpu.memref_squeeze %dma_start3A_283 : memref<1x128x128xf32, #tpu.memory_space<hbm>> -> memref<128x128xf32, #tpu.memory_space<hbm>>
      tpu.enqueue_dma source(%arg8 : memref<128x128xf32, #tpu.memory_space<vmem>>) target(%dma_start3A_284 : memref<128x128xf32, #tpu.memory_space<hbm>>) target_semaphore(%arg13 : memref<!tpu.dma_semaphore, #tpu.memory_space<semaphore_mem>>)
      %scan3A_285 = arith.constant 0 : i32
      scf.yield %scan3A_285 : i32
    }
    %scan3A_134 = arith.constant 31 : i32
    %add3A_135 = arith.constant 0 : i32
    %add3A_136 = arith.addi %mul3A_2, %add3A_135 : i32
    %dma_wait3A_137 = arith.constant 0 : i32
    %dma_wait3A_138 = arith.constant 0 : i32
    %dma_wait3A_139 = tpu.memref_slice %arg4[%add3A_136, %dma_wait3A_137, %dma_wait3A_138] : memref<1024x512x128xf32, #tpu.memory_space<hbm>> -> memref<1x128x128xf32, #tpu.memory_space<hbm>>
    %dma_wait3A_140 = tpu.memref_squeeze %dma_wait3A_139 : memref<1x128x128xf32, #tpu.memory_space<hbm>> -> memref<128x128xf32, #tpu.memory_space<hbm>>
    %dma_wait3A_141 = arith.constant 0 : i32
    %dma_wait3A_142 = arith.constant 0 : i32
    %dma_wait3A_143 = tpu.memref_slice %arg4[%add3A_136, %dma_wait3A_141, %dma_wait3A_142] : memref<1024x512x128xf32, #tpu.memory_space<hbm>> -> memref<1x128x128xf32, #tpu.memory_space<hbm>>
    %dma_wait3A_144 = tpu.memref_squeeze %dma_wait3A_143 : memref<1x128x128xf32, #tpu.memory_space<hbm>> -> memref<128x128xf32, #tpu.memory_space<hbm>>
    tpu.wait_dma2 semaphore(%arg12 : memref<!tpu.dma_semaphore, #tpu.memory_space<semaphore_mem>>) src(%arg7 : memref<128x128xf32, #tpu.memory_space<vmem>>) dst(%dma_wait3A_144 : memref<128x128xf32, #tpu.memory_space<hbm>>)
    %add3A_145 = arith.constant 0 : i32
    %add3A_146 = arith.addi %mul3A_2, %add3A_145 : i32
    %dma_wait3A_147 = arith.constant 128 : i32
    %dma_wait3A_148 = arith.constant 0 : i32
    %dma_wait3A_149 = tpu.memref_slice %arg4[%add3A_146, %dma_wait3A_147, %dma_wait3A_148] : memref<1024x512x128xf32, #tpu.memory_space<hbm>> -> memref<1x128x128xf32, #tpu.memory_space<hbm>>
    %dma_wait3A_150 = tpu.memref_squeeze %dma_wait3A_149 : memref<1x128x128xf32, #tpu.memory_space<hbm>> -> memref<128x128xf32, #tpu.memory_space<hbm>>
    %dma_wait3A_151 = arith.constant 128 : i32
    %dma_wait3A_152 = arith.constant 0 : i32
    %dma_wait3A_153 = tpu.memref_slice %arg4[%add3A_146, %dma_wait3A_151, %dma_wait3A_152] : memref<1024x512x128xf32, #tpu.memory_space<hbm>> -> memref<1x128x128xf32, #tpu.memory_space<hbm>>
    %dma_wait3A_154 = tpu.memref_squeeze %dma_wait3A_153 : memref<1x128x128xf32, #tpu.memory_space<hbm>> -> memref<128x128xf32, #tpu.memory_space<hbm>>
    tpu.wait_dma2 semaphore(%arg13 : memref<!tpu.dma_semaphore, #tpu.memory_space<semaphore_mem>>) src(%arg8 : memref<128x128xf32, #tpu.memory_space<vmem>>) dst(%dma_wait3A_154 : memref<128x128xf32, #tpu.memory_space<hbm>>)
    return
  }
}

module attributes {stable_mosaic.version = 14 : i64} {
  func.func @_mlp_body(%arg0: i32, %arg1: i32, %arg2: memref<512x32x128xf32, #tpu.memory_space<vmem>>, %arg3: memref<32x128x128xf32, #tpu.memory_space<vmem>>, %arg4: memref<128xf32, #tpu.memory_space<vmem>>, %arg5: memref<128x64xf32, #tpu.memory_space<vmem>>, %arg6: memref<64xf32, #tpu.memory_space<vmem>>, %arg7: memref<64x4xf32, #tpu.memory_space<vmem>>, %arg8: memref<4xf32, #tpu.memory_space<vmem>>, %arg9: memref<512x2xf32, #tpu.memory_space<vmem>>, %arg10: memref<512x2xf32, #tpu.memory_space<vmem>>, %arg11: memref<512x128xf32, #tpu.memory_space<vmem>>) attributes {dimension_semantics = [#tpu.dimension_semantics<arbitrary>, #tpu.dimension_semantics<arbitrary>], iteration_bounds = array<i64: 2, 16>, scalar_prefetch = 0 : i64, scratch_operands = 1 : i64, tpu.core_type = #tpu.core_type<tc>, window_params = [{transform_indices = @transform_0, window_bounds = array<i64: 512, 32, 128>}, {transform_indices = @transform_1, window_bounds = array<i64: 32, 128, 128>}, {pipeline_mode = #tpu.pipeline_mode<synchronous>, transform_indices = @transform_2, window_bounds = array<i64: 128>}, {pipeline_mode = #tpu.pipeline_mode<synchronous>, transform_indices = @transform_3, window_bounds = array<i64: 128, 64>}, {pipeline_mode = #tpu.pipeline_mode<synchronous>, transform_indices = @transform_4, window_bounds = array<i64: 64>}, {pipeline_mode = #tpu.pipeline_mode<synchronous>, transform_indices = @transform_5, window_bounds = array<i64: 64, 4>}, {pipeline_mode = #tpu.pipeline_mode<synchronous>, transform_indices = @transform_6, window_bounds = array<i64: 4>}, {transform_indices = @transform_7, window_bounds = array<i64: 512, 2>}, {transform_indices = @transform_8, window_bounds = array<i64: 512, 2>}]} {
    %eq3A = arith.constant 0 : i32
    %eq3A_0 = arith.cmpi eq, %arg1, %eq3A : i32
    %convert_element_type3A = arith.extui %eq3A_0 : i1 to i32
    %cond3A = arith.constant 0 : i32
    %cond3A_1 = arith.cmpi ne, %convert_element_type3A, %cond3A : i32
    scf.if %cond3A_1 {
      %broadcast_in_dim3A = arith.constant 0.000000e+00 : f32
      %broadcast_in_dim3A_21 = vector.broadcast %broadcast_in_dim3A : f32 to vector<512x128xf32>
      %swap3A_22 = arith.constant 0 : index
      %swap3A_23 = arith.constant 0 : index
      %swap3A_24 = vector.load %arg11[%swap3A_22, %swap3A_23] : memref<512x128xf32, #tpu.memory_space<vmem>>, vector<512x128xf32>
      tpu.vector_store %arg11[%swap3A_22, %swap3A_23], %broadcast_in_dim3A_21 {strides = array<i32>} : memref<512x128xf32, #tpu.memory_space<vmem>>, vector<512x128xf32>,
    } else {
    }
    %get3A = arith.constant 0 : index
    %get3A_2 = arith.constant 0 : index
    %get3A_3 = arith.constant 0 : index
    %get3A_4 = vector.load %arg2[%get3A, %get3A_2, %get3A_3] : memref<512x32x128xf32, #tpu.memory_space<vmem>>, vector<512x32x128xf32>
    %reshape3A = vector.shape_cast %get3A_4 : vector<512x32x128xf32> to vector<512x4096xf32>
    %get3A_5 = arith.constant 0 : index
    %get3A_6 = arith.constant 0 : index
    %get3A_7 = arith.constant 0 : index
    %get3A_8 = vector.load %arg3[%get3A_5, %get3A_6, %get3A_7] : memref<32x128x128xf32, #tpu.memory_space<vmem>>, vector<32x128x128xf32>
    %reshape3A_9 = vector.shape_cast %get3A_8 : vector<32x128x128xf32> to vector<4096x128xf32>
    %get3A_10 = arith.constant 0 : index
    %get3A_11 = arith.constant 0 : index
    %get3A_12 = vector.load %arg11[%get3A_10, %get3A_11] : memref<512x128xf32, #tpu.memory_space<vmem>>, vector<512x128xf32>
    %dot_general3A = arith.constant dense<0.000000e+00> : vector<512x128xf32>
    %dot_general3A_13 = tpu.matmul %reshape3A, %reshape3A_9, %dot_general3A {dimension_numbers = #tpu.dot_dimension_numbers<[1], [0], [0], [1], [0, 0, 1, 1], [], []>, transpose_lhs_hint = false} : vector<512x4096xf32>, vector<4096x128xf32>, vector<512x128xf32> -> vector<512x128xf32>
    %add3A = arith.addf %get3A_12, %dot_general3A_13 : vector<512x128xf32>
    %swap3A = arith.constant 0 : index
    %swap3A_14 = arith.constant 0 : index
    %swap3A_15 = vector.load %arg11[%swap3A, %swap3A_14] : memref<512x128xf32, #tpu.memory_space<vmem>>, vector<512x128xf32>
    tpu.vector_store %arg11[%swap3A, %swap3A_14], %add3A {strides = array<i32>} : memref<512x128xf32, #tpu.memory_space<vmem>>, vector<512x128xf32>,
    %eq3A_16 = arith.constant 15 : i32
    %eq3A_17 = arith.cmpi eq, %arg1, %eq3A_16 : i32
    %convert_element_type3A_18 = arith.extui %eq3A_17 : i1 to i32
    %cond3A_19 = arith.constant 0 : i32
    %cond3A_20 = arith.cmpi ne, %convert_element_type3A_18, %cond3A_19 : i32
    scf.if %cond3A_20 {
      %get3A_21 = arith.constant 0 : index
      %get3A_22 = arith.constant 0 : index
      %get3A_23 = vector.load %arg11[%get3A_21, %get3A_22] : memref<512x128xf32, #tpu.memory_space<vmem>>, vector<512x128xf32>
      %get3A_24 = arith.constant 0 : index
      %get3A_25 = vector.load %arg4[%get3A_24] : memref<128xf32, #tpu.memory_space<vmem>>, vector<128xf32>
      %broadcast_in_dim3A = vector.shape_cast %get3A_25 : vector<128xf32> to vector<1x128xf32>
      %add3A_26 = vector.broadcast %broadcast_in_dim3A : vector<1x128xf32> to vector<512x128xf32>
      %add3A_27 = arith.addf %get3A_23, %add3A_26 : vector<512x128xf32>
      %max3A = arith.constant 0.000000e+00 : f32
      %max3A_28 = vector.broadcast %max3A : f32 to vector<512x128xf32>
      %max3A_29 = arith.maximumf %add3A_27, %max3A_28 : vector<512x128xf32>
      %get3A_30 = arith.constant 0 : index
      %get3A_31 = arith.constant 0 : index
      %get3A_32 = vector.load %arg5[%get3A_30, %get3A_31] : memref<128x64xf32, #tpu.memory_space<vmem>>, vector<128x64xf32>
      %dot_general3A_33 = arith.constant dense<0.000000e+00> : vector<512x64xf32>
      %dot_general3A_34 = tpu.matmul %max3A_29, %get3A_32, %dot_general3A_33 {dimension_numbers = #tpu.dot_dimension_numbers<[1], [0], [0], [1], [0, 0, 1, 1], [], []>, transpose_lhs_hint = false} : vector<512x128xf32>, vector<128x64xf32>, vector<512x64xf32> -> vector<512x64xf32>
      %get3A_35 = arith.constant 0 : index
      %get3A_36 = vector.load %arg6[%get3A_35] : memref<64xf32, #tpu.memory_space<vmem>>, vector<64xf32>
      %broadcast_in_dim3A_37 = vector.shape_cast %get3A_36 : vector<64xf32> to vector<1x64xf32>
      %add3A_38 = vector.broadcast %broadcast_in_dim3A_37 : vector<1x64xf32> to vector<512x64xf32>
      %add3A_39 = arith.addf %dot_general3A_34, %add3A_38 : vector<512x64xf32>
      %max3A_40 = arith.constant 0.000000e+00 : f32
      %max3A_41 = vector.broadcast %max3A_40 : f32 to vector<512x64xf32>
      %max3A_42 = arith.maximumf %add3A_39, %max3A_41 : vector<512x64xf32>
      %get3A_43 = arith.constant 0 : index
      %get3A_44 = arith.constant 0 : index
      %get3A_45 = vector.load %arg7[%get3A_43, %get3A_44] : memref<64x4xf32, #tpu.memory_space<vmem>>, vector<64x4xf32>
      %dot_general3A_46 = arith.constant dense<0.000000e+00> : vector<512x4xf32>
      %dot_general3A_47 = tpu.matmul %max3A_42, %get3A_45, %dot_general3A_46 {dimension_numbers = #tpu.dot_dimension_numbers<[1], [0], [0], [1], [0, 0, 1, 1], [], []>, transpose_lhs_hint = false} : vector<512x64xf32>, vector<64x4xf32>, vector<512x4xf32> -> vector<512x4xf32>
      %get3A_48 = arith.constant 0 : index
      %get3A_49 = vector.load %arg8[%get3A_48] : memref<4xf32, #tpu.memory_space<vmem>>, vector<4xf32>
      %broadcast_in_dim3A_50 = vector.shape_cast %get3A_49 : vector<4xf32> to vector<1x4xf32>
      %add3A_51 = vector.broadcast %broadcast_in_dim3A_50 : vector<1x4xf32> to vector<512x4xf32>
      %add3A_52 = arith.addf %dot_general3A_47, %add3A_51 : vector<512x4xf32>
      %slice3A = vector.extract_strided_slice %add3A_52 {offsets = [0, 0], sizes = [512, 2], strides = [1, 1]} : vector<512x4xf32> to vector<512x2xf32>
      %swap3A_53 = arith.constant 0 : index
      %swap3A_54 = arith.constant 0 : index
      %swap3A_55 = vector.load %arg9[%swap3A_53, %swap3A_54] : memref<512x2xf32, #tpu.memory_space<vmem>>, vector<512x2xf32>
      tpu.vector_store %arg9[%swap3A_53, %swap3A_54], %slice3A {strides = array<i32>} : memref<512x2xf32, #tpu.memory_space<vmem>>, vector<512x2xf32>,
      %slice3A_56 = vector.extract_strided_slice %add3A_52 {offsets = [0, 2], sizes = [512, 2], strides = [1, 1]} : vector<512x4xf32> to vector<512x2xf32>
      %sub3A = arith.constant 5.000000e+00 : f32
      %sub3A_57 = vector.broadcast %sub3A : f32 to vector<512x2xf32>
      %sub3A_58 = arith.subf %slice3A_56, %sub3A_57 : vector<512x2xf32>
      %custom_jvp_call3A = arith.constant 0.000000e+00 : f32
      %max3A_59 = vector.broadcast %custom_jvp_call3A : f32 to vector<512x2xf32>
      %max3A_60 = arith.maximumf %sub3A_58, %max3A_59 : vector<512x2xf32>
      %sub3A_61 = vector.broadcast %custom_jvp_call3A : f32 to vector<512x2xf32>
      %sub3A_62 = arith.subf %sub3A_58, %sub3A_61 : vector<512x2xf32>
      %ne3A = arith.cmpf one, %sub3A_62, %sub3A_62 : vector<512x2xf32>
      %add3A_63 = vector.broadcast %custom_jvp_call3A : f32 to vector<512x2xf32>
      %add3A_64 = arith.addf %sub3A_58, %add3A_63 : vector<512x2xf32>
      %abs3A = math.absf %sub3A_62 : vector<512x2xf32>
      %neg3A = arith.constant 0.000000e+00 : f32
      %neg3A_65 = vector.broadcast %neg3A : f32 to vector<512x2xf32>
      %neg3A_66 = arith.subf %neg3A_65, %abs3A : vector<512x2xf32>
      %exp3A = math.exp %neg3A_66 : vector<512x2xf32>
      %log1p3A = math.log1p %exp3A : vector<512x2xf32>
      %add3A_67 = arith.addf %max3A_60, %log1p3A : vector<512x2xf32>
      %select_n3A = arith.select %ne3A, %add3A_64, %add3A_67 : vector<512x2xi1>, vector<512x2xf32>
      %swap3A_68 = arith.constant 0 : index
      %swap3A_69 = arith.constant 0 : index
      %swap3A_70 = vector.load %arg10[%swap3A_68, %swap3A_69] : memref<512x2xf32, #tpu.memory_space<vmem>>, vector<512x2xf32>
      tpu.vector_store %arg10[%swap3A_68, %swap3A_69], %select_n3A {strides = array<i32>} : memref<512x2xf32, #tpu.memory_space<vmem>>, vector<512x2xf32>,
    } else {
    }
    return
  }
  func.func @transform_0(%arg0: i32, %arg1: i32) -> (i32, i32, i32) {
    %c0_i32 = arith.constant 0 : i32
    %c0_i32_0 = arith.constant 0 : i32
    return %arg0, %arg1, %c0_i32 : i32, i32, i32
  }
  func.func @transform_1(%arg0: i32, %arg1: i32) -> (i32, i32, i32) {
    %c0_i32 = arith.constant 0 : i32
    %c0_i32_0 = arith.constant 0 : i32
    %c0_i32_1 = arith.constant 0 : i32
    return %arg1, %c0_i32, %c0_i32_0 : i32, i32, i32
  }
  func.func @transform_2(%arg0: i32, %arg1: i32) -> i32 {
    %c0_i32 = arith.constant 0 : i32
    %c0_i32_0 = arith.constant 0 : i32
    return %c0_i32 : i32
  }
  func.func @transform_3(%arg0: i32, %arg1: i32) -> (i32, i32) {
    %c0_i32 = arith.constant 0 : i32
    %c0_i32_0 = arith.constant 0 : i32
    %c0_i32_1 = arith.constant 0 : i32
    return %c0_i32, %c0_i32_0 : i32, i32
  }
  func.func @transform_4(%arg0: i32, %arg1: i32) -> i32 {
    %c0_i32 = arith.constant 0 : i32
    %c0_i32_0 = arith.constant 0 : i32
    return %c0_i32 : i32
  }
  func.func @transform_5(%arg0: i32, %arg1: i32) -> (i32, i32) {
    %c0_i32 = arith.constant 0 : i32
    %c0_i32_0 = arith.constant 0 : i32
    %c0_i32_1 = arith.constant 0 : i32
    return %c0_i32, %c0_i32_0 : i32, i32
  }
  func.func @transform_6(%arg0: i32, %arg1: i32) -> i32 {
    %c0_i32 = arith.constant 0 : i32
    %c0_i32_0 = arith.constant 0 : i32
    return %c0_i32 : i32
  }
  func.func @transform_7(%arg0: i32, %arg1: i32) -> (i32, i32) {
    %c0_i32 = arith.constant 0 : i32
    %c0_i32_0 = arith.constant 0 : i32
    return %arg0, %c0_i32 : i32, i32
  }
  func.func @transform_8(%arg0: i32, %arg1: i32) -> (i32, i32) {
    %c0_i32 = arith.constant 0 : i32
    %c0_i32_0 = arith.constant 0 : i32
    return %arg0, %c0_i32 : i32, i32
  }
}

</mosaic_0001>

<sc_bundles>
// kernel: kernel.10.cloned.1.call-start
scs
__scs_entry_jumppad:
0x0: {  	(pc) =	sbr.rel $0x88, $3  }
0x1: {  	(tag) =	ssettag $0x0;
	lr =	simm.s32 $0x1  }
0x2: {  	[smem:$0x3F99] =	sst lr;
	_ =	strace $0xD0000000  }
0x3: {  	_ = 	snop  }
0x4: {  	_ = 	snop  }
0x5: {  	_ = 	snop  }
0x6: {  	_ = 	snop  }
0x7: {  	_ = 	snop  }
__scs_overlays_trampoline_lowered:
0x8: {  	[smem:$0x3FA8] =	sst s0  }
0x9: {  	[smem:$0x3FA9] =	sst s1  }
0xa: {  	[smem:$0x3FAA] =	sst s2  }
0xb: {  	[smem:$0x3FAB] =	sst s3  }
0xc: {  	[smem:$0x3FAC] =	sst s4  }
0xd: {  	[smem:$0x3FAD] =	sst s5  }
0xe: {  	[smem:$0x3FAE] =	sst s6  }
0xf: {  	[smem:$0x3FAF] =	sst s7  }
0x10: {  	[smem:$0x3FB0] =	sst s8  }
0x11: {  	[smem:$0x3FB1] =	sst s9;
	s0 =	simm.s32 @!p0 $0x0  }
0x12: {  	s1 =	sld [smem:$0x3F97];
	s0 =	simm.s32 @p0 $0x1  }
0x13: {  	[smem:$0x3FB2] =	sst s0;
	s0 =	simm.s32 @!p1 $0x0  }
0x14: {  	s2 =	sld [smem:$0x3F96];
	s0 =	simm.s32 @p1 $0x1  }
0x15: {  	[smem:$0x3FB3] =	sst s0;
	s0 =	simm.s32 @!p2 $0x0  }
0x16: {  	s3 =	sld [smem:$0x3FDB];
	s0 =	simm.s32 @p2 $0x1  }
0x17: {  	s4 =	simm.s32 $0x1BF5;
	[smem:$0x3FB5] =	sst s0  }
0x18: {  	s0 =	sld [smem:$0x3F98];
	_ =	swait.ge [sflag:s4], $0x0  }
0x19: {  	s7 =	sld [smem:$0x3F99]  }
0x1a: {  	s8 =	sadd.s32 $0xFFFFE003, lr  }
0x1b: {  	s9 =	sadd.s32 $0xFFFFFEF7, lr;
	s5 =	simm.s32 $0xFFFFFFFF;
	p2 =	slt.u32 s8, $0xFFFFF086  }
0x1c: {  	p1 =	slt.u32 s9, $0xF7A;
	s5 =	simm.s32 @!p2 $0x0  }
0x1d: {  	s5 =	simm.s32 @p1 $0x1;
	p0 =	seq.s32 s7, s2  }
0x1e: {  	s7 =	smul.u32 @!p0 $0xF7A, s2;
	p2 =	seq.s32 @!p0 s5, $0x0  }
0x1f: {  	s9 =	smul.u32 $0xF7A, s1;
	s8 =	simm.s32 @!p0 $0x1BF5;
	p2 =	por !p2, p0  }
0x20: {  	[sflag:s8] =	ssyncset.s32 @!p0 $0xFFFFF086;
	s6 =	sadd.s32 @!p0 s3, s7;
	s7 =	simm.s32 @!p0 $0x108  }
0x21: {  	s3 =	sadd.s32 s3, s9;
	s6 =	sadd.s32 @!p0 $0x88, s6;
	s7 =	simm.s32 @p2 $0x1082  }
0x22: {  	[simem:s7], [sflag:s8] =	dma.local @!p0 [hbm:s6], $0xF7A  }
0x23: {  	s9 =	sor.u32 $0xD0000000, s2;
	s6 =	simm.s32 $0x108;
	_ =	swait.ge @!p0 [sflag:s8], $0x0  }
0x24: {  	s3 =	sadd.s32 $0x88, s3;
	s6 =	simm.s32 @!p1 $0x1082;
	[sflag:s4] =	ssyncset.s32 $0xFFFFF086  }
0x25: {  	[simem:s6], [sflag:s4] =	dma.local [hbm:s3], $0xF7A  }
0x26: {  	[smem:$0x3F99] =	sst s1;
	(tag) =	ssettag s2;
	_ =	strace s9  }
0x27: {  	s1 =	sld [smem:$0x3FA9]  }
0x28: {  	s2 =	sld [smem:$0x3FAA]  }
0x29: {  	s4 =	sld [smem:$0x3FAC]  }
0x2a: {  	p0 =	seq.s32 s5, $0x0;
	s5 =	sld [smem:$0x3FAD]  }
0x2b: {  	s6 =	sld [smem:$0x3FAE]  }
0x2c: {  	s7 =	sld [smem:$0x3FAF]  }
0x2d: {  	s3 =	simm.s32 $0x108;
	s8 =	sld [smem:$0x3FB0]  }
0x2e: {  	s3 =	simm.s32 @!p0 $0x1082;
	s9 =	sld [smem:$0x3FB1]  }
0x2f: {  	lr =	sadd.s32 s0, s3;
	s0 =	sld [smem:$0x3FA8]  }
0x30: {  	s3 =	sld [smem:$0x3FAB]  }
0x31: {  	[smem:$0x3FB4] =	sst s10  }
0x32: {  	s10 =	sld [smem:$0x3FB2];
	_ =	sdelay $0x3  }
0x33: {  	p0 =	seq.s32 s10, $0x1;
	s10 =	sld [smem:$0x3FB4];
	_ =	sdelay $0x3  }
0x34: {  	[smem:$0x3FB4] =	sst s10  }
0x35: {  	s10 =	sld [smem:$0x3FB3];
	_ =	sdelay $0x3  }
0x36: {  	p1 =	seq.s32 s10, $0x1;
	s10 =	sld [smem:$0x3FB4];
	_ =	sdelay $0x3  }
0x37: {  	[smem:$0x3FB4] =	sst s10  }
0x38: {  	s10 =	sld [smem:$0x3FB5]  }
0x39: {  	_ = 	snop;
	(pc) =	sbr.ind lr, $3  }
0x3a: {  	_ = 	snop  }
0x3b: {  	_ = 	snop  }
0x3c: {  	p2 =	seq.s32 s10, $0x1;
	s10 =	sld [smem:$0x3FB4]  }
0x3d: {  	_ =	shalt  }
0x3e: {  	_ =	shalt  }
0x3f: {  	_ =	shalt  }
0x40: {  	_ =	shalt  }
0x41: {  	_ =	shalt  }
0x42: {  	_ =	shalt  }
0x43: {  	_ =	shalt  }
0x44: {  	_ =	shalt  }
0x45: {  	_ =	shalt  }
0x46: {  	_ =	shalt  }
0x47: {  	_ =	shalt  }
0x48: {  	_ =	shalt  }
0x49: {  	_ =	shalt  }
0x4a: {  	_ =	shalt  }
0x4b: {  	_ =	shalt  }
0x4c: {  	_ =	shalt  }
0x4d: {  	_ =	shalt  }
0x4e: {  	_ =	shalt  }
0x4f: {  	_ =	shalt  }
0x50: {  	_ =	shalt  }
0x51: {  	_ =	shalt  }
0x52: {  	_ =	shalt  }
0x53: {  	_ =	shalt  }
0x54: {  	_ =	shalt  }
0x55: {  	_ =	shalt  }
0x56: {  	_ =	shalt  }
0x57: {  	_ =	shalt  }
0x58: {  	_ =	shalt  }
0x59: {  	_ =	shalt  }
0x5a: {  	_ =	shalt  }
0x5b: {  	_ =	shalt  }
0x5c: {  	_ =	shalt  }
0x5d: {  	_ =	shalt  }
0x5e: {  	_ =	shalt  }
0x5f: {  	_ =	shalt  }
0x60: {  	_ =	shalt  }
0x61: {  	_ =	shalt  }
0x62: {  	_ =	shalt  }
0x63: {  	_ =	shalt  }
0x64: {  	_ =	shalt  }
0x65: {  	_ =	shalt  }
0x66: {  	_ =	shalt  }
0x67: {  	_ =	shalt  }
0x68: {  	_ =	shalt  }
0x69: {  	_ =	shalt  }
0x6a: {  	_ =	shalt  }
0x6b: {  	_ =	shalt  }
0x6c: {  	_ =	shalt  }
0x6d: {  	_ =	shalt  }
0x6e: {  	_ =	shalt  }
0x6f: {  	_ =	shalt  }
0x70: {  	_ =	shalt  }
0x71: {  	_ =	shalt  }
0x72: {  	_ =	shalt  }
0x73: {  	_ =	shalt  }
0x74: {  	_ =	shalt  }
0x75: {  	_ =	shalt  }
0x76: {  	_ =	shalt  }
0x77: {  	_ =	shalt  }
0x78: {  	_ =	shalt  }
0x79: {  	_ =	shalt  }
0x7a: {  	_ =	shalt  }
0x7b: {  	_ =	shalt  }
0x7c: {  	_ =	shalt  }
0x7d: {  	_ =	shalt  }
0x7e: {  	_ =	shalt  }
0x7f: {  	_ =	shalt  }
0x80: {  	_ =	shalt  }
0x81: {  	_ =	shalt  }
0x82: {  	_ =	shalt  }
0x83: {  	_ =	shalt  }
0x84: {  	_ =	shalt  }
0x85: {  	_ =	shalt  }
0x86: {  	_ =	shalt  }
0x87: {  	_ =	shalt  }
.Lfunc_end0:
.L_simem_size_0:
called_computation_lowered:
.L_overlay_start_0:
0x88: {  	s2 =	sld [smem:$0x3FD9]  }
0x89: {  	s3 =	sld [smem:$0x3FFE];
	_ =	sdelay $0x1  }
0x8a: {  	s1 =	srdreg.scid  }
0x8b: {  	s0 =	sand.u32 $0x1, s1  }
0x8c: {  	s17 =	sshll.u32 s0, $0xA;
	s2 =	sadd.s32 s3, s2  }
0x8d: {  	s2 =	sadd.s32 s2, s17  }
0x8e: {  	[smem:$0x3FC0] =	sst s2  }
0x8f: {  	_ = 	snop  }
0x90: {  	(tm) =	ssettm $0x1  }
0x91: {  	s18 =	sld [smem:$0x3FFB];
	_ =	sdelay $0x3  }
0x92: {  	_ =	strace s18  }
0x93: {  	s2 =	sld [smem:$0x3FFC];
	_ =	sdelay $0x3  }
0x94: {  	_ =	strace s2  }
0x95: {  	s2 =	sld [smem:$0x3FFD];
	_ =	sdelay $0x3  }
0x96: {  	_ =	strace s2  }
0x97: {  	_ =	strace $0x8FFFFFFF  }
0x98: {  	s19 =	sld [smem:$0x3FDB];
	_ =	sdelay $0x1  }
0x99: {  	s20 =	simm.s32 $_scs_section_size  }
0x9a: {  	s4 =	simm.s32 $_size__tile_overlayer_lowered;
	s5 =	simm.s32 $_tile_overlayer_lowered  }
0x9b: {  	s6 =	simm.s32 $0x1BFF;
	s21 =	sshll.u32 s5, $0x1;
	s3 =	sadd.s32 s20, s19  }
0x9c: {  	s22 =	simm.s32 $0x0;
	s4 =	sshll.u32 s4, $0x1;
	s5 =	sadd.s32 s21, s3  }
0x9d: {  	[timem:s22], [sflag:s6] =	dma.local [hbm:s5], s4  }
0x9e: {  	_ =	swait.ge [sflag:s6], s4  }
0x9f: {  	s4 =	ssub.s32 $0x0, s4;
	[sflag:s6] =	ssyncset.done $0x0  }
0xa0: {  	[sflag:s6] =	ssyncadd.s32 s4;
	_ =	sdelay $0x1  }
0xa1: {  	s23 =	simm.s32 $0x1B8B  }
0xa2: {  	_ =	swait.ge [sflag:s23], $0x1  }
0xa3: {  	[sflag:s23] =	ssyncset.done $0x0  }
0xa4: {  	[sflag:s23] =	ssyncadd.s32 $0xFFFFFFFF  }
0xa5: {  	s4 =	sld [smem:$0x0]  }
0xa6: {  	s5 =	sand.u32 $0xFFFFFFFE, s1  }
0xa7: {  	p0 =	sne.s32 s1, s5  }
0xa8: {  	s5 =	sshll.u32 @p0 s5, $0xE  }
0xa9: {  	s5 =	sadd.s32 @p0 $0x11B8D, s5;
	s6 =	sshll.u32 @p0 s4, $0x11  }
0xaa: {  	s5 =	sor.u32 @p0 s6, s5  }
0xab: {  	[sflag:s5] =	ssyncadd.remote.s32 @p0 $0x1;
	_ =	sdelay $0x1  }
0xac: {  	s5 =	simm.s32 @p0 $0x1B8D  }
0xad: {  	_ =	swait.eq @p0 [sflag:s5], $0x1  }
0xae: {  	[sflag:s5] =	ssyncadd.s32 @p0 $0xFFFFFFFF  }
0xaf: {  	s6 =	sshll.u32 @!p0 s1, $0xE  }
0xb0: {  	s6 =	sor.u32 @!p0 $0x4000, s6;
	s5 =	simm.s32 @!p0 $0x1B8D  }
0xb1: {  	s4 =	sshll.u32 @!p0 s4, $0x11;
	s6 =	sadd.s32 @!p0 $0x11B8D, s6;
	_ =	swait.eq @!p0 [sflag:s5], $0x1  }
0xb2: {  	s4 =	sor.u32 @!p0 s4, s6;
	[sflag:s5] =	ssyncadd.s32 @!p0 $0xFFFFFFFF  }
0xb3: {  	s25 =	simm.s32 $0x1B8E;
	s24 =	sld [smem:$0x3FFE];
	[sflag:s4] =	ssyncadd.remote.s32 @!p0 $0x1  }
0xb4: {  	s26 =	simm.s32 $execute0_lowered;
	[smem:$0x3FD2] =	sst s25  }
0xb5: {  	s5 =	sshll.u32 s26, $0x1;
	_ =	strace $0x8000004F;
	[dreg:$0x1] =	wrdreg $0xFFFFFFFF  }
0xb6: {  	s28 =	simm.s32 $_size_execute0_lowered;
	s3 =	sadd.s32 s3, s5;
	[dreg:$0x0] =	wrdreg $0x0  }
0xb7: {  	s5 =	sshll.u32 s28, $0x1;
	[dreg:$0x2] =	wrdreg s3  }
0xb8: {  	[dreg:$0x3] =	wrdreg s5  }
0xb9: {  	[dreg:$0x4] =	wrdreg $0xC0  }
0xba: {  	_ =	task [dreg:s22], $0x5FFFF  }
0xbb: {  	[dreg:$0x1] =	wrdreg $0xFFFFFFFF  }
0xbc: {  	[dreg:$0x0] =	wrdreg $0x60  }
0xbd: {  	[dreg:$0x2] =	wrdreg s24  }
0xbe: {  	[dreg:$0x3] =	wrdreg $0x0  }
0xbf: {  	[dreg:$0x4] =	wrdreg $0x9  }
0xc0: {  	_ =	task.clear_ibuf [dreg:s22], $0x5FFFF;
	_ =	strace $0x9000004F  }
0xc1: {  	s29 =	simm.s32 $0x9;
	_ =	strace $0x80000051  }
0xc2: {  	_ =	swait.ge [sflag:s29], $0x1  }
0xc3: {  	[sflag:s29] =	ssyncadd.s32 $0xFFFFFFFF  }
0xc4: {  	_ =	strace $0x90000051  }
0xc5: {  	_ =	sfence  }
0xc6: {  	s30 =	sld [smem:$0x0];
	_ =	sdelay $0x2  }
0xc7: {  	s31 =	sshll.u32 s1, $0xD;
	s1 =	sshrl.u32 s1, $0x2  }
0xc8: {  	s4 =	sand.u32 $0x4000, s31;
	s1 =	sadd.s32 s1, s30  }
0xc9: {  	s0 =	sor.u32 s4, s0;
	s1 =	sshll.u32 s1, $0x11  }
0xca: {  	s0 =	sor.u32 s1, s0  }
0xcb: {  	s0 =	sadd.s32 $0x8F2B, s0  }
0xcc: {  	[sflag:s0] =	ssyncadd.remote.s32 $0x1  }
0xcd: {  	_ =	sfence.sel $0xFFFF  }
0xce: {  	[dreg:$0x0] =	wrdreg $0xFFFFFFFF;
	(pc) =	sbr.abs _section_cstart, $3  }
0xcf: {  	[dreg:$0x1] =	wrdreg $0xFFFFFFFF  }
0xd0: {  	_ =	task.clear_ibuf [dreg:s22], $0x2FFFF;
	_ =	strace $0x9FFFFFFF  }
0xd1: {  	(tm) =	ssettm $0x7FFFFFFF  }
tec
execute0_lowered:
.L_overlay_start_1:
0x0: {  	(tag) =	ssettag $0x1  }
0x1: {  	s0 =	srdreg.scid  }
0x2: {  	s3 =	rddreg [dreg:$0x0];
	s10 =	stileid.u32  }
0x3: {  	s1 =	rddreg [dreg:$0x1];
	s2 =	simm.s32 $0x0;
	s14 =	simm.s32 $0x80  }
0x4: {  	s15 =	simm.s32 $0x5F40;
	s16 =	simm.s32 $0x2;
	s17 =	simm.s32 $0x1FC0  }
0x5: {  	s18 =	simm.s32 $0x9F40;
	s19 =	simm.s32 $0x3;
	s20 =	simm.s32 $0x4  }
0x6: {  	s21 =	simm.s32 $0x2040;
	s22 =	simm.s32 $0x5;
	s23 =	simm.s32 $0x20C0  }
0x7: {  	s24 =	simm.s32 $0x0;
	s11 =	sand.u32 $0x1, s0;
	s0 =	rddreg [dreg:$0x2]  }
0x8: {  	s4 =	sshll.u32 s10, $0x6;
	[smem:$0x7FF] =	sst s2;
	s12 =	sadd.s32 $0x1847000, s3  }
0x9: {  	s13 =	sshll.u32 s10, $0x13;
	p0 =	sne.s32 s10, $0x0;
	s5 =	sshll.u32 s11, $0x5  }
0xa: {  	_ =	strace $0x80000050;
	s6 =	ssub.s32 $0x2, s11;
	s4 =	sor.u32 s5, s4  }
0xb: {  	s11 =	sshll.u32 s11, $0x12;
	s7 =	sshrl.u32 s6, $0x1;
	s5 =	sshll.u32 s4, $0x6  }
0xc: {  	s4 =	sshll.u32 s4, $0xD;
	s9 =	ssub.s32 s6, s7;
	s5 =	sadd.s32 s5, s3  }
0xd: {  	s3 =	sadd.s32 $0x33000, s3;
	s4 =	sadd.s32 s12, s4;
	s9 =	smax.u32 s9, $0x1  }
0xe: {  	s12 =	sadd.s32 s13, s12;
	s13 =	simm.s32 $0x6;
	s5 =	sadd.s32 $0x1837000, s5  }
0xf: {  	s6 =	sadd.s32 $0x800, s4;
	s7 =	sadd.s32 $0x1000, s4;
	s8 =	sadd.s32 $0x1800, s4  }
0x10: {  	s10 =	sadd.s32 s11, s12;
	s11 =	sshrl.u32 @!p0 s1, $0x3;
	s12 =	simm.s32 $0x1F40  }
.LBB2_1:
0x11: {  	s25 =	simm.s32 @!p0 $0x1C01  }
0x12: {  	[spmem:s11], [sflag:s25] =	dma.local @!p0 [hbm:s3], $0x3E80  }
0x13: {  	s25 =	simm.s32 @!p0 $0x1  }
0x14: {  	_ =	swait.ge @!p0 [sflag:s25], $0x3E80  }
0x15: {  	[sflag:s25] =	ssyncset.done @!p0 $0x0  }
0x16: {  	[sflag:s25] =	ssyncadd.s32 @!p0 $0xFFFFC180  }
0x17: {  	[bflag:$0x0] =	sbarrier.arrive $0xFFFF  }
0x18: {  	[tilespmem:s12], [sflag:$0x6] =	stream.linear.gather [hbm4b:s5+s2], $0x4000, $0x38;
	[tilespmem:$0xDF40] =	vst v63  }
0x19: {  	_ =	swait.ge [sflag:s13], $0x4000  }
0x1a: {  	[sflag:s13] =	ssyncset.done $0x0  }
0x1b: {  	[sflag:s13] =	ssyncadd.s32 $0xFFFFC000  }
0x1c: {  	[tilespmem:s15], [sflag:$0x2] =	stream.indirect.gather [spmem:s1], $0x80, s12, s14, $0xb8;
	[tilespmem:$0xDF40] =	vst v63  }
0x1d: {  	_ =	swait.ge [sflag:s16], $0x4000  }
0x1e: {  	[sflag:s16] =	ssyncset.done $0x0  }
0x1f: {  	[sflag:s16] =	ssyncadd.s32 $0xFFFFC000  }
0x20: {  	[hbm4b:s4+s2] =	stream.linear.scatter [tilespmem:s15], [sflag:$0x4], $0x4000, $0x38;
	[tilespmem:$0xDF40] =	vst v63  }
0x21: {  	_ = 	snop  }
0x22: {  	[tilespmem:s18], [sflag:$0x3] =	stream.indirect.gather [spmem:s1], $0x80, s17, s14, $0xb8;
	[tilespmem:$0xDF40] =	vst v63  }
0x23: {  	_ =	swait.ge [sflag:s19], $0x4000  }
0x24: {  	[sflag:s19] =	ssyncset.done $0x0  }
0x25: {  	[sflag:s19] =	ssyncadd.s32 $0xFFFFC000  }
0x26: {  	[hbm4b:s6+s2] =	stream.linear.scatter [tilespmem:s18], [sflag:$0x5], $0x4000, $0x38;
	[tilespmem:$0xDF40] =	vst v63  }
0x27: {  	_ =	swait.ge [sflag:s20], $0x4000  }
0x28: {  	[sflag:s20] =	ssyncset.done $0x0  }
0x29: {  	[sflag:s20] =	ssyncadd.s32 $0xFFFFC000  }
0x2a: {  	[tilespmem:s15], [sflag:$0x2] =	stream.indirect.gather [spmem:s1], $0x80, s21, s14, $0xb8;
	[tilespmem:$0xDF40] =	vst v63  }
0x2b: {  	_ =	swait.ge [sflag:s16], $0x4000  }
0x2c: {  	[sflag:s16] =	ssyncset.done $0x0  }
0x2d: {  	[sflag:s16] =	ssyncadd.s32 $0xFFFFC000  }
0x2e: {  	[hbm4b:s7+s2] =	stream.linear.scatter [tilespmem:s15], [sflag:$0x4], $0x4000, $0x38;
	[tilespmem:$0xDF40] =	vst v63  }
0x2f: {  	_ =	swait.ge [sflag:s22], $0x4000  }
0x30: {  	[sflag:s22] =	ssyncset.done $0x0  }
0x31: {  	[sflag:s22] =	ssyncadd.s32 $0xFFFFC000  }
0x32: {  	[tilespmem:s18], [sflag:$0x3] =	stream.indirect.gather [spmem:s1], $0x80, s23, s14, $0xb8;
	[tilespmem:$0xDF40] =	vst v63  }
0x33: {  	_ =	swait.ge [sflag:s19], $0x4000  }
0x34: {  	[sflag:s19] =	ssyncset.done $0x0  }
0x35: {  	[sflag:s19] =	ssyncadd.s32 $0xFFFFC000  }
0x36: {  	[hbm4b:s8+s2] =	stream.linear.scatter [tilespmem:s18], [sflag:$0x5], $0x4000, $0x38;
	[tilespmem:$0xDF40] =	vst v63  }
0x37: {  	_ =	swait.ge [sflag:s20], $0x4000  }
0x38: {  	[sflag:s20] =	ssyncset.done $0x0  }
0x39: {  	s26 =	simm.s32 $0x2140;
	[sflag:s20] =	ssyncadd.s32 $0xFFFFC000  }
0x3a: {  	[tilespmem:s15], [sflag:$0x2] =	stream.indirect.gather [spmem:s1], $0x80, s26, s14, $0xb8;
	[tilespmem:$0xDF40] =	vst v63  }
0x3b: {  	_ =	swait.ge [sflag:s16], $0x4000  }
0x3c: {  	s26 =	sadd.s32 $0x0, s10;
	[sflag:s16] =	ssyncset.done $0x0  }
0x3d: {  	s29 =	sadd.s32 $0x2000, s26;
	[sflag:s16] =	ssyncadd.s32 $0xFFFFC000  }
0x3e: {  	[hbm4b:s29+s2] =	stream.linear.scatter [tilespmem:s15], [sflag:$0x4], $0x4000, $0x38;
	[tilespmem:$0xDF40] =	vst v63  }
0x3f: {  	_ =	swait.ge [sflag:s22], $0x4000  }
0x40: {  	[sflag:s22] =	ssyncset.done $0x0  }
0x41: {  	s30 =	simm.s32 $0x21C0;
	[sflag:s22] =	ssyncadd.s32 $0xFFFFC000  }
0x42: {  	[tilespmem:s18], [sflag:$0x3] =	stream.indirect.gather [spmem:s1], $0x80, s30, s14, $0xb8;
	[tilespmem:$0xDF40] =	vst v63  }
0x43: {  	_ =	swait.ge [sflag:s19], $0x4000  }
0x44: {  	[sflag:s19] =	ssyncset.done $0x0  }
0x45: {  	s31 =	sadd.s32 $0x2800, s26;
	[sflag:s19] =	ssyncadd.s32 $0xFFFFC000  }
0x46: {  	[hbm4b:s31+s2] =	stream.linear.scatter [tilespmem:s18], [sflag:$0x5], $0x4000, $0x38;
	[tilespmem:$0xDF40] =	vst v63  }
0x47: {  	_ =	swait.ge [sflag:s20], $0x4000  }
0x48: {  	[sflag:s20] =	ssyncset.done $0x0  }
0x49: {  	s29 =	simm.s32 $0x2240;
	[sflag:s20] =	ssyncadd.s32 $0xFFFFC000  }
0x4a: {  	[tilespmem:s15], [sflag:$0x2] =	stream.indirect.gather [spmem:s1], $0x80, s29, s14, $0xb8;
	[tilespmem:$0xDF40] =	vst v63  }
0x4b: {  	_ =	swait.ge [sflag:s16], $0x4000  }
0x4c: {  	[sflag:s16] =	ssyncset.done $0x0  }
0x4d: {  	s30 =	sadd.s32 $0x3000, s26;
	[sflag:s16] =	ssyncadd.s32 $0xFFFFC000  }
0x4e: {  	[hbm4b:s30+s2] =	stream.linear.scatter [tilespmem:s15], [sflag:$0x4], $0x4000, $0x38;
	[tilespmem:$0xDF40] =	vst v63  }
0x4f: {  	_ =	swait.ge [sflag:s22], $0x4000  }
0x50: {  	[sflag:s22] =	ssyncset.done $0x0  }
0x51: {  	s31 =	simm.s32 $0x22C0;
	[sflag:s22] =	ssyncadd.s32 $0xFFFFC000  }
0x52: {  	[tilespmem:s18], [sflag:$0x3] =	stream.indirect.gather [spmem:s1], $0x80, s31, s14, $0xb8;
	[tilespmem:$0xDF40] =	vst v63  }
0x53: {  	_ =	swait.ge [sflag:s19], $0x4000  }
0x54: {  	s25 =	simm.s32 $0x2000;
	[sflag:s19] =	ssyncset.done $0x0  }
0x55: {  	s28 =	sadd.s32 $0x3800, s26;
	s26 =	simm.s32 $0x2340;
	[sflag:s19] =	ssyncadd.s32 $0xFFFFC000  }
.LBB2_2:
0x56: {  	[hbm4b:s28+s2] =	stream.linear.scatter [tilespmem:s18], [sflag:$0x5], $0x4000, $0x38;
	[tilespmem:$0xDF40] =	vst v63  }
0x57: {  	s28 =	smov.u32 s25  }
0x58: {  	p1 =	sne.s32 s25, $0x3C000;
	s25 =	sadd.s32 $0x2000, s25;
	_ =	swait.ge [sflag:s20], $0x4000  }
0x59: {  	[sflag:s20] =	ssyncset.done $0x0  }
0x5a: {  	[sflag:s20] =	ssyncadd.s32 $0xFFFFC000  }
0x5b: {  	[tilespmem:s15], [sflag:$0x2] =	stream.indirect.gather [spmem:s1], $0x80, s26, s14, $0xb8;
	[tilespmem:$0xDF40] =	vst v63  }
0x5c: {  	_ =	swait.ge [sflag:s16], $0x4000  }
0x5d: {  	s28 =	sadd.s32 s28, s10;
	[sflag:s16] =	ssyncset.done $0x0  }
0x5e: {  	s29 =	sadd.s32 $0x2000, s28;
	[sflag:s16] =	ssyncadd.s32 $0xFFFFC000  }
0x5f: {  	[hbm4b:s29+s2] =	stream.linear.scatter [tilespmem:s15], [sflag:$0x4], $0x4000, $0x38;
	[tilespmem:$0xDF40] =	vst v63  }
0x60: {  	_ =	swait.ge [sflag:s22], $0x4000  }
0x61: {  	[sflag:s22] =	ssyncset.done $0x0  }
0x62: {  	s29 =	sadd.s32 $0x80, s26;
	[sflag:s22] =	ssyncadd.s32 $0xFFFFC000  }
0x63: {  	[tilespmem:s18], [sflag:$0x3] =	stream.indirect.gather [spmem:s1], $0x80, s29, s14, $0xb8;
	[tilespmem:$0xDF40] =	vst v63  }
0x64: {  	_ =	swait.ge [sflag:s19], $0x4000  }
0x65: {  	[sflag:s19] =	ssyncset.done $0x0  }
0x66: {  	s29 =	sadd.s32 $0x2800, s28;
	[sflag:s19] =	ssyncadd.s32 $0xFFFFC000  }
0x67: {  	[hbm4b:s29+s2] =	stream.linear.scatter [tilespmem:s18], [sflag:$0x5], $0x4000, $0x38;
	[tilespmem:$0xDF40] =	vst v63  }
0x68: {  	_ =	swait.ge [sflag:s20], $0x4000  }
0x69: {  	[sflag:s20] =	ssyncset.done $0x0  }
0x6a: {  	s29 =	sadd.s32 $0x100, s26;
	[sflag:s20] =	ssyncadd.s32 $0xFFFFC000  }
0x6b: {  	[tilespmem:s15], [sflag:$0x2] =	stream.indirect.gather [spmem:s1], $0x80, s29, s14, $0xb8;
	[tilespmem:$0xDF40] =	vst v63  }
0x6c: {  	_ =	swait.ge [sflag:s16], $0x4000  }
0x6d: {  	[sflag:s16] =	ssyncset.done $0x0  }
0x6e: {  	s29 =	sadd.s32 $0x3000, s28;
	[sflag:s16] =	ssyncadd.s32 $0xFFFFC000  }
0x6f: {  	[hbm4b:s29+s2] =	stream.linear.scatter [tilespmem:s15], [sflag:$0x4], $0x4000, $0x38;
	[tilespmem:$0xDF40] =	vst v63  }
0x70: {  	_ =	swait.ge [sflag:s22], $0x4000  }
0x71: {  	[sflag:s22] =	ssyncset.done $0x0  }
.Ltmp0:
0x72: {  	s29 =	sadd.s32 $0x180, s26;
	[sflag:s22] =	ssyncadd.s32 $0xFFFFC000;
	(pc) =	sbr.rel @p1 .LBB2_2-.Ltmp0, $4  }
0x73: {  	[tilespmem:s18], [sflag:$0x3] =	stream.indirect.gather [spmem:s1], $0x80, s29, s14, $0xb8;
	[tilespmem:$0xDF40] =	vst v63  }
0x74: {  	_ =	swait.ge [sflag:s19], $0x4000  }
0x75: {  	[sflag:s19] =	ssyncset.done $0x0  }
0x76: {  	s28 =	sadd.s32 $0x3800, s28;
	s26 =	sadd.s32 $0x200, s26;
	[sflag:s19] =	ssyncadd.s32 $0xFFFFC000  }
0x77: {  	[hbm4b:s28+s2] =	stream.linear.scatter [tilespmem:s18], [sflag:$0x5], $0x4000, $0x38;
	[tilespmem:$0xDF40] =	vst v63  }
0x78: {  	s24 =	sadd.s32 $0x1, s24  }
0x79: {  	_ =	swait.ge [sflag:s20], $0x4000;
	p1 =	sne.s32 s24, s9  }
.Ltmp1:
0x7a: {  	[sflag:s20] =	ssyncset.done $0x0;
	(pc) =	sbr.rel @p1 .LBB2_1-.Ltmp1, $4  }
0x7b: {  	[sflag:s20] =	ssyncadd.s32 $0xFFFFC000  }
0x7c: {  	_ =	swait.ge [sflag:s22], $0x4000  }
0x7d: {  	[sflag:s22] =	ssyncset.done $0x0  }
0x7e: {  	[sflag:s22] =	ssyncadd.s32 $0xFFFFC000  }
0x7f: {  	_ =	sfence.sel $0x180000  }
0x80: {  	[bflag:$0x0] =	sbarrier.arrive $0xFFFF  }
0x81: {  	_ =	strace $0x90000050  }
0x82: {  	s0 =	sadd.s32 @!p0 $0x100000, s0;
	[bflag:$0x2] =	sbarrier.arrive $0xFFFF  }
0x83: {  	[sflag:s0] =	ssyncadd.tile.s32 @!p0 $0x1;
	_ =	shalt  }
.Lfunc_end2:
_tile_overlayer_lowered:
.L_overlay_start_2:
0x84: {  	(tag) =	ssettag $0x2  }
0x85: {  	s0 =	rddreg [dreg:$0x0];
	s2 =	stileid.u32  }
0x86: {  	s1 =	rddreg [dreg:$0x1];
	p0 =	sne.s32 s2, $0x0  }
0x87: {  	s3 =	rddreg [dreg:$0x2];
	[bflag:$0x3] =	sbarrier.arrive $0xFFFF;
	s2 =	simm.s32 @!p0 $0x1C06  }
0x88: {  	[timem:s3], [sflag:s2] =	dma.local @!p0 [hbm:s0], s1  }
0x89: {  	s0 =	simm.s32 @!p0 $0x6  }
0x8a: {  	_ =	swait.ge @!p0 [sflag:s0], s1  }
0x8b: {  	s1 =	ssub.s32 @!p0 $0x0, s1;
	[sflag:s0] =	ssyncset.done @!p0 $0x0  }
0x8c: {  	[sflag:s0] =	ssyncadd.s32 @!p0 s1  }
0x8d: {  	[bflag:$0x3] =	sbarrier.arrive $0xFFFF  }
0x8e: {  	_ =	shalt  }

// kernel: kernel.13.cloned.1.call-start
scs
__scs_entry_jumppad:
0x0: {  	(pc) =	sbr.rel $0x88, $3  }
0x1: {  	(tag) =	ssettag $0x0;
	lr =	simm.s32 $0x1  }
0x2: {  	[smem:$0x3F99] =	sst lr;
	_ =	strace $0xD0000000  }
0x3: {  	_ = 	snop  }
0x4: {  	_ = 	snop  }
0x5: {  	_ = 	snop  }
0x6: {  	_ = 	snop  }
0x7: {  	_ = 	snop  }
__scs_overlays_trampoline_lowered:
0x8: {  	[smem:$0x3FA8] =	sst s0  }
0x9: {  	[smem:$0x3FA9] =	sst s1  }
0xa: {  	[smem:$0x3FAA] =	sst s2  }
0xb: {  	[smem:$0x3FAB] =	sst s3  }
0xc: {  	[smem:$0x3FAC] =	sst s4  }
0xd: {  	[smem:$0x3FAD] =	sst s5  }
0xe: {  	[smem:$0x3FAE] =	sst s6  }
0xf: {  	[smem:$0x3FAF] =	sst s7  }
0x10: {  	[smem:$0x3FB0] =	sst s8  }
0x11: {  	[smem:$0x3FB1] =	sst s9;
	s0 =	simm.s32 @!p0 $0x0  }
0x12: {  	s1 =	sld [smem:$0x3F97];
	s0 =	simm.s32 @p0 $0x1  }
0x13: {  	[smem:$0x3FB2] =	sst s0;
	s0 =	simm.s32 @!p1 $0x0  }
0x14: {  	s2 =	sld [smem:$0x3F96];
	s0 =	simm.s32 @p1 $0x1  }
0x15: {  	[smem:$0x3FB3] =	sst s0;
	s0 =	simm.s32 @!p2 $0x0  }
0x16: {  	s3 =	sld [smem:$0x3FDB];
	s0 =	simm.s32 @p2 $0x1  }
0x17: {  	s4 =	simm.s32 $0x1BF5;
	[smem:$0x3FB5] =	sst s0  }
0x18: {  	s0 =	sld [smem:$0x3F98];
	_ =	swait.ge [sflag:s4], $0x0  }
0x19: {  	s7 =	sld [smem:$0x3F99]  }
0x1a: {  	s8 =	sadd.s32 $0xFFFFE003, lr  }
0x1b: {  	s9 =	sadd.s32 $0xFFFFFEF7, lr;
	s5 =	simm.s32 $0xFFFFFFFF;
	p2 =	slt.u32 s8, $0xFFFFF086  }
0x1c: {  	p1 =	slt.u32 s9, $0xF7A;
	s5 =	simm.s32 @!p2 $0x0  }
0x1d: {  	s5 =	simm.s32 @p1 $0x1;
	p0 =	seq.s32 s7, s2  }
0x1e: {  	s7 =	smul.u32 @!p0 $0xF7A, s2;
	p2 =	seq.s32 @!p0 s5, $0x0  }
0x1f: {  	s9 =	smul.u32 $0xF7A, s1;
	s8 =	simm.s32 @!p0 $0x1BF5;
	p2 =	por !p2, p0  }
0x20: {  	[sflag:s8] =	ssyncset.s32 @!p0 $0xFFFFF086;
	s6 =	sadd.s32 @!p0 s3, s7;
	s7 =	simm.s32 @!p0 $0x108  }
0x21: {  	s3 =	sadd.s32 s3, s9;
	s6 =	sadd.s32 @!p0 $0x88, s6;
	s7 =	simm.s32 @p2 $0x1082  }
0x22: {  	[simem:s7], [sflag:s8] =	dma.local @!p0 [hbm:s6], $0xF7A  }
0x23: {  	s9 =	sor.u32 $0xD0000000, s2;
	s6 =	simm.s32 $0x108;
	_ =	swait.ge @!p0 [sflag:s8], $0x0  }
0x24: {  	s3 =	sadd.s32 $0x88, s3;
	s6 =	simm.s32 @!p1 $0x1082;
	[sflag:s4] =	ssyncset.s32 $0xFFFFF086  }
0x25: {  	[simem:s6], [sflag:s4] =	dma.local [hbm:s3], $0xF7A  }
0x26: {  	[smem:$0x3F99] =	sst s1;
	(tag) =	ssettag s2;
	_ =	strace s9  }
0x27: {  	s1 =	sld [smem:$0x3FA9]  }
0x28: {  	s2 =	sld [smem:$0x3FAA]  }
0x29: {  	s4 =	sld [smem:$0x3FAC]  }
0x2a: {  	p0 =	seq.s32 s5, $0x0;
	s5 =	sld [smem:$0x3FAD]  }
0x2b: {  	s6 =	sld [smem:$0x3FAE]  }
0x2c: {  	s7 =	sld [smem:$0x3FAF]  }
0x2d: {  	s3 =	simm.s32 $0x108;
	s8 =	sld [smem:$0x3FB0]  }
0x2e: {  	s3 =	simm.s32 @!p0 $0x1082;
	s9 =	sld [smem:$0x3FB1]  }
0x2f: {  	lr =	sadd.s32 s0, s3;
	s0 =	sld [smem:$0x3FA8]  }
0x30: {  	s3 =	sld [smem:$0x3FAB]  }
0x31: {  	[smem:$0x3FB4] =	sst s10  }
0x32: {  	s10 =	sld [smem:$0x3FB2];
	_ =	sdelay $0x3  }
0x33: {  	p0 =	seq.s32 s10, $0x1;
	s10 =	sld [smem:$0x3FB4];
	_ =	sdelay $0x3  }
0x34: {  	[smem:$0x3FB4] =	sst s10  }
0x35: {  	s10 =	sld [smem:$0x3FB3];
	_ =	sdelay $0x3  }
0x36: {  	p1 =	seq.s32 s10, $0x1;
	s10 =	sld [smem:$0x3FB4];
	_ =	sdelay $0x3  }
0x37: {  	[smem:$0x3FB4] =	sst s10  }
0x38: {  	s10 =	sld [smem:$0x3FB5]  }
0x39: {  	_ = 	snop;
	(pc) =	sbr.ind lr, $3  }
0x3a: {  	_ = 	snop  }
0x3b: {  	_ = 	snop  }
0x3c: {  	p2 =	seq.s32 s10, $0x1;
	s10 =	sld [smem:$0x3FB4]  }
0x3d: {  	_ =	shalt  }
0x3e: {  	_ =	shalt  }
0x3f: {  	_ =	shalt  }
0x40: {  	_ =	shalt  }
0x41: {  	_ =	shalt  }
0x42: {  	_ =	shalt  }
0x43: {  	_ =	shalt  }
0x44: {  	_ =	shalt  }
0x45: {  	_ =	shalt  }
0x46: {  	_ =	shalt  }
0x47: {  	_ =	shalt  }
0x48: {  	_ =	shalt  }
0x49: {  	_ =	shalt  }
0x4a: {  	_ =	shalt  }
0x4b: {  	_ =	shalt  }
0x4c: {  	_ =	shalt  }
0x4d: {  	_ =	shalt  }
0x4e: {  	_ =	shalt  }
0x4f: {  	_ =	shalt  }
0x50: {  	_ =	shalt  }
0x51: {  	_ =	shalt  }
0x52: {  	_ =	shalt  }
0x53: {  	_ =	shalt  }
0x54: {  	_ =	shalt  }
0x55: {  	_ =	shalt  }
0x56: {  	_ =	shalt  }
0x57: {  	_ =	shalt  }
0x58: {  	_ =	shalt  }
0x59: {  	_ =	shalt  }
0x5a: {  	_ =	shalt  }
0x5b: {  	_ =	shalt  }
0x5c: {  	_ =	shalt  }
0x5d: {  	_ =	shalt  }
0x5e: {  	_ =	shalt  }
0x5f: {  	_ =	shalt  }
0x60: {  	_ =	shalt  }
0x61: {  	_ =	shalt  }
0x62: {  	_ =	shalt  }
0x63: {  	_ =	shalt  }
0x64: {  	_ =	shalt  }
0x65: {  	_ =	shalt  }
0x66: {  	_ =	shalt  }
0x67: {  	_ =	shalt  }
0x68: {  	_ =	shalt  }
0x69: {  	_ =	shalt  }
0x6a: {  	_ =	shalt  }
0x6b: {  	_ =	shalt  }
0x6c: {  	_ =	shalt  }
0x6d: {  	_ =	shalt  }
0x6e: {  	_ =	shalt  }
0x6f: {  	_ =	shalt  }
0x70: {  	_ =	shalt  }
0x71: {  	_ =	shalt  }
0x72: {  	_ =	shalt  }
0x73: {  	_ =	shalt  }
0x74: {  	_ =	shalt  }
0x75: {  	_ =	shalt  }
0x76: {  	_ =	shalt  }
0x77: {  	_ =	shalt  }
0x78: {  	_ =	shalt  }
0x79: {  	_ =	shalt  }
0x7a: {  	_ =	shalt  }
0x7b: {  	_ =	shalt  }
0x7c: {  	_ =	shalt  }
0x7d: {  	_ =	shalt  }
0x7e: {  	_ =	shalt  }
0x7f: {  	_ =	shalt  }
0x80: {  	_ =	shalt  }
0x81: {  	_ =	shalt  }
0x82: {  	_ =	shalt  }
0x83: {  	_ =	shalt  }
0x84: {  	_ =	shalt  }
0x85: {  	_ =	shalt  }
0x86: {  	_ =	shalt  }
0x87: {  	_ =	shalt  }
.Lfunc_end0:
.L_simem_size_0:
called_computation.1_lowered:
.L_overlay_start_0:
0x88: {  	s2 =	sld [smem:$0x3FD9]  }
0x89: {  	s3 =	sld [smem:$0x3FFE];
	_ =	sdelay $0x1  }
0x8a: {  	s1 =	srdreg.scid  }
0x8b: {  	s0 =	sand.u32 $0x1, s1  }
0x8c: {  	s16 =	sshll.u32 s0, $0xA;
	s2 =	sadd.s32 s3, s2  }
0x8d: {  	s2 =	sadd.s32 s2, s16  }
0x8e: {  	[smem:$0x3FC0] =	sst s2  }
0x8f: {  	_ = 	snop  }
0x90: {  	(tm) =	ssettm $0x1  }
0x91: {  	s17 =	sld [smem:$0x3FFB];
	_ =	sdelay $0x3  }
0x92: {  	_ =	strace s17  }
0x93: {  	s2 =	sld [smem:$0x3FFC];
	_ =	sdelay $0x3  }
0x94: {  	_ =	strace s2  }
0x95: {  	s2 =	sld [smem:$0x3FFD];
	_ =	sdelay $0x3  }
0x96: {  	_ =	strace s2  }
0x97: {  	_ =	strace $0x8FFFFFFF  }
0x98: {  	s18 =	sld [smem:$0x3FDB];
	_ =	sdelay $0x1  }
0x99: {  	s19 =	simm.s32 $_scs_section_size  }
0x9a: {  	s4 =	simm.s32 $_size__tile_overlayer_lowered;
	s5 =	simm.s32 $_tile_overlayer_lowered  }
0x9b: {  	s22 =	simm.s32 $0x1BFF;
	s21 =	sshll.u32 s5, $0x1;
	s2 =	sadd.s32 s19, s18  }
0x9c: {  	s6 =	simm.s32 $0x0;
	s20 =	sshll.u32 s4, $0x1;
	s4 =	sadd.s32 s21, s2  }
0x9d: {  	[timem:s6], [sflag:s22] =	dma.local [hbm:s4], s20  }
0x9e: {  	_ =	swait.ge [sflag:s22], s20  }
0x9f: {  	s3 =	ssub.s32 $0x0, s20;
	[sflag:s22] =	ssyncset.done $0x0  }
0xa0: {  	[sflag:s22] =	ssyncadd.s32 s3;
	_ =	sdelay $0x1  }
0xa1: {  	s23 =	simm.s32 $0x1B8B  }
0xa2: {  	_ =	swait.ge [sflag:s23], $0x1  }
0xa3: {  	[sflag:s23] =	ssyncset.done $0x0  }
0xa4: {  	s25 =	simm.s32 $0x1B8E;
	s24 =	sld [smem:$0x3FFE];
	[sflag:s23] =	ssyncadd.s32 $0xFFFFFFFF  }
0xa5: {  	s26 =	simm.s32 $execute0_lowered;
	[smem:$0x3FD2] =	sst s25  }
0xa6: {  	s4 =	sshll.u32 s26, $0x1;
	_ =	strace $0x80000046;
	[dreg:$0x1] =	wrdreg $0xFFFFFFFF  }
0xa7: {  	s28 =	simm.s32 $_size_execute0_lowered;
	s2 =	sadd.s32 s2, s4;
	[dreg:$0x0] =	wrdreg $0x0  }
0xa8: {  	s4 =	sshll.u32 s28, $0x1;
	[dreg:$0x2] =	wrdreg s2  }
0xa9: {  	[dreg:$0x3] =	wrdreg s4  }
0xaa: {  	[dreg:$0x4] =	wrdreg $0xC0  }
0xab: {  	_ =	task [dreg:s6], $0x5FFFF  }
0xac: {  	[dreg:$0x1] =	wrdreg $0xFFFFFFFF  }
0xad: {  	[dreg:$0x0] =	wrdreg $0x60  }
0xae: {  	[dreg:$0x2] =	wrdreg s24  }
0xaf: {  	[dreg:$0x3] =	wrdreg $0x0  }
0xb0: {  	[dreg:$0x4] =	wrdreg $0xA  }
0xb1: {  	_ =	task.clear_ibuf [dreg:s6], $0x5FFFF;
	_ =	strace $0x90000046  }
0xb2: {  	s29 =	simm.s32 $0xA;
	_ =	strace $0x80000048  }
0xb3: {  	_ =	swait.ge [sflag:s29], $0x1  }
0xb4: {  	[sflag:s29] =	ssyncadd.s32 $0xFFFFFFFF  }
0xb5: {  	_ =	strace $0x90000048  }
0xb6: {  	_ =	sfence  }
0xb7: {  	s30 =	sld [smem:$0x0];
	_ =	sdelay $0x2  }
0xb8: {  	s31 =	sshll.u32 s1, $0xD;
	s1 =	sshrl.u32 s1, $0x2  }
0xb9: {  	s3 =	sand.u32 $0x4000, s31;
	s1 =	sadd.s32 s1, s30  }
0xba: {  	s0 =	sor.u32 s3, s0;
	s1 =	sshll.u32 s1, $0x11  }
0xbb: {  	s0 =	sor.u32 s1, s0  }
0xbc: {  	s0 =	sadd.s32 $0x8F2B, s0  }
0xbd: {  	[sflag:s0] =	ssyncadd.remote.s32 $0x1  }
0xbe: {  	_ =	sfence.sel $0xFFFF  }
0xbf: {  	[dreg:$0x0] =	wrdreg $0xFFFFFFFF;
	(pc) =	sbr.abs _section_cstart, $3  }
0xc0: {  	[dreg:$0x1] =	wrdreg $0xFFFFFFFF  }
0xc1: {  	_ =	task.clear_ibuf [dreg:s6], $0x2FFFF;
	_ =	strace $0x9FFFFFFF  }
0xc2: {  	(tm) =	ssettm $0x7FFFFFFF  }
0xc3: {  	_ =	shalt  }
tec
execute0_lowered:
.L_overlay_start_1:
0x0: {  	(tag) =	ssettag $0x1  }
0x1: {  	s0 =	srdreg.scid  }
0x2: {  	s3 =	rddreg [dreg:$0x0];
	s10 =	stileid.u32  }
0x3: {  	s1 =	rddreg [dreg:$0x1];
	s2 =	simm.s32 $0x0;
	s14 =	simm.s32 $0x80  }
0x4: {  	s15 =	simm.s32 $0x5F40;
	s16 =	simm.s32 $0x2;
	s17 =	simm.s32 $0x1FC0  }
0x5: {  	s18 =	simm.s32 $0x9F40;
	s19 =	simm.s32 $0x3;
	s20 =	simm.s32 $0x4  }
0x6: {  	s21 =	simm.s32 $0x2040;
	s22 =	simm.s32 $0x5;
	s23 =	simm.s32 $0x20C0  }
0x7: {  	s24 =	simm.s32 $0x0;
	s11 =	sand.u32 $0x1, s0;
	s0 =	rddreg [dreg:$0x2]  }
0x8: {  	s4 =	sshll.u32 s10, $0x6;
	[smem:$0x7FF] =	sst s2;
	s12 =	sadd.s32 $0x37000, s3  }
0x9: {  	s13 =	sshll.u32 s10, $0x13;
	p0 =	sne.s32 s10, $0x0;
	s5 =	sshll.u32 s11, $0x5  }
0xa: {  	_ =	strace $0x80000047;
	s6 =	ssub.s32 $0x2, s11;
	s4 =	sor.u32 s5, s4  }
0xb: {  	s11 =	sshll.u32 s11, $0x12;
	s7 =	sshrl.u32 s6, $0x1;
	s5 =	sshll.u32 s4, $0x6  }
0xc: {  	s4 =	sshll.u32 s4, $0xD;
	s9 =	ssub.s32 s6, s7;
	s5 =	sadd.s32 s5, s3  }
0xd: {  	s3 =	sadd.s32 $0x33000, s3;
	s4 =	sadd.s32 s12, s4;
	s9 =	smax.u32 s9, $0x1  }
0xe: {  	s12 =	sadd.s32 s13, s12;
	s13 =	simm.s32 $0x6;
	s5 =	sadd.s32 $0x23000, s5  }
0xf: {  	s6 =	sadd.s32 $0x800, s4;
	s7 =	sadd.s32 $0x1000, s4;
	s8 =	sadd.s32 $0x1800, s4  }
0x10: {  	s10 =	sadd.s32 s11, s12;
	s11 =	sshrl.u32 @!p0 s1, $0x3;
	s12 =	simm.s32 $0x1F40  }
.LBB2_1:
0x11: {  	s25 =	simm.s32 @!p0 $0x1C01  }
0x12: {  	[spmem:s11], [sflag:s25] =	dma.local @!p0 [hbm:s3], $0x3E80  }
0x13: {  	s25 =	simm.s32 @!p0 $0x1  }
0x14: {  	_ =	swait.ge @!p0 [sflag:s25], $0x3E80  }
0x15: {  	[sflag:s25] =	ssyncset.done @!p0 $0x0  }
0x16: {  	[sflag:s25] =	ssyncadd.s32 @!p0 $0xFFFFC180  }
0x17: {  	[bflag:$0x0] =	sbarrier.arrive $0xFFFF  }
0x18: {  	[tilespmem:s12], [sflag:$0x6] =	stream.linear.gather [hbm4b:s5+s2], $0x4000, $0x38;
	[tilespmem:$0xDF40] =	vst v63  }
0x19: {  	_ =	swait.ge [sflag:s13], $0x4000  }
0x1a: {  	[sflag:s13] =	ssyncset.done $0x0  }
0x1b: {  	[sflag:s13] =	ssyncadd.s32 $0xFFFFC000  }
0x1c: {  	[tilespmem:s15], [sflag:$0x2] =	stream.indirect.gather [spmem:s1], $0x80, s12, s14, $0xb8;
	[tilespmem:$0xDF40] =	vst v63  }
0x1d: {  	_ =	swait.ge [sflag:s16], $0x4000  }
0x1e: {  	[sflag:s16] =	ssyncset.done $0x0  }
0x1f: {  	[sflag:s16] =	ssyncadd.s32 $0xFFFFC000  }
0x20: {  	[hbm4b:s4+s2] =	stream.linear.scatter [tilespmem:s15], [sflag:$0x4], $0x4000, $0x38;
	[tilespmem:$0xDF40] =	vst v63  }
0x21: {  	_ = 	snop  }
0x22: {  	[tilespmem:s18], [sflag:$0x3] =	stream.indirect.gather [spmem:s1], $0x80, s17, s14, $0xb8;
	[tilespmem:$0xDF40] =	vst v63  }
0x23: {  	_ =	swait.ge [sflag:s19], $0x4000  }
0x24: {  	[sflag:s19] =	ssyncset.done $0x0  }
0x25: {  	[sflag:s19] =	ssyncadd.s32 $0xFFFFC000  }
0x26: {  	[hbm4b:s6+s2] =	stream.linear.scatter [tilespmem:s18], [sflag:$0x5], $0x4000, $0x38;
	[tilespmem:$0xDF40] =	vst v63  }
0x27: {  	_ =	swait.ge [sflag:s20], $0x4000  }
0x28: {  	[sflag:s20] =	ssyncset.done $0x0  }
0x29: {  	[sflag:s20] =	ssyncadd.s32 $0xFFFFC000  }
0x2a: {  	[tilespmem:s15], [sflag:$0x2] =	stream.indirect.gather [spmem:s1], $0x80, s21, s14, $0xb8;
	[tilespmem:$0xDF40] =	vst v63  }
0x2b: {  	_ =	swait.ge [sflag:s16], $0x4000  }
0x2c: {  	[sflag:s16] =	ssyncset.done $0x0  }
0x2d: {  	[sflag:s16] =	ssyncadd.s32 $0xFFFFC000  }
0x2e: {  	[hbm4b:s7+s2] =	stream.linear.scatter [tilespmem:s15], [sflag:$0x4], $0x4000, $0x38;
	[tilespmem:$0xDF40] =	vst v63  }
0x2f: {  	_ =	swait.ge [sflag:s22], $0x4000  }
0x30: {  	[sflag:s22] =	ssyncset.done $0x0  }
0x31: {  	[sflag:s22] =	ssyncadd.s32 $0xFFFFC000  }
0x32: {  	[tilespmem:s18], [sflag:$0x3] =	stream.indirect.gather [spmem:s1], $0x80, s23, s14, $0xb8;
	[tilespmem:$0xDF40] =	vst v63  }
0x33: {  	_ =	swait.ge [sflag:s19], $0x4000  }
0x34: {  	[sflag:s19] =	ssyncset.done $0x0  }
0x35: {  	[sflag:s19] =	ssyncadd.s32 $0xFFFFC000  }
0x36: {  	[hbm4b:s8+s2] =	stream.linear.scatter [tilespmem:s18], [sflag:$0x5], $0x4000, $0x38;
	[tilespmem:$0xDF40] =	vst v63  }
0x37: {  	_ =	swait.ge [sflag:s20], $0x4000  }
0x38: {  	[sflag:s20] =	ssyncset.done $0x0  }
0x39: {  	s26 =	simm.s32 $0x2140;
	[sflag:s20] =	ssyncadd.s32 $0xFFFFC000  }
0x3a: {  	[tilespmem:s15], [sflag:$0x2] =	stream.indirect.gather [spmem:s1], $0x80, s26, s14, $0xb8;
	[tilespmem:$0xDF40] =	vst v63  }
0x3b: {  	_ =	swait.ge [sflag:s16], $0x4000  }
0x3c: {  	s26 =	sadd.s32 $0x0, s10;
	[sflag:s16] =	ssyncset.done $0x0  }
0x3d: {  	s29 =	sadd.s32 $0x2000, s26;
	[sflag:s16] =	ssyncadd.s32 $0xFFFFC000  }
0x3e: {  	[hbm4b:s29+s2] =	stream.linear.scatter [tilespmem:s15], [sflag:$0x4], $0x4000, $0x38;
	[tilespmem:$0xDF40] =	vst v63  }
0x3f: {  	_ =	swait.ge [sflag:s22], $0x4000  }
0x40: {  	[sflag:s22] =	ssyncset.done $0x0  }
0x41: {  	s30 =	simm.s32 $0x21C0;
	[sflag:s22] =	ssyncadd.s32 $0xFFFFC000  }
0x42: {  	[tilespmem:s18], [sflag:$0x3] =	stream.indirect.gather [spmem:s1], $0x80, s30, s14, $0xb8;
	[tilespmem:$0xDF40] =	vst v63  }
0x43: {  	_ =	swait.ge [sflag:s19], $0x4000  }
0x44: {  	[sflag:s19] =	ssyncset.done $0x0  }
0x45: {  	s31 =	sadd.s32 $0x2800, s26;
	[sflag:s19] =	ssyncadd.s32 $0xFFFFC000  }
0x46: {  	[hbm4b:s31+s2] =	stream.linear.scatter [tilespmem:s18], [sflag:$0x5], $0x4000, $0x38;
	[tilespmem:$0xDF40] =	vst v63  }
0x47: {  	_ =	swait.ge [sflag:s20], $0x4000  }
0x48: {  	[sflag:s20] =	ssyncset.done $0x0  }
0x49: {  	s29 =	simm.s32 $0x2240;
	[sflag:s20] =	ssyncadd.s32 $0xFFFFC000  }
0x4a: {  	[tilespmem:s15], [sflag:$0x2] =	stream.indirect.gather [spmem:s1], $0x80, s29, s14, $0xb8;
	[tilespmem:$0xDF40] =	vst v63  }
0x4b: {  	_ =	swait.ge [sflag:s16], $0x4000  }
0x4c: {  	[sflag:s16] =	ssyncset.done $0x0  }
0x4d: {  	s30 =	sadd.s32 $0x3000, s26;
	[sflag:s16] =	ssyncadd.s32 $0xFFFFC000  }
0x4e: {  	[hbm4b:s30+s2] =	stream.linear.scatter [tilespmem:s15], [sflag:$0x4], $0x4000, $0x38;
	[tilespmem:$0xDF40] =	vst v63  }
0x4f: {  	_ =	swait.ge [sflag:s22], $0x4000  }
0x50: {  	[sflag:s22] =	ssyncset.done $0x0  }
0x51: {  	s31 =	simm.s32 $0x22C0;
	[sflag:s22] =	ssyncadd.s32 $0xFFFFC000  }
0x52: {  	[tilespmem:s18], [sflag:$0x3] =	stream.indirect.gather [spmem:s1], $0x80, s31, s14, $0xb8;
	[tilespmem:$0xDF40] =	vst v63  }
0x53: {  	_ =	swait.ge [sflag:s19], $0x4000  }
0x54: {  	s25 =	simm.s32 $0x2000;
	[sflag:s19] =	ssyncset.done $0x0  }
0x55: {  	s28 =	sadd.s32 $0x3800, s26;
	s26 =	simm.s32 $0x2340;
	[sflag:s19] =	ssyncadd.s32 $0xFFFFC000  }
.LBB2_2:
0x56: {  	[hbm4b:s28+s2] =	stream.linear.scatter [tilespmem:s18], [sflag:$0x5], $0x4000, $0x38;
	[tilespmem:$0xDF40] =	vst v63  }
0x57: {  	s28 =	smov.u32 s25  }
0x58: {  	p1 =	sne.s32 s25, $0x3C000;
	s25 =	sadd.s32 $0x2000, s25;
	_ =	swait.ge [sflag:s20], $0x4000  }
0x59: {  	[sflag:s20] =	ssyncset.done $0x0  }
0x5a: {  	[sflag:s20] =	ssyncadd.s32 $0xFFFFC000  }
0x5b: {  	[tilespmem:s15], [sflag:$0x2] =	stream.indirect.gather [spmem:s1], $0x80, s26, s14, $0xb8;
	[tilespmem:$0xDF40] =	vst v63  }
0x5c: {  	_ =	swait.ge [sflag:s16], $0x4000  }
0x5d: {  	s28 =	sadd.s32 s28, s10;
	[sflag:s16] =	ssyncset.done $0x0  }
0x5e: {  	s29 =	sadd.s32 $0x2000, s28;
	[sflag:s16] =	ssyncadd.s32 $0xFFFFC000  }
0x5f: {  	[hbm4b:s29+s2] =	stream.linear.scatter [tilespmem:s15], [sflag:$0x4], $0x4000, $0x38;
	[tilespmem:$0xDF40] =	vst v63  }
0x60: {  	_ =	swait.ge [sflag:s22], $0x4000  }
0x61: {  	[sflag:s22] =	ssyncset.done $0x0  }
0x62: {  	s29 =	sadd.s32 $0x80, s26;
	[sflag:s22] =	ssyncadd.s32 $0xFFFFC000  }
0x63: {  	[tilespmem:s18], [sflag:$0x3] =	stream.indirect.gather [spmem:s1], $0x80, s29, s14, $0xb8;
	[tilespmem:$0xDF40] =	vst v63  }
0x64: {  	_ =	swait.ge [sflag:s19], $0x4000  }
0x65: {  	[sflag:s19] =	ssyncset.done $0x0  }
0x66: {  	s29 =	sadd.s32 $0x2800, s28;
	[sflag:s19] =	ssyncadd.s32 $0xFFFFC000  }
0x67: {  	[hbm4b:s29+s2] =	stream.linear.scatter [tilespmem:s18], [sflag:$0x5], $0x4000, $0x38;
	[tilespmem:$0xDF40] =	vst v63  }
0x68: {  	_ =	swait.ge [sflag:s20], $0x4000  }
0x69: {  	[sflag:s20] =	ssyncset.done $0x0  }
0x6a: {  	s29 =	sadd.s32 $0x100, s26;
	[sflag:s20] =	ssyncadd.s32 $0xFFFFC000  }
0x6b: {  	[tilespmem:s15], [sflag:$0x2] =	stream.indirect.gather [spmem:s1], $0x80, s29, s14, $0xb8;
	[tilespmem:$0xDF40] =	vst v63  }
0x6c: {  	_ =	swait.ge [sflag:s16], $0x4000  }
0x6d: {  	[sflag:s16] =	ssyncset.done $0x0  }
0x6e: {  	s29 =	sadd.s32 $0x3000, s28;
	[sflag:s16] =	ssyncadd.s32 $0xFFFFC000  }
0x6f: {  	[hbm4b:s29+s2] =	stream.linear.scatter [tilespmem:s15], [sflag:$0x4], $0x4000, $0x38;
	[tilespmem:$0xDF40] =	vst v63  }
0x70: {  	_ =	swait.ge [sflag:s22], $0x4000  }
0x71: {  	[sflag:s22] =	ssyncset.done $0x0  }
.Ltmp0:
0x72: {  	s29 =	sadd.s32 $0x180, s26;
	[sflag:s22] =	ssyncadd.s32 $0xFFFFC000;
	(pc) =	sbr.rel @p1 .LBB2_2-.Ltmp0, $4  }
0x73: {  	[tilespmem:s18], [sflag:$0x3] =	stream.indirect.gather [spmem:s1], $0x80, s29, s14, $0xb8;
	[tilespmem:$0xDF40] =	vst v63  }
0x74: {  	_ =	swait.ge [sflag:s19], $0x4000  }
0x75: {  	[sflag:s19] =	ssyncset.done $0x0  }
0x76: {  	s28 =	sadd.s32 $0x3800, s28;
	s26 =	sadd.s32 $0x200, s26;
	[sflag:s19] =	ssyncadd.s32 $0xFFFFC000  }
0x77: {  	[hbm4b:s28+s2] =	stream.linear.scatter [tilespmem:s18], [sflag:$0x5], $0x4000, $0x38;
	[tilespmem:$0xDF40] =	vst v63  }
0x78: {  	s24 =	sadd.s32 $0x1, s24  }
0x79: {  	_ =	swait.ge [sflag:s20], $0x4000;
	p1 =	sne.s32 s24, s9  }
.Ltmp1:
0x7a: {  	[sflag:s20] =	ssyncset.done $0x0;
	(pc) =	sbr.rel @p1 .LBB2_1-.Ltmp1, $4  }
0x7b: {  	[sflag:s20] =	ssyncadd.s32 $0xFFFFC000  }
0x7c: {  	_ =	swait.ge [sflag:s22], $0x4000  }
0x7d: {  	[sflag:s22] =	ssyncset.done $0x0  }
0x7e: {  	[sflag:s22] =	ssyncadd.s32 $0xFFFFC000  }
0x7f: {  	_ =	sfence.sel $0x180000  }
0x80: {  	[bflag:$0x0] =	sbarrier.arrive $0xFFFF  }
0x81: {  	_ =	strace $0x90000047  }
0x82: {  	s0 =	sadd.s32 @!p0 $0x100000, s0;
	[bflag:$0x2] =	sbarrier.arrive $0xFFFF  }
0x83: {  	[sflag:s0] =	ssyncadd.tile.s32 @!p0 $0x1;
	_ =	shalt  }
.Lfunc_end2:
_tile_overlayer_lowered:
.L_overlay_start_2:
0x84: {  	(tag) =	ssettag $0x2  }
0x85: {  	s0 =	rddreg [dreg:$0x0];
	s2 =	stileid.u32  }
0x86: {  	s1 =	rddreg [dreg:$0x1];
	p0 =	sne.s32 s2, $0x0  }
0x87: {  	s3 =	rddreg [dreg:$0x2];
	[bflag:$0x3] =	sbarrier.arrive $0xFFFF;
	s2 =	simm.s32 @!p0 $0x1C06  }
0x88: {  	[timem:s3], [sflag:s2] =	dma.local @!p0 [hbm:s0], s1  }
0x89: {  	s0 =	simm.s32 @!p0 $0x6  }
0x8a: {  	_ =	swait.ge @!p0 [sflag:s0], s1  }
0x8b: {  	s1 =	ssub.s32 @!p0 $0x0, s1;
	[sflag:s0] =	ssyncset.done @!p0 $0x0  }
0x8c: {  	[sflag:s0] =	ssyncadd.s32 @!p0 s1  }
0x8d: {  	[bflag:$0x3] =	sbarrier.arrive $0xFFFF  }
0x8e: {  	_ =	shalt  }

// kernel: kernel.16.cloned.1.call-start
scs
__scs_entry_jumppad:
0x0: {  	(pc) =	sbr.rel $0x88, $3  }
0x1: {  	(tag) =	ssettag $0x0;
	lr =	simm.s32 $0x1  }
0x2: {  	[smem:$0x3F99] =	sst lr;
	_ =	strace $0xD0000000  }
0x3: {  	_ = 	snop  }
0x4: {  	_ = 	snop  }
0x5: {  	_ = 	snop  }
0x6: {  	_ = 	snop  }
0x7: {  	_ = 	snop  }
__scs_overlays_trampoline_lowered:
0x8: {  	[smem:$0x3FA8] =	sst s0  }
0x9: {  	[smem:$0x3FA9] =	sst s1  }
0xa: {  	[smem:$0x3FAA] =	sst s2  }
0xb: {  	[smem:$0x3FAB] =	sst s3  }
0xc: {  	[smem:$0x3FAC] =	sst s4  }
0xd: {  	[smem:$0x3FAD] =	sst s5  }
0xe: {  	[smem:$0x3FAE] =	sst s6  }
0xf: {  	[smem:$0x3FAF] =	sst s7  }
0x10: {  	[smem:$0x3FB0] =	sst s8  }
0x11: {  	[smem:$0x3FB1] =	sst s9;
	s0 =	simm.s32 @!p0 $0x0  }
0x12: {  	s1 =	sld [smem:$0x3F97];
	s0 =	simm.s32 @p0 $0x1  }
0x13: {  	[smem:$0x3FB2] =	sst s0;
	s0 =	simm.s32 @!p1 $0x0  }
0x14: {  	s2 =	sld [smem:$0x3F96];
	s0 =	simm.s32 @p1 $0x1  }
0x15: {  	[smem:$0x3FB3] =	sst s0;
	s0 =	simm.s32 @!p2 $0x0  }
0x16: {  	s3 =	sld [smem:$0x3FDB];
	s0 =	simm.s32 @p2 $0x1  }
0x17: {  	s4 =	simm.s32 $0x1BF5;
	[smem:$0x3FB5] =	sst s0  }
0x18: {  	s0 =	sld [smem:$0x3F98];
	_ =	swait.ge [sflag:s4], $0x0  }
0x19: {  	s7 =	sld [smem:$0x3F99]  }
0x1a: {  	s8 =	sadd.s32 $0xFFFFE003, lr  }
0x1b: {  	s9 =	sadd.s32 $0xFFFFFEF7, lr;
	s5 =	simm.s32 $0xFFFFFFFF;
	p2 =	slt.u32 s8, $0xFFFFF086  }
0x1c: {  	p1 =	slt.u32 s9, $0xF7A;
	s5 =	simm.s32 @!p2 $0x0  }
0x1d: {  	s5 =	simm.s32 @p1 $0x1;
	p0 =	seq.s32 s7, s2  }
0x1e: {  	s7 =	smul.u32 @!p0 $0xF7A, s2;
	p2 =	seq.s32 @!p0 s5, $0x0  }
0x1f: {  	s9 =	smul.u32 $0xF7A, s1;
	s8 =	simm.s32 @!p0 $0x1BF5;
	p2 =	por !p2, p0  }
0x20: {  	[sflag:s8] =	ssyncset.s32 @!p0 $0xFFFFF086;
	s6 =	sadd.s32 @!p0 s3, s7;
	s7 =	simm.s32 @!p0 $0x108  }
0x21: {  	s3 =	sadd.s32 s3, s9;
	s6 =	sadd.s32 @!p0 $0x88, s6;
	s7 =	simm.s32 @p2 $0x1082  }
0x22: {  	[simem:s7], [sflag:s8] =	dma.local @!p0 [hbm:s6], $0xF7A  }
0x23: {  	s9 =	sor.u32 $0xD0000000, s2;
	s6 =	simm.s32 $0x108;
	_ =	swait.ge @!p0 [sflag:s8], $0x0  }
0x24: {  	s3 =	sadd.s32 $0x88, s3;
	s6 =	simm.s32 @!p1 $0x1082;
	[sflag:s4] =	ssyncset.s32 $0xFFFFF086  }
0x25: {  	[simem:s6], [sflag:s4] =	dma.local [hbm:s3], $0xF7A  }
0x26: {  	[smem:$0x3F99] =	sst s1;
	(tag) =	ssettag s2;
	_ =	strace s9  }
0x27: {  	s1 =	sld [smem:$0x3FA9]  }
0x28: {  	s2 =	sld [smem:$0x3FAA]  }
0x29: {  	s4 =	sld [smem:$0x3FAC]  }
0x2a: {  	p0 =	seq.s32 s5, $0x0;
	s5 =	sld [smem:$0x3FAD]  }
0x2b: {  	s6 =	sld [smem:$0x3FAE]  }
0x2c: {  	s7 =	sld [smem:$0x3FAF]  }
0x2d: {  	s3 =	simm.s32 $0x108;
	s8 =	sld [smem:$0x3FB0]  }
0x2e: {  	s3 =	simm.s32 @!p0 $0x1082;
	s9 =	sld [smem:$0x3FB1]  }
0x2f: {  	lr =	sadd.s32 s0, s3;
	s0 =	sld [smem:$0x3FA8]  }
0x30: {  	s3 =	sld [smem:$0x3FAB]  }
0x31: {  	[smem:$0x3FB4] =	sst s10  }
0x32: {  	s10 =	sld [smem:$0x3FB2];
	_ =	sdelay $0x3  }
0x33: {  	p0 =	seq.s32 s10, $0x1;
	s10 =	sld [smem:$0x3FB4];
	_ =	sdelay $0x3  }
0x34: {  	[smem:$0x3FB4] =	sst s10  }
0x35: {  	s10 =	sld [smem:$0x3FB3];
	_ =	sdelay $0x3  }
0x36: {  	p1 =	seq.s32 s10, $0x1;
	s10 =	sld [smem:$0x3FB4];
	_ =	sdelay $0x3  }
0x37: {  	[smem:$0x3FB4] =	sst s10  }
0x38: {  	s10 =	sld [smem:$0x3FB5]  }
0x39: {  	_ = 	snop;
	(pc) =	sbr.ind lr, $3  }
0x3a: {  	_ = 	snop  }
0x3b: {  	_ = 	snop  }
0x3c: {  	p2 =	seq.s32 s10, $0x1;
	s10 =	sld [smem:$0x3FB4]  }
0x3d: {  	_ =	shalt  }
0x3e: {  	_ =	shalt  }
0x3f: {  	_ =	shalt  }
0x40: {  	_ =	shalt  }
0x41: {  	_ =	shalt  }
0x42: {  	_ =	shalt  }
0x43: {  	_ =	shalt  }
0x44: {  	_ =	shalt  }
0x45: {  	_ =	shalt  }
0x46: {  	_ =	shalt  }
0x47: {  	_ =	shalt  }
0x48: {  	_ =	shalt  }
0x49: {  	_ =	shalt  }
0x4a: {  	_ =	shalt  }
0x4b: {  	_ =	shalt  }
0x4c: {  	_ =	shalt  }
0x4d: {  	_ =	shalt  }
0x4e: {  	_ =	shalt  }
0x4f: {  	_ =	shalt  }
0x50: {  	_ =	shalt  }
0x51: {  	_ =	shalt  }
0x52: {  	_ =	shalt  }
0x53: {  	_ =	shalt  }
0x54: {  	_ =	shalt  }
0x55: {  	_ =	shalt  }
0x56: {  	_ =	shalt  }
0x57: {  	_ =	shalt  }
0x58: {  	_ =	shalt  }
0x59: {  	_ =	shalt  }
0x5a: {  	_ =	shalt  }
0x5b: {  	_ =	shalt  }
0x5c: {  	_ =	shalt  }
0x5d: {  	_ =	shalt  }
0x5e: {  	_ =	shalt  }
0x5f: {  	_ =	shalt  }
0x60: {  	_ =	shalt  }
0x61: {  	_ =	shalt  }
0x62: {  	_ =	shalt  }
0x63: {  	_ =	shalt  }
0x64: {  	_ =	shalt  }
0x65: {  	_ =	shalt  }
0x66: {  	_ =	shalt  }
0x67: {  	_ =	shalt  }
0x68: {  	_ =	shalt  }
0x69: {  	_ =	shalt  }
0x6a: {  	_ =	shalt  }
0x6b: {  	_ =	shalt  }
0x6c: {  	_ =	shalt  }
0x6d: {  	_ =	shalt  }
0x6e: {  	_ =	shalt  }
0x6f: {  	_ =	shalt  }
0x70: {  	_ =	shalt  }
0x71: {  	_ =	shalt  }
0x72: {  	_ =	shalt  }
0x73: {  	_ =	shalt  }
0x74: {  	_ =	shalt  }
0x75: {  	_ =	shalt  }
0x76: {  	_ =	shalt  }
0x77: {  	_ =	shalt  }
0x78: {  	_ =	shalt  }
0x79: {  	_ =	shalt  }
0x7a: {  	_ =	shalt  }
0x7b: {  	_ =	shalt  }
0x7c: {  	_ =	shalt  }
0x7d: {  	_ =	shalt  }
0x7e: {  	_ =	shalt  }
0x7f: {  	_ =	shalt  }
0x80: {  	_ =	shalt  }
0x81: {  	_ =	shalt  }
0x82: {  	_ =	shalt  }
0x83: {  	_ =	shalt  }
0x84: {  	_ =	shalt  }
0x85: {  	_ =	shalt  }
0x86: {  	_ =	shalt  }
0x87: {  	_ =	shalt  }
.Lfunc_end0:
.L_simem_size_0:
called_computation.2_lowered:
.L_overlay_start_0:
0x88: {  	s2 =	sld [smem:$0x3FD9]  }
0x89: {  	s3 =	sld [smem:$0x3FFE];
	_ =	sdelay $0x1  }
0x8a: {  	s1 =	srdreg.scid  }
0x8b: {  	s0 =	sand.u32 $0x1, s1  }
0x8c: {  	s17 =	sshll.u32 s0, $0xA;
	s2 =	sadd.s32 s3, s2  }
0x8d: {  	s2 =	sadd.s32 s2, s17  }
0x8e: {  	[smem:$0x3FC0] =	sst s2  }
0x8f: {  	_ = 	snop  }
0x90: {  	(tm) =	ssettm $0x1  }
0x91: {  	s18 =	sld [smem:$0x3FFB];
	_ =	sdelay $0x3  }
0x92: {  	_ =	strace s18  }
0x93: {  	s2 =	sld [smem:$0x3FFC];
	_ =	sdelay $0x3  }
0x94: {  	_ =	strace s2  }
0x95: {  	s2 =	sld [smem:$0x3FFD];
	_ =	sdelay $0x3  }
0x96: {  	_ =	strace s2  }
0x97: {  	_ =	strace $0x8FFFFFFF  }
0x98: {  	s19 =	sld [smem:$0x3FDB];
	_ =	sdelay $0x1  }
0x99: {  	s20 =	simm.s32 $_scs_section_size  }
0x9a: {  	s4 =	simm.s32 $_size__tile_overlayer_lowered;
	s5 =	simm.s32 $_tile_overlayer_lowered  }
0x9b: {  	s6 =	simm.s32 $0x1BFF;
	s21 =	sshll.u32 s5, $0x1;
	s3 =	sadd.s32 s20, s19  }
0x9c: {  	s22 =	simm.s32 $0x0;
	s4 =	sshll.u32 s4, $0x1;
	s5 =	sadd.s32 s21, s3  }
0x9d: {  	[timem:s22], [sflag:s6] =	dma.local [hbm:s5], s4  }
0x9e: {  	_ =	swait.ge [sflag:s6], s4  }
0x9f: {  	s4 =	ssub.s32 $0x0, s4;
	[sflag:s6] =	ssyncset.done $0x0  }
0xa0: {  	[sflag:s6] =	ssyncadd.s32 s4;
	_ =	sdelay $0x1  }
0xa1: {  	s23 =	simm.s32 $0x1B8B  }
0xa2: {  	_ =	swait.ge [sflag:s23], $0x1  }
0xa3: {  	[sflag:s23] =	ssyncset.done $0x0  }
0xa4: {  	[sflag:s23] =	ssyncadd.s32 $0xFFFFFFFF  }
0xa5: {  	s4 =	sld [smem:$0x0]  }
0xa6: {  	s5 =	sand.u32 $0xFFFFFFFE, s1  }
0xa7: {  	p0 =	sne.s32 s1, s5  }
0xa8: {  	s5 =	sshll.u32 @p0 s5, $0xE  }
0xa9: {  	s5 =	sadd.s32 @p0 $0x11B8D, s5;
	s6 =	sshll.u32 @p0 s4, $0x11  }
0xaa: {  	s5 =	sor.u32 @p0 s6, s5  }
0xab: {  	[sflag:s5] =	ssyncadd.remote.s32 @p0 $0x1;
	_ =	sdelay $0x1  }
0xac: {  	s5 =	simm.s32 @p0 $0x1B8D  }
0xad: {  	_ =	swait.eq @p0 [sflag:s5], $0x1  }
0xae: {  	[sflag:s5] =	ssyncadd.s32 @p0 $0xFFFFFFFF  }
0xaf: {  	s6 =	sshll.u32 @!p0 s1, $0xE  }
0xb0: {  	s6 =	sor.u32 @!p0 $0x4000, s6;
	s5 =	simm.s32 @!p0 $0x1B8D  }
0xb1: {  	s4 =	sshll.u32 @!p0 s4, $0x11;
	s6 =	sadd.s32 @!p0 $0x11B8D, s6;
	_ =	swait.eq @!p0 [sflag:s5], $0x1  }
0xb2: {  	s4 =	sor.u32 @!p0 s4, s6;
	[sflag:s5] =	ssyncadd.s32 @!p0 $0xFFFFFFFF  }
0xb3: {  	s25 =	simm.s32 $0x1B8E;
	s24 =	sld [smem:$0x3FFE];
	[sflag:s4] =	ssyncadd.remote.s32 @!p0 $0x1  }
0xb4: {  	s26 =	simm.s32 $execute0_lowered;
	[smem:$0x3FD2] =	sst s25  }
0xb5: {  	s5 =	sshll.u32 s26, $0x1;
	_ =	strace $0x80000049;
	[dreg:$0x1] =	wrdreg $0xFFFFFFFF  }
0xb6: {  	s28 =	simm.s32 $_size_execute0_lowered;
	s3 =	sadd.s32 s3, s5;
	[dreg:$0x0] =	wrdreg $0x0  }
0xb7: {  	s5 =	sshll.u32 s28, $0x1;
	[dreg:$0x2] =	wrdreg s3  }
0xb8: {  	[dreg:$0x3] =	wrdreg s5  }
0xb9: {  	[dreg:$0x4] =	wrdreg $0xC0  }
0xba: {  	_ =	task [dreg:s22], $0x5FFFF  }
0xbb: {  	[dreg:$0x1] =	wrdreg $0xFFFFFFFF  }
0xbc: {  	[dreg:$0x0] =	wrdreg $0x60  }
0xbd: {  	[dreg:$0x2] =	wrdreg s24  }
0xbe: {  	[dreg:$0x3] =	wrdreg $0x0  }
0xbf: {  	[dreg:$0x4] =	wrdreg $0xB  }
0xc0: {  	_ =	task.clear_ibuf [dreg:s22], $0x5FFFF;
	_ =	strace $0x90000049  }
0xc1: {  	s29 =	simm.s32 $0xB;
	_ =	strace $0x8000004B  }
0xc2: {  	_ =	swait.ge [sflag:s29], $0x1  }
0xc3: {  	[sflag:s29] =	ssyncadd.s32 $0xFFFFFFFF  }
0xc4: {  	_ =	strace $0x9000004B  }
0xc5: {  	_ =	sfence  }
0xc6: {  	s30 =	sld [smem:$0x0];
	_ =	sdelay $0x2  }
0xc7: {  	s31 =	sshll.u32 s1, $0xD;
	s1 =	sshrl.u32 s1, $0x2  }
0xc8: {  	s4 =	sand.u32 $0x4000, s31;
	s1 =	sadd.s32 s1, s30  }
0xc9: {  	s0 =	sor.u32 s4, s0;
	s1 =	sshll.u32 s1, $0x11  }
0xca: {  	s0 =	sor.u32 s1, s0  }
0xcb: {  	s0 =	sadd.s32 $0x8F2B, s0  }
0xcc: {  	[sflag:s0] =	ssyncadd.remote.s32 $0x1  }
0xcd: {  	_ =	sfence.sel $0xFFFF  }
0xce: {  	[dreg:$0x0] =	wrdreg $0xFFFFFFFF;
	(pc) =	sbr.abs _section_cstart, $3  }
0xcf: {  	[dreg:$0x1] =	wrdreg $0xFFFFFFFF  }
0xd0: {  	_ =	task.clear_ibuf [dreg:s22], $0x2FFFF;
	_ =	strace $0x9FFFFFFF  }
0xd1: {  	(tm) =	ssettm $0x7FFFFFFF  }
tec
execute0_lowered:
.L_overlay_start_1:
0x0: {  	(tag) =	ssettag $0x1  }
0x1: {  	s0 =	srdreg.scid  }
0x2: {  	s3 =	rddreg [dreg:$0x0];
	s10 =	stileid.u32  }
0x3: {  	s1 =	rddreg [dreg:$0x1];
	s2 =	simm.s32 $0x0;
	s14 =	simm.s32 $0x80  }
0x4: {  	s15 =	simm.s32 $0x5F40;
	s16 =	simm.s32 $0x2;
	s17 =	simm.s32 $0x1FC0  }
0x5: {  	s18 =	simm.s32 $0x9F40;
	s19 =	simm.s32 $0x3;
	s20 =	simm.s32 $0x4  }
0x6: {  	s21 =	simm.s32 $0x2040;
	s22 =	simm.s32 $0x5;
	s23 =	simm.s32 $0x20C0  }
0x7: {  	s24 =	simm.s32 $0x0;
	s11 =	sand.u32 $0x1, s0;
	s0 =	rddreg [dreg:$0x2]  }
0x8: {  	s4 =	sshll.u32 s10, $0x6;
	[smem:$0x7FF] =	sst s2;
	s12 =	sadd.s32 $0x837000, s3  }
0x9: {  	s13 =	sshll.u32 s10, $0x13;
	p0 =	sne.s32 s10, $0x0;
	s5 =	sshll.u32 s11, $0x5  }
0xa: {  	_ =	strace $0x8000004A;
	s6 =	ssub.s32 $0x2, s11;
	s4 =	sor.u32 s5, s4  }
0xb: {  	s11 =	sshll.u32 s11, $0x12;
	s7 =	sshrl.u32 s6, $0x1;
	s5 =	sshll.u32 s4, $0x6  }
0xc: {  	s4 =	sshll.u32 s4, $0xD;
	s9 =	ssub.s32 s6, s7;
	s5 =	sadd.s32 s5, s3  }
0xd: {  	s3 =	sadd.s32 $0x33000, s3;
	s4 =	sadd.s32 s12, s4;
	s9 =	smax.u32 s9, $0x1  }
0xe: {  	s12 =	sadd.s32 s13, s12;
	s13 =	simm.s32 $0x6;
	s5 =	sadd.s32 $0x3000, s5  }
0xf: {  	s6 =	sadd.s32 $0x800, s4;
	s7 =	sadd.s32 $0x1000, s4;
	s8 =	sadd.s32 $0x1800, s4  }
0x10: {  	s10 =	sadd.s32 s11, s12;
	s11 =	sshrl.u32 @!p0 s1, $0x3;
	s12 =	simm.s32 $0x1F40  }
.LBB2_1:
0x11: {  	s25 =	simm.s32 @!p0 $0x1C01  }
0x12: {  	[spmem:s11], [sflag:s25] =	dma.local @!p0 [hbm:s3], $0x3E80  }
0x13: {  	s25 =	simm.s32 @!p0 $0x1  }
0x14: {  	_ =	swait.ge @!p0 [sflag:s25], $0x3E80  }
0x15: {  	[sflag:s25] =	ssyncset.done @!p0 $0x0  }
0x16: {  	[sflag:s25] =	ssyncadd.s32 @!p0 $0xFFFFC180  }
0x17: {  	[bflag:$0x0] =	sbarrier.arrive $0xFFFF  }
0x18: {  	[tilespmem:s12], [sflag:$0x6] =	stream.linear.gather [hbm4b:s5+s2], $0x4000, $0x38;
	[tilespmem:$0xDF40] =	vst v63  }
0x19: {  	_ =	swait.ge [sflag:s13], $0x4000  }
0x1a: {  	[sflag:s13] =	ssyncset.done $0x0  }
0x1b: {  	[sflag:s13] =	ssyncadd.s32 $0xFFFFC000  }
0x1c: {  	[tilespmem:s15], [sflag:$0x2] =	stream.indirect.gather [spmem:s1], $0x80, s12, s14, $0xb8;
	[tilespmem:$0xDF40] =	vst v63  }
0x1d: {  	_ =	swait.ge [sflag:s16], $0x4000  }
0x1e: {  	[sflag:s16] =	ssyncset.done $0x0  }
0x1f: {  	[sflag:s16] =	ssyncadd.s32 $0xFFFFC000  }
0x20: {  	[hbm4b:s4+s2] =	stream.linear.scatter [tilespmem:s15], [sflag:$0x4], $0x4000, $0x38;
	[tilespmem:$0xDF40] =	vst v63  }
0x21: {  	_ = 	snop  }
0x22: {  	[tilespmem:s18], [sflag:$0x3] =	stream.indirect.gather [spmem:s1], $0x80, s17, s14, $0xb8;
	[tilespmem:$0xDF40] =	vst v63  }
0x23: {  	_ =	swait.ge [sflag:s19], $0x4000  }
0x24: {  	[sflag:s19] =	ssyncset.done $0x0  }
0x25: {  	[sflag:s19] =	ssyncadd.s32 $0xFFFFC000  }
0x26: {  	[hbm4b:s6+s2] =	stream.linear.scatter [tilespmem:s18], [sflag:$0x5], $0x4000, $0x38;
	[tilespmem:$0xDF40] =	vst v63  }
0x27: {  	_ =	swait.ge [sflag:s20], $0x4000  }
0x28: {  	[sflag:s20] =	ssyncset.done $0x0  }
0x29: {  	[sflag:s20] =	ssyncadd.s32 $0xFFFFC000  }
0x2a: {  	[tilespmem:s15], [sflag:$0x2] =	stream.indirect.gather [spmem:s1], $0x80, s21, s14, $0xb8;
	[tilespmem:$0xDF40] =	vst v63  }
0x2b: {  	_ =	swait.ge [sflag:s16], $0x4000  }
0x2c: {  	[sflag:s16] =	ssyncset.done $0x0  }
0x2d: {  	[sflag:s16] =	ssyncadd.s32 $0xFFFFC000  }
0x2e: {  	[hbm4b:s7+s2] =	stream.linear.scatter [tilespmem:s15], [sflag:$0x4], $0x4000, $0x38;
	[tilespmem:$0xDF40] =	vst v63  }
0x2f: {  	_ =	swait.ge [sflag:s22], $0x4000  }
0x30: {  	[sflag:s22] =	ssyncset.done $0x0  }
0x31: {  	[sflag:s22] =	ssyncadd.s32 $0xFFFFC000  }
0x32: {  	[tilespmem:s18], [sflag:$0x3] =	stream.indirect.gather [spmem:s1], $0x80, s23, s14, $0xb8;
	[tilespmem:$0xDF40] =	vst v63  }
0x33: {  	_ =	swait.ge [sflag:s19], $0x4000  }
0x34: {  	[sflag:s19] =	ssyncset.done $0x0  }
0x35: {  	[sflag:s19] =	ssyncadd.s32 $0xFFFFC000  }
0x36: {  	[hbm4b:s8+s2] =	stream.linear.scatter [tilespmem:s18], [sflag:$0x5], $0x4000, $0x38;
	[tilespmem:$0xDF40] =	vst v63  }
0x37: {  	_ =	swait.ge [sflag:s20], $0x4000  }
0x38: {  	[sflag:s20] =	ssyncset.done $0x0  }
0x39: {  	s26 =	simm.s32 $0x2140;
	[sflag:s20] =	ssyncadd.s32 $0xFFFFC000  }
0x3a: {  	[tilespmem:s15], [sflag:$0x2] =	stream.indirect.gather [spmem:s1], $0x80, s26, s14, $0xb8;
	[tilespmem:$0xDF40] =	vst v63  }
0x3b: {  	_ =	swait.ge [sflag:s16], $0x4000  }
0x3c: {  	s26 =	sadd.s32 $0x0, s10;
	[sflag:s16] =	ssyncset.done $0x0  }
0x3d: {  	s29 =	sadd.s32 $0x2000, s26;
	[sflag:s16] =	ssyncadd.s32 $0xFFFFC000  }
0x3e: {  	[hbm4b:s29+s2] =	stream.linear.scatter [tilespmem:s15], [sflag:$0x4], $0x4000, $0x38;
	[tilespmem:$0xDF40] =	vst v63  }
0x3f: {  	_ =	swait.ge [sflag:s22], $0x4000  }
0x40: {  	[sflag:s22] =	ssyncset.done $0x0  }
0x41: {  	s30 =	simm.s32 $0x21C0;
	[sflag:s22] =	ssyncadd.s32 $0xFFFFC000  }
0x42: {  	[tilespmem:s18], [sflag:$0x3] =	stream.indirect.gather [spmem:s1], $0x80, s30, s14, $0xb8;
	[tilespmem:$0xDF40] =	vst v63  }
0x43: {  	_ =	swait.ge [sflag:s19], $0x4000  }
0x44: {  	[sflag:s19] =	ssyncset.done $0x0  }
0x45: {  	s31 =	sadd.s32 $0x2800, s26;
	[sflag:s19] =	ssyncadd.s32 $0xFFFFC000  }
0x46: {  	[hbm4b:s31+s2] =	stream.linear.scatter [tilespmem:s18], [sflag:$0x5], $0x4000, $0x38;
	[tilespmem:$0xDF40] =	vst v63  }
0x47: {  	_ =	swait.ge [sflag:s20], $0x4000  }
0x48: {  	[sflag:s20] =	ssyncset.done $0x0  }
0x49: {  	s29 =	simm.s32 $0x2240;
	[sflag:s20] =	ssyncadd.s32 $0xFFFFC000  }
0x4a: {  	[tilespmem:s15], [sflag:$0x2] =	stream.indirect.gather [spmem:s1], $0x80, s29, s14, $0xb8;
	[tilespmem:$0xDF40] =	vst v63  }
0x4b: {  	_ =	swait.ge [sflag:s16], $0x4000  }
0x4c: {  	[sflag:s16] =	ssyncset.done $0x0  }
0x4d: {  	s30 =	sadd.s32 $0x3000, s26;
	[sflag:s16] =	ssyncadd.s32 $0xFFFFC000  }
0x4e: {  	[hbm4b:s30+s2] =	stream.linear.scatter [tilespmem:s15], [sflag:$0x4], $0x4000, $0x38;
	[tilespmem:$0xDF40] =	vst v63  }
0x4f: {  	_ =	swait.ge [sflag:s22], $0x4000  }
0x50: {  	[sflag:s22] =	ssyncset.done $0x0  }
0x51: {  	s31 =	simm.s32 $0x22C0;
	[sflag:s22] =	ssyncadd.s32 $0xFFFFC000  }
0x52: {  	[tilespmem:s18], [sflag:$0x3] =	stream.indirect.gather [spmem:s1], $0x80, s31, s14, $0xb8;
	[tilespmem:$0xDF40] =	vst v63  }
0x53: {  	_ =	swait.ge [sflag:s19], $0x4000  }
0x54: {  	s25 =	simm.s32 $0x2000;
	[sflag:s19] =	ssyncset.done $0x0  }
0x55: {  	s28 =	sadd.s32 $0x3800, s26;
	s26 =	simm.s32 $0x2340;
	[sflag:s19] =	ssyncadd.s32 $0xFFFFC000  }
.LBB2_2:
0x56: {  	[hbm4b:s28+s2] =	stream.linear.scatter [tilespmem:s18], [sflag:$0x5], $0x4000, $0x38;
	[tilespmem:$0xDF40] =	vst v63  }
0x57: {  	s28 =	smov.u32 s25  }
0x58: {  	p1 =	sne.s32 s25, $0x3C000;
	s25 =	sadd.s32 $0x2000, s25;
	_ =	swait.ge [sflag:s20], $0x4000  }
0x59: {  	[sflag:s20] =	ssyncset.done $0x0  }
0x5a: {  	[sflag:s20] =	ssyncadd.s32 $0xFFFFC000  }
0x5b: {  	[tilespmem:s15], [sflag:$0x2] =	stream.indirect.gather [spmem:s1], $0x80, s26, s14, $0xb8;
	[tilespmem:$0xDF40] =	vst v63  }
0x5c: {  	_ =	swait.ge [sflag:s16], $0x4000  }
0x5d: {  	s28 =	sadd.s32 s28, s10;
	[sflag:s16] =	ssyncset.done $0x0  }
0x5e: {  	s29 =	sadd.s32 $0x2000, s28;
	[sflag:s16] =	ssyncadd.s32 $0xFFFFC000  }
0x5f: {  	[hbm4b:s29+s2] =	stream.linear.scatter [tilespmem:s15], [sflag:$0x4], $0x4000, $0x38;
	[tilespmem:$0xDF40] =	vst v63  }
0x60: {  	_ =	swait.ge [sflag:s22], $0x4000  }
0x61: {  	[sflag:s22] =	ssyncset.done $0x0  }
0x62: {  	s29 =	sadd.s32 $0x80, s26;
	[sflag:s22] =	ssyncadd.s32 $0xFFFFC000  }
0x63: {  	[tilespmem:s18], [sflag:$0x3] =	stream.indirect.gather [spmem:s1], $0x80, s29, s14, $0xb8;
	[tilespmem:$0xDF40] =	vst v63  }
0x64: {  	_ =	swait.ge [sflag:s19], $0x4000  }
0x65: {  	[sflag:s19] =	ssyncset.done $0x0  }
0x66: {  	s29 =	sadd.s32 $0x2800, s28;
	[sflag:s19] =	ssyncadd.s32 $0xFFFFC000  }
0x67: {  	[hbm4b:s29+s2] =	stream.linear.scatter [tilespmem:s18], [sflag:$0x5], $0x4000, $0x38;
	[tilespmem:$0xDF40] =	vst v63  }
0x68: {  	_ =	swait.ge [sflag:s20], $0x4000  }
0x69: {  	[sflag:s20] =	ssyncset.done $0x0  }
0x6a: {  	s29 =	sadd.s32 $0x100, s26;
	[sflag:s20] =	ssyncadd.s32 $0xFFFFC000  }
0x6b: {  	[tilespmem:s15], [sflag:$0x2] =	stream.indirect.gather [spmem:s1], $0x80, s29, s14, $0xb8;
	[tilespmem:$0xDF40] =	vst v63  }
0x6c: {  	_ =	swait.ge [sflag:s16], $0x4000  }
0x6d: {  	[sflag:s16] =	ssyncset.done $0x0  }
0x6e: {  	s29 =	sadd.s32 $0x3000, s28;
	[sflag:s16] =	ssyncadd.s32 $0xFFFFC000  }
0x6f: {  	[hbm4b:s29+s2] =	stream.linear.scatter [tilespmem:s15], [sflag:$0x4], $0x4000, $0x38;
	[tilespmem:$0xDF40] =	vst v63  }
0x70: {  	_ =	swait.ge [sflag:s22], $0x4000  }
0x71: {  	[sflag:s22] =	ssyncset.done $0x0  }
.Ltmp0:
0x72: {  	s29 =	sadd.s32 $0x180, s26;
	[sflag:s22] =	ssyncadd.s32 $0xFFFFC000;
	(pc) =	sbr.rel @p1 .LBB2_2-.Ltmp0, $4  }
0x73: {  	[tilespmem:s18], [sflag:$0x3] =	stream.indirect.gather [spmem:s1], $0x80, s29, s14, $0xb8;
	[tilespmem:$0xDF40] =	vst v63  }
0x74: {  	_ =	swait.ge [sflag:s19], $0x4000  }
0x75: {  	[sflag:s19] =	ssyncset.done $0x0  }
0x76: {  	s28 =	sadd.s32 $0x3800, s28;
	s26 =	sadd.s32 $0x200, s26;
	[sflag:s19] =	ssyncadd.s32 $0xFFFFC000  }
0x77: {  	[hbm4b:s28+s2] =	stream.linear.scatter [tilespmem:s18], [sflag:$0x5], $0x4000, $0x38;
	[tilespmem:$0xDF40] =	vst v63  }
0x78: {  	s24 =	sadd.s32 $0x1, s24  }
0x79: {  	_ =	swait.ge [sflag:s20], $0x4000;
	p1 =	sne.s32 s24, s9  }
.Ltmp1:
0x7a: {  	[sflag:s20] =	ssyncset.done $0x0;
	(pc) =	sbr.rel @p1 .LBB2_1-.Ltmp1, $4  }
0x7b: {  	[sflag:s20] =	ssyncadd.s32 $0xFFFFC000  }
0x7c: {  	_ =	swait.ge [sflag:s22], $0x4000  }
0x7d: {  	[sflag:s22] =	ssyncset.done $0x0  }
0x7e: {  	[sflag:s22] =	ssyncadd.s32 $0xFFFFC000  }
0x7f: {  	_ =	sfence.sel $0x180000  }
0x80: {  	[bflag:$0x0] =	sbarrier.arrive $0xFFFF  }
0x81: {  	_ =	strace $0x9000004A  }
0x82: {  	s0 =	sadd.s32 @!p0 $0x100000, s0;
	[bflag:$0x2] =	sbarrier.arrive $0xFFFF  }
0x83: {  	[sflag:s0] =	ssyncadd.tile.s32 @!p0 $0x1;
	_ =	shalt  }
.Lfunc_end2:
_tile_overlayer_lowered:
.L_overlay_start_2:
0x84: {  	(tag) =	ssettag $0x2  }
0x85: {  	s0 =	rddreg [dreg:$0x0];
	s2 =	stileid.u32  }
0x86: {  	s1 =	rddreg [dreg:$0x1];
	p0 =	sne.s32 s2, $0x0  }
0x87: {  	s3 =	rddreg [dreg:$0x2];
	[bflag:$0x3] =	sbarrier.arrive $0xFFFF;
	s2 =	simm.s32 @!p0 $0x1C06  }
0x88: {  	[timem:s3], [sflag:s2] =	dma.local @!p0 [hbm:s0], s1  }
0x89: {  	s0 =	simm.s32 @!p0 $0x6  }
0x8a: {  	_ =	swait.ge @!p0 [sflag:s0], s1  }
0x8b: {  	s1 =	ssub.s32 @!p0 $0x0, s1;
	[sflag:s0] =	ssyncset.done @!p0 $0x0  }
0x8c: {  	[sflag:s0] =	ssyncadd.s32 @!p0 s1  }
0x8d: {  	[bflag:$0x3] =	sbarrier.arrive $0xFFFF  }
0x8e: {  	_ =	shalt  }

// kernel: kernel.19.cloned.1.call-start
scs
__scs_entry_jumppad:
0x0: {  	(pc) =	sbr.rel $0x88, $3  }
0x1: {  	(tag) =	ssettag $0x0;
	lr =	simm.s32 $0x1  }
0x2: {  	[smem:$0x3F99] =	sst lr;
	_ =	strace $0xD0000000  }
0x3: {  	_ = 	snop  }
0x4: {  	_ = 	snop  }
0x5: {  	_ = 	snop  }
0x6: {  	_ = 	snop  }
0x7: {  	_ = 	snop  }
__scs_overlays_trampoline_lowered:
0x8: {  	[smem:$0x3FA8] =	sst s0  }
0x9: {  	[smem:$0x3FA9] =	sst s1  }
0xa: {  	[smem:$0x3FAA] =	sst s2  }
0xb: {  	[smem:$0x3FAB] =	sst s3  }
0xc: {  	[smem:$0x3FAC] =	sst s4  }
0xd: {  	[smem:$0x3FAD] =	sst s5  }
0xe: {  	[smem:$0x3FAE] =	sst s6  }
0xf: {  	[smem:$0x3FAF] =	sst s7  }
0x10: {  	[smem:$0x3FB0] =	sst s8  }
0x11: {  	[smem:$0x3FB1] =	sst s9;
	s0 =	simm.s32 @!p0 $0x0  }
0x12: {  	s1 =	sld [smem:$0x3F97];
	s0 =	simm.s32 @p0 $0x1  }
0x13: {  	[smem:$0x3FB2] =	sst s0;
	s0 =	simm.s32 @!p1 $0x0  }
0x14: {  	s2 =	sld [smem:$0x3F96];
	s0 =	simm.s32 @p1 $0x1  }
0x15: {  	[smem:$0x3FB3] =	sst s0;
	s0 =	simm.s32 @!p2 $0x0  }
0x16: {  	s3 =	sld [smem:$0x3FDB];
	s0 =	simm.s32 @p2 $0x1  }
0x17: {  	s4 =	simm.s32 $0x1BF5;
	[smem:$0x3FB5] =	sst s0  }
0x18: {  	s0 =	sld [smem:$0x3F98];
	_ =	swait.ge [sflag:s4], $0x0  }
0x19: {  	s7 =	sld [smem:$0x3F99]  }
0x1a: {  	s8 =	sadd.s32 $0xFFFFE003, lr  }
0x1b: {  	s9 =	sadd.s32 $0xFFFFFEF7, lr;
	s5 =	simm.s32 $0xFFFFFFFF;
	p2 =	slt.u32 s8, $0xFFFFF086  }
0x1c: {  	p1 =	slt.u32 s9, $0xF7A;
	s5 =	simm.s32 @!p2 $0x0  }
0x1d: {  	s5 =	simm.s32 @p1 $0x1;
	p0 =	seq.s32 s7, s2  }
0x1e: {  	s7 =	smul.u32 @!p0 $0xF7A, s2;
	p2 =	seq.s32 @!p0 s5, $0x0  }
0x1f: {  	s9 =	smul.u32 $0xF7A, s1;
	s8 =	simm.s32 @!p0 $0x1BF5;
	p2 =	por !p2, p0  }
0x20: {  	[sflag:s8] =	ssyncset.s32 @!p0 $0xFFFFF086;
	s6 =	sadd.s32 @!p0 s3, s7;
	s7 =	simm.s32 @!p0 $0x108  }
0x21: {  	s3 =	sadd.s32 s3, s9;
	s6 =	sadd.s32 @!p0 $0x88, s6;
	s7 =	simm.s32 @p2 $0x1082  }
0x22: {  	[simem:s7], [sflag:s8] =	dma.local @!p0 [hbm:s6], $0xF7A  }
0x23: {  	s9 =	sor.u32 $0xD0000000, s2;
	s6 =	simm.s32 $0x108;
	_ =	swait.ge @!p0 [sflag:s8], $0x0  }
0x24: {  	s3 =	sadd.s32 $0x88, s3;
	s6 =	simm.s32 @!p1 $0x1082;
	[sflag:s4] =	ssyncset.s32 $0xFFFFF086  }
0x25: {  	[simem:s6], [sflag:s4] =	dma.local [hbm:s3], $0xF7A  }
0x26: {  	[smem:$0x3F99] =	sst s1;
	(tag) =	ssettag s2;
	_ =	strace s9  }
0x27: {  	s1 =	sld [smem:$0x3FA9]  }
0x28: {  	s2 =	sld [smem:$0x3FAA]  }
0x29: {  	s4 =	sld [smem:$0x3FAC]  }
0x2a: {  	p0 =	seq.s32 s5, $0x0;
	s5 =	sld [smem:$0x3FAD]  }
0x2b: {  	s6 =	sld [smem:$0x3FAE]  }
0x2c: {  	s7 =	sld [smem:$0x3FAF]  }
0x2d: {  	s3 =	simm.s32 $0x108;
	s8 =	sld [smem:$0x3FB0]  }
0x2e: {  	s3 =	simm.s32 @!p0 $0x1082;
	s9 =	sld [smem:$0x3FB1]  }
0x2f: {  	lr =	sadd.s32 s0, s3;
	s0 =	sld [smem:$0x3FA8]  }
0x30: {  	s3 =	sld [smem:$0x3FAB]  }
0x31: {  	[smem:$0x3FB4] =	sst s10  }
0x32: {  	s10 =	sld [smem:$0x3FB2];
	_ =	sdelay $0x3  }
0x33: {  	p0 =	seq.s32 s10, $0x1;
	s10 =	sld [smem:$0x3FB4];
	_ =	sdelay $0x3  }
0x34: {  	[smem:$0x3FB4] =	sst s10  }
0x35: {  	s10 =	sld [smem:$0x3FB3];
	_ =	sdelay $0x3  }
0x36: {  	p1 =	seq.s32 s10, $0x1;
	s10 =	sld [smem:$0x3FB4];
	_ =	sdelay $0x3  }
0x37: {  	[smem:$0x3FB4] =	sst s10  }
0x38: {  	s10 =	sld [smem:$0x3FB5]  }
0x39: {  	_ = 	snop;
	(pc) =	sbr.ind lr, $3  }
0x3a: {  	_ = 	snop  }
0x3b: {  	_ = 	snop  }
0x3c: {  	p2 =	seq.s32 s10, $0x1;
	s10 =	sld [smem:$0x3FB4]  }
0x3d: {  	_ =	shalt  }
0x3e: {  	_ =	shalt  }
0x3f: {  	_ =	shalt  }
0x40: {  	_ =	shalt  }
0x41: {  	_ =	shalt  }
0x42: {  	_ =	shalt  }
0x43: {  	_ =	shalt  }
0x44: {  	_ =	shalt  }
0x45: {  	_ =	shalt  }
0x46: {  	_ =	shalt  }
0x47: {  	_ =	shalt  }
0x48: {  	_ =	shalt  }
0x49: {  	_ =	shalt  }
0x4a: {  	_ =	shalt  }
0x4b: {  	_ =	shalt  }
0x4c: {  	_ =	shalt  }
0x4d: {  	_ =	shalt  }
0x4e: {  	_ =	shalt  }
0x4f: {  	_ =	shalt  }
0x50: {  	_ =	shalt  }
0x51: {  	_ =	shalt  }
0x52: {  	_ =	shalt  }
0x53: {  	_ =	shalt  }
0x54: {  	_ =	shalt  }
0x55: {  	_ =	shalt  }
0x56: {  	_ =	shalt  }
0x57: {  	_ =	shalt  }
0x58: {  	_ =	shalt  }
0x59: {  	_ =	shalt  }
0x5a: {  	_ =	shalt  }
0x5b: {  	_ =	shalt  }
0x5c: {  	_ =	shalt  }
0x5d: {  	_ =	shalt  }
0x5e: {  	_ =	shalt  }
0x5f: {  	_ =	shalt  }
0x60: {  	_ =	shalt  }
0x61: {  	_ =	shalt  }
0x62: {  	_ =	shalt  }
0x63: {  	_ =	shalt  }
0x64: {  	_ =	shalt  }
0x65: {  	_ =	shalt  }
0x66: {  	_ =	shalt  }
0x67: {  	_ =	shalt  }
0x68: {  	_ =	shalt  }
0x69: {  	_ =	shalt  }
0x6a: {  	_ =	shalt  }
0x6b: {  	_ =	shalt  }
0x6c: {  	_ =	shalt  }
0x6d: {  	_ =	shalt  }
0x6e: {  	_ =	shalt  }
0x6f: {  	_ =	shalt  }
0x70: {  	_ =	shalt  }
0x71: {  	_ =	shalt  }
0x72: {  	_ =	shalt  }
0x73: {  	_ =	shalt  }
0x74: {  	_ =	shalt  }
0x75: {  	_ =	shalt  }
0x76: {  	_ =	shalt  }
0x77: {  	_ =	shalt  }
0x78: {  	_ =	shalt  }
0x79: {  	_ =	shalt  }
0x7a: {  	_ =	shalt  }
0x7b: {  	_ =	shalt  }
0x7c: {  	_ =	shalt  }
0x7d: {  	_ =	shalt  }
0x7e: {  	_ =	shalt  }
0x7f: {  	_ =	shalt  }
0x80: {  	_ =	shalt  }
0x81: {  	_ =	shalt  }
0x82: {  	_ =	shalt  }
0x83: {  	_ =	shalt  }
0x84: {  	_ =	shalt  }
0x85: {  	_ =	shalt  }
0x86: {  	_ =	shalt  }
0x87: {  	_ =	shalt  }
.Lfunc_end0:
.L_simem_size_0:
called_computation.3_lowered:
.L_overlay_start_0:
0x88: {  	s2 =	sld [smem:$0x3FD9]  }
0x89: {  	s3 =	sld [smem:$0x3FFE];
	_ =	sdelay $0x1  }
0x8a: {  	s1 =	srdreg.scid  }
0x8b: {  	s0 =	sand.u32 $0x1, s1  }
0x8c: {  	s17 =	sshll.u32 s0, $0xA;
	s2 =	sadd.s32 s3, s2  }
0x8d: {  	s2 =	sadd.s32 s2, s17  }
0x8e: {  	[smem:$0x3FC0] =	sst s2  }
0x8f: {  	_ = 	snop  }
0x90: {  	(tm) =	ssettm $0x1  }
0x91: {  	s18 =	sld [smem:$0x3FFB];
	_ =	sdelay $0x3  }
0x92: {  	_ =	strace s18  }
0x93: {  	s2 =	sld [smem:$0x3FFC];
	_ =	sdelay $0x3  }
0x94: {  	_ =	strace s2  }
0x95: {  	s2 =	sld [smem:$0x3FFD];
	_ =	sdelay $0x3  }
0x96: {  	_ =	strace s2  }
0x97: {  	_ =	strace $0x8FFFFFFF  }
0x98: {  	s19 =	sld [smem:$0x3FDB];
	_ =	sdelay $0x1  }
0x99: {  	s20 =	simm.s32 $_scs_section_size  }
0x9a: {  	s4 =	simm.s32 $_size__tile_overlayer_lowered;
	s5 =	simm.s32 $_tile_overlayer_lowered  }
0x9b: {  	s6 =	simm.s32 $0x1BFF;
	s21 =	sshll.u32 s5, $0x1;
	s3 =	sadd.s32 s20, s19  }
0x9c: {  	s22 =	simm.s32 $0x0;
	s4 =	sshll.u32 s4, $0x1;
	s5 =	sadd.s32 s21, s3  }
0x9d: {  	[timem:s22], [sflag:s6] =	dma.local [hbm:s5], s4  }
0x9e: {  	_ =	swait.ge [sflag:s6], s4  }
0x9f: {  	s4 =	ssub.s32 $0x0, s4;
	[sflag:s6] =	ssyncset.done $0x0  }
0xa0: {  	[sflag:s6] =	ssyncadd.s32 s4;
	_ =	sdelay $0x1  }
0xa1: {  	s23 =	simm.s32 $0x1B8B  }
0xa2: {  	_ =	swait.ge [sflag:s23], $0x1  }
0xa3: {  	[sflag:s23] =	ssyncset.done $0x0  }
0xa4: {  	[sflag:s23] =	ssyncadd.s32 $0xFFFFFFFF  }
0xa5: {  	s4 =	sld [smem:$0x0]  }
0xa6: {  	s5 =	sand.u32 $0xFFFFFFFE, s1  }
0xa7: {  	p0 =	sne.s32 s1, s5  }
0xa8: {  	s5 =	sshll.u32 @p0 s5, $0xE  }
0xa9: {  	s5 =	sadd.s32 @p0 $0x11B8D, s5;
	s6 =	sshll.u32 @p0 s4, $0x11  }
0xaa: {  	s5 =	sor.u32 @p0 s6, s5  }
0xab: {  	[sflag:s5] =	ssyncadd.remote.s32 @p0 $0x1;
	_ =	sdelay $0x1  }
0xac: {  	s5 =	simm.s32 @p0 $0x1B8D  }
0xad: {  	_ =	swait.eq @p0 [sflag:s5], $0x1  }
0xae: {  	[sflag:s5] =	ssyncadd.s32 @p0 $0xFFFFFFFF  }
0xaf: {  	s6 =	sshll.u32 @!p0 s1, $0xE  }
0xb0: {  	s6 =	sor.u32 @!p0 $0x4000, s6;
	s5 =	simm.s32 @!p0 $0x1B8D  }
0xb1: {  	s4 =	sshll.u32 @!p0 s4, $0x11;
	s6 =	sadd.s32 @!p0 $0x11B8D, s6;
	_ =	swait.eq @!p0 [sflag:s5], $0x1  }
0xb2: {  	s4 =	sor.u32 @!p0 s4, s6;
	[sflag:s5] =	ssyncadd.s32 @!p0 $0xFFFFFFFF  }
0xb3: {  	s25 =	simm.s32 $0x1B8E;
	s24 =	sld [smem:$0x3FFE];
	[sflag:s4] =	ssyncadd.remote.s32 @!p0 $0x1  }
0xb4: {  	s26 =	simm.s32 $execute0_lowered;
	[smem:$0x3FD2] =	sst s25  }
0xb5: {  	s5 =	sshll.u32 s26, $0x1;
	_ =	strace $0x8000004C;
	[dreg:$0x1] =	wrdreg $0xFFFFFFFF  }
0xb6: {  	s28 =	simm.s32 $_size_execute0_lowered;
	s3 =	sadd.s32 s3, s5;
	[dreg:$0x0] =	wrdreg $0x0  }
0xb7: {  	s5 =	sshll.u32 s28, $0x1;
	[dreg:$0x2] =	wrdreg s3  }
0xb8: {  	[dreg:$0x3] =	wrdreg s5  }
0xb9: {  	[dreg:$0x4] =	wrdreg $0xC0  }
0xba: {  	_ =	task [dreg:s22], $0x5FFFF  }
0xbb: {  	[dreg:$0x1] =	wrdreg $0xFFFFFFFF  }
0xbc: {  	[dreg:$0x0] =	wrdreg $0x60  }
0xbd: {  	[dreg:$0x2] =	wrdreg s24  }
0xbe: {  	[dreg:$0x3] =	wrdreg $0x0  }
0xbf: {  	[dreg:$0x4] =	wrdreg $0xC  }
0xc0: {  	_ =	task.clear_ibuf [dreg:s22], $0x5FFFF;
	_ =	strace $0x9000004C  }
0xc1: {  	s29 =	simm.s32 $0xC;
	_ =	strace $0x8000004E  }
0xc2: {  	_ =	swait.ge [sflag:s29], $0x1  }
0xc3: {  	[sflag:s29] =	ssyncadd.s32 $0xFFFFFFFF  }
0xc4: {  	_ =	strace $0x9000004E  }
0xc5: {  	_ =	sfence  }
0xc6: {  	s30 =	sld [smem:$0x0];
	_ =	sdelay $0x2  }
0xc7: {  	s31 =	sshll.u32 s1, $0xD;
	s1 =	sshrl.u32 s1, $0x2  }
0xc8: {  	s4 =	sand.u32 $0x4000, s31;
	s1 =	sadd.s32 s1, s30  }
0xc9: {  	s0 =	sor.u32 s4, s0;
	s1 =	sshll.u32 s1, $0x11  }
0xca: {  	s0 =	sor.u32 s1, s0  }
0xcb: {  	s0 =	sadd.s32 $0x8F2B, s0  }
0xcc: {  	[sflag:s0] =	ssyncadd.remote.s32 $0x1  }
0xcd: {  	_ =	sfence.sel $0xFFFF  }
0xce: {  	[dreg:$0x0] =	wrdreg $0xFFFFFFFF;
	(pc) =	sbr.abs _section_cstart, $3  }
0xcf: {  	[dreg:$0x1] =	wrdreg $0xFFFFFFFF  }
0xd0: {  	_ =	task.clear_ibuf [dreg:s22], $0x2FFFF;
	_ =	strace $0x9FFFFFFF  }
0xd1: {  	(tm) =	ssettm $0x7FFFFFFF  }
tec
execute0_lowered:
.L_overlay_start_1:
0x0: {  	(tag) =	ssettag $0x1  }
0x1: {  	s0 =	srdreg.scid  }
0x2: {  	s3 =	rddreg [dreg:$0x0];
	s10 =	stileid.u32  }
0x3: {  	s1 =	rddreg [dreg:$0x1];
	s2 =	simm.s32 $0x0;
	s14 =	simm.s32 $0x80  }
0x4: {  	s15 =	simm.s32 $0x5F40;
	s16 =	simm.s32 $0x2;
	s17 =	simm.s32 $0x1FC0  }
0x5: {  	s18 =	simm.s32 $0x9F40;
	s19 =	simm.s32 $0x3;
	s20 =	simm.s32 $0x4  }
0x6: {  	s21 =	simm.s32 $0x2040;
	s22 =	simm.s32 $0x5;
	s23 =	simm.s32 $0x20C0  }
0x7: {  	s24 =	simm.s32 $0x0;
	s11 =	sand.u32 $0x1, s0;
	s0 =	rddreg [dreg:$0x2]  }
0x8: {  	s4 =	sshll.u32 s10, $0x6;
	[smem:$0x7FF] =	sst s2;
	s12 =	sadd.s32 $0x1037000, s3  }
0x9: {  	s13 =	sshll.u32 s10, $0x13;
	p0 =	sne.s32 s10, $0x0;
	s5 =	sshll.u32 s11, $0x5  }
0xa: {  	_ =	strace $0x8000004D;
	s6 =	ssub.s32 $0x2, s11;
	s4 =	sor.u32 s5, s4  }
0xb: {  	s11 =	sshll.u32 s11, $0x12;
	s7 =	sshrl.u32 s6, $0x1;
	s5 =	sshll.u32 s4, $0x6  }
0xc: {  	s4 =	sshll.u32 s4, $0xD;
	s9 =	ssub.s32 s6, s7;
	s5 =	sadd.s32 s5, s3  }
0xd: {  	s3 =	sadd.s32 $0x33000, s3;
	s4 =	sadd.s32 s12, s4;
	s9 =	smax.u32 s9, $0x1  }
0xe: {  	s12 =	sadd.s32 s13, s12;
	s13 =	simm.s32 $0x6;
	s5 =	sadd.s32 $0x13000, s5  }
0xf: {  	s6 =	sadd.s32 $0x800, s4;
	s7 =	sadd.s32 $0x1000, s4;
	s8 =	sadd.s32 $0x1800, s4  }
0x10: {  	s10 =	sadd.s32 s11, s12;
	s11 =	sshrl.u32 @!p0 s1, $0x3;
	s12 =	simm.s32 $0x1F40  }
.LBB2_1:
0x11: {  	s25 =	simm.s32 @!p0 $0x1C01  }
0x12: {  	[spmem:s11], [sflag:s25] =	dma.local @!p0 [hbm:s3], $0x3E80  }
0x13: {  	s25 =	simm.s32 @!p0 $0x1  }
0x14: {  	_ =	swait.ge @!p0 [sflag:s25], $0x3E80  }
0x15: {  	[sflag:s25] =	ssyncset.done @!p0 $0x0  }
0x16: {  	[sflag:s25] =	ssyncadd.s32 @!p0 $0xFFFFC180  }
0x17: {  	[bflag:$0x0] =	sbarrier.arrive $0xFFFF  }
0x18: {  	[tilespmem:s12], [sflag:$0x6] =	stream.linear.gather [hbm4b:s5+s2], $0x4000, $0x38;
	[tilespmem:$0xDF40] =	vst v63  }
0x19: {  	_ =	swait.ge [sflag:s13], $0x4000  }
0x1a: {  	[sflag:s13] =	ssyncset.done $0x0  }
0x1b: {  	[sflag:s13] =	ssyncadd.s32 $0xFFFFC000  }
0x1c: {  	[tilespmem:s15], [sflag:$0x2] =	stream.indirect.gather [spmem:s1], $0x80, s12, s14, $0xb8;
	[tilespmem:$0xDF40] =	vst v63  }
0x1d: {  	_ =	swait.ge [sflag:s16], $0x4000  }
0x1e: {  	[sflag:s16] =	ssyncset.done $0x0  }
0x1f: {  	[sflag:s16] =	ssyncadd.s32 $0xFFFFC000  }
0x20: {  	[hbm4b:s4+s2] =	stream.linear.scatter [tilespmem:s15], [sflag:$0x4], $0x4000, $0x38;
	[tilespmem:$0xDF40] =	vst v63  }
0x21: {  	_ = 	snop  }
0x22: {  	[tilespmem:s18], [sflag:$0x3] =	stream.indirect.gather [spmem:s1], $0x80, s17, s14, $0xb8;
	[tilespmem:$0xDF40] =	vst v63  }
0x23: {  	_ =	swait.ge [sflag:s19], $0x4000  }
0x24: {  	[sflag:s19] =	ssyncset.done $0x0  }
0x25: {  	[sflag:s19] =	ssyncadd.s32 $0xFFFFC000  }
0x26: {  	[hbm4b:s6+s2] =	stream.linear.scatter [tilespmem:s18], [sflag:$0x5], $0x4000, $0x38;
	[tilespmem:$0xDF40] =	vst v63  }
0x27: {  	_ =	swait.ge [sflag:s20], $0x4000  }
0x28: {  	[sflag:s20] =	ssyncset.done $0x0  }
0x29: {  	[sflag:s20] =	ssyncadd.s32 $0xFFFFC000  }
0x2a: {  	[tilespmem:s15], [sflag:$0x2] =	stream.indirect.gather [spmem:s1], $0x80, s21, s14, $0xb8;
	[tilespmem:$0xDF40] =	vst v63  }
0x2b: {  	_ =	swait.ge [sflag:s16], $0x4000  }
0x2c: {  	[sflag:s16] =	ssyncset.done $0x0  }
0x2d: {  	[sflag:s16] =	ssyncadd.s32 $0xFFFFC000  }
0x2e: {  	[hbm4b:s7+s2] =	stream.linear.scatter [tilespmem:s15], [sflag:$0x4], $0x4000, $0x38;
	[tilespmem:$0xDF40] =	vst v63  }
0x2f: {  	_ =	swait.ge [sflag:s22], $0x4000  }
0x30: {  	[sflag:s22] =	ssyncset.done $0x0  }
0x31: {  	[sflag:s22] =	ssyncadd.s32 $0xFFFFC000  }
0x32: {  	[tilespmem:s18], [sflag:$0x3] =	stream.indirect.gather [spmem:s1], $0x80, s23, s14, $0xb8;
	[tilespmem:$0xDF40] =	vst v63  }
0x33: {  	_ =	swait.ge [sflag:s19], $0x4000  }
0x34: {  	[sflag:s19] =	ssyncset.done $0x0  }
0x35: {  	[sflag:s19] =	ssyncadd.s32 $0xFFFFC000  }
0x36: {  	[hbm4b:s8+s2] =	stream.linear.scatter [tilespmem:s18], [sflag:$0x5], $0x4000, $0x38;
	[tilespmem:$0xDF40] =	vst v63  }
0x37: {  	_ =	swait.ge [sflag:s20], $0x4000  }
0x38: {  	[sflag:s20] =	ssyncset.done $0x0  }
0x39: {  	s26 =	simm.s32 $0x2140;
	[sflag:s20] =	ssyncadd.s32 $0xFFFFC000  }
0x3a: {  	[tilespmem:s15], [sflag:$0x2] =	stream.indirect.gather [spmem:s1], $0x80, s26, s14, $0xb8;
	[tilespmem:$0xDF40] =	vst v63  }
0x3b: {  	_ =	swait.ge [sflag:s16], $0x4000  }
0x3c: {  	s26 =	sadd.s32 $0x0, s10;
	[sflag:s16] =	ssyncset.done $0x0  }
0x3d: {  	s29 =	sadd.s32 $0x2000, s26;
	[sflag:s16] =	ssyncadd.s32 $0xFFFFC000  }
0x3e: {  	[hbm4b:s29+s2] =	stream.linear.scatter [tilespmem:s15], [sflag:$0x4], $0x4000, $0x38;
	[tilespmem:$0xDF40] =	vst v63  }
0x3f: {  	_ =	swait.ge [sflag:s22], $0x4000  }
0x40: {  	[sflag:s22] =	ssyncset.done $0x0  }
0x41: {  	s30 =	simm.s32 $0x21C0;
	[sflag:s22] =	ssyncadd.s32 $0xFFFFC000  }
0x42: {  	[tilespmem:s18], [sflag:$0x3] =	stream.indirect.gather [spmem:s1], $0x80, s30, s14, $0xb8;
	[tilespmem:$0xDF40] =	vst v63  }
0x43: {  	_ =	swait.ge [sflag:s19], $0x4000  }
0x44: {  	[sflag:s19] =	ssyncset.done $0x0  }
0x45: {  	s31 =	sadd.s32 $0x2800, s26;
	[sflag:s19] =	ssyncadd.s32 $0xFFFFC000  }
0x46: {  	[hbm4b:s31+s2] =	stream.linear.scatter [tilespmem:s18], [sflag:$0x5], $0x4000, $0x38;
	[tilespmem:$0xDF40] =	vst v63  }
0x47: {  	_ =	swait.ge [sflag:s20], $0x4000  }
0x48: {  	[sflag:s20] =	ssyncset.done $0x0  }
0x49: {  	s29 =	simm.s32 $0x2240;
	[sflag:s20] =	ssyncadd.s32 $0xFFFFC000  }
0x4a: {  	[tilespmem:s15], [sflag:$0x2] =	stream.indirect.gather [spmem:s1], $0x80, s29, s14, $0xb8;
	[tilespmem:$0xDF40] =	vst v63  }
0x4b: {  	_ =	swait.ge [sflag:s16], $0x4000  }
0x4c: {  	[sflag:s16] =	ssyncset.done $0x0  }
0x4d: {  	s30 =	sadd.s32 $0x3000, s26;
	[sflag:s16] =	ssyncadd.s32 $0xFFFFC000  }
0x4e: {  	[hbm4b:s30+s2] =	stream.linear.scatter [tilespmem:s15], [sflag:$0x4], $0x4000, $0x38;
	[tilespmem:$0xDF40] =	vst v63  }
0x4f: {  	_ =	swait.ge [sflag:s22], $0x4000  }
0x50: {  	[sflag:s22] =	ssyncset.done $0x0  }
0x51: {  	s31 =	simm.s32 $0x22C0;
	[sflag:s22] =	ssyncadd.s32 $0xFFFFC000  }
0x52: {  	[tilespmem:s18], [sflag:$0x3] =	stream.indirect.gather [spmem:s1], $0x80, s31, s14, $0xb8;
	[tilespmem:$0xDF40] =	vst v63  }
0x53: {  	_ =	swait.ge [sflag:s19], $0x4000  }
0x54: {  	s25 =	simm.s32 $0x2000;
	[sflag:s19] =	ssyncset.done $0x0  }
0x55: {  	s28 =	sadd.s32 $0x3800, s26;
	s26 =	simm.s32 $0x2340;
	[sflag:s19] =	ssyncadd.s32 $0xFFFFC000  }
.LBB2_2:
0x56: {  	[hbm4b:s28+s2] =	stream.linear.scatter [tilespmem:s18], [sflag:$0x5], $0x4000, $0x38;
	[tilespmem:$0xDF40] =	vst v63  }
0x57: {  	s28 =	smov.u32 s25  }
0x58: {  	p1 =	sne.s32 s25, $0x3C000;
	s25 =	sadd.s32 $0x2000, s25;
	_ =	swait.ge [sflag:s20], $0x4000  }
0x59: {  	[sflag:s20] =	ssyncset.done $0x0  }
0x5a: {  	[sflag:s20] =	ssyncadd.s32 $0xFFFFC000  }
0x5b: {  	[tilespmem:s15], [sflag:$0x2] =	stream.indirect.gather [spmem:s1], $0x80, s26, s14, $0xb8;
	[tilespmem:$0xDF40] =	vst v63  }
0x5c: {  	_ =	swait.ge [sflag:s16], $0x4000  }
0x5d: {  	s28 =	sadd.s32 s28, s10;
	[sflag:s16] =	ssyncset.done $0x0  }
0x5e: {  	s29 =	sadd.s32 $0x2000, s28;
	[sflag:s16] =	ssyncadd.s32 $0xFFFFC000  }
0x5f: {  	[hbm4b:s29+s2] =	stream.linear.scatter [tilespmem:s15], [sflag:$0x4], $0x4000, $0x38;
	[tilespmem:$0xDF40] =	vst v63  }
0x60: {  	_ =	swait.ge [sflag:s22], $0x4000  }
0x61: {  	[sflag:s22] =	ssyncset.done $0x0  }
0x62: {  	s29 =	sadd.s32 $0x80, s26;
	[sflag:s22] =	ssyncadd.s32 $0xFFFFC000  }
0x63: {  	[tilespmem:s18], [sflag:$0x3] =	stream.indirect.gather [spmem:s1], $0x80, s29, s14, $0xb8;
	[tilespmem:$0xDF40] =	vst v63  }
0x64: {  	_ =	swait.ge [sflag:s19], $0x4000  }
0x65: {  	[sflag:s19] =	ssyncset.done $0x0  }
0x66: {  	s29 =	sadd.s32 $0x2800, s28;
	[sflag:s19] =	ssyncadd.s32 $0xFFFFC000  }
0x67: {  	[hbm4b:s29+s2] =	stream.linear.scatter [tilespmem:s18], [sflag:$0x5], $0x4000, $0x38;
	[tilespmem:$0xDF40] =	vst v63  }
0x68: {  	_ =	swait.ge [sflag:s20], $0x4000  }
0x69: {  	[sflag:s20] =	ssyncset.done $0x0  }
0x6a: {  	s29 =	sadd.s32 $0x100, s26;
	[sflag:s20] =	ssyncadd.s32 $0xFFFFC000  }
0x6b: {  	[tilespmem:s15], [sflag:$0x2] =	stream.indirect.gather [spmem:s1], $0x80, s29, s14, $0xb8;
	[tilespmem:$0xDF40] =	vst v63  }
0x6c: {  	_ =	swait.ge [sflag:s16], $0x4000  }
0x6d: {  	[sflag:s16] =	ssyncset.done $0x0  }
0x6e: {  	s29 =	sadd.s32 $0x3000, s28;
	[sflag:s16] =	ssyncadd.s32 $0xFFFFC000  }
0x6f: {  	[hbm4b:s29+s2] =	stream.linear.scatter [tilespmem:s15], [sflag:$0x4], $0x4000, $0x38;
	[tilespmem:$0xDF40] =	vst v63  }
0x70: {  	_ =	swait.ge [sflag:s22], $0x4000  }
0x71: {  	[sflag:s22] =	ssyncset.done $0x0  }
.Ltmp0:
0x72: {  	s29 =	sadd.s32 $0x180, s26;
	[sflag:s22] =	ssyncadd.s32 $0xFFFFC000;
	(pc) =	sbr.rel @p1 .LBB2_2-.Ltmp0, $4  }
0x73: {  	[tilespmem:s18], [sflag:$0x3] =	stream.indirect.gather [spmem:s1], $0x80, s29, s14, $0xb8;
	[tilespmem:$0xDF40] =	vst v63  }
0x74: {  	_ =	swait.ge [sflag:s19], $0x4000  }
0x75: {  	[sflag:s19] =	ssyncset.done $0x0  }
0x76: {  	s28 =	sadd.s32 $0x3800, s28;
	s26 =	sadd.s32 $0x200, s26;
	[sflag:s19] =	ssyncadd.s32 $0xFFFFC000  }
0x77: {  	[hbm4b:s28+s2] =	stream.linear.scatter [tilespmem:s18], [sflag:$0x5], $0x4000, $0x38;
	[tilespmem:$0xDF40] =	vst v63  }
0x78: {  	s24 =	sadd.s32 $0x1, s24  }
0x79: {  	_ =	swait.ge [sflag:s20], $0x4000;
	p1 =	sne.s32 s24, s9  }
.Ltmp1:
0x7a: {  	[sflag:s20] =	ssyncset.done $0x0;
	(pc) =	sbr.rel @p1 .LBB2_1-.Ltmp1, $4  }
0x7b: {  	[sflag:s20] =	ssyncadd.s32 $0xFFFFC000  }
0x7c: {  	_ =	swait.ge [sflag:s22], $0x4000  }
0x7d: {  	[sflag:s22] =	ssyncset.done $0x0  }
0x7e: {  	[sflag:s22] =	ssyncadd.s32 $0xFFFFC000  }
0x7f: {  	_ =	sfence.sel $0x180000  }
0x80: {  	[bflag:$0x0] =	sbarrier.arrive $0xFFFF  }
0x81: {  	_ =	strace $0x9000004D  }
0x82: {  	s0 =	sadd.s32 @!p0 $0x100000, s0;
	[bflag:$0x2] =	sbarrier.arrive $0xFFFF  }
0x83: {  	[sflag:s0] =	ssyncadd.tile.s32 @!p0 $0x1;
	_ =	shalt  }
.Lfunc_end2:
_tile_overlayer_lowered:
.L_overlay_start_2:
0x84: {  	(tag) =	ssettag $0x2  }
0x85: {  	s0 =	rddreg [dreg:$0x0];
	s2 =	stileid.u32  }
0x86: {  	s1 =	rddreg [dreg:$0x1];
	p0 =	sne.s32 s2, $0x0  }
0x87: {  	s3 =	rddreg [dreg:$0x2];
	[bflag:$0x3] =	sbarrier.arrive $0xFFFF;
	s2 =	simm.s32 @!p0 $0x1C06  }
0x88: {  	[timem:s3], [sflag:s2] =	dma.local @!p0 [hbm:s0], s1  }
0x89: {  	s0 =	simm.s32 @!p0 $0x6  }
0x8a: {  	_ =	swait.ge @!p0 [sflag:s0], s1  }
0x8b: {  	s1 =	ssub.s32 @!p0 $0x0, s1;
	[sflag:s0] =	ssyncset.done @!p0 $0x0  }
0x8c: {  	[sflag:s0] =	ssyncadd.s32 @!p0 s1  }
0x8d: {  	[bflag:$0x3] =	sbarrier.arrive $0xFFFF  }
0x8e: {  	_ =	shalt  }

</sc_bundles>
